<compile_context>
chip_gen: v7x
topology: tpu7x:2x2x1
jax: 0.10.2.dev20260603
libtpu: 0.0.44.dev20260713+nightly
codegen_flags: <defaults>
</compile_context>

<pallas_src>
import functools

import jax
import jax.numpy as jnp
from jax import lax
from jax.experimental import pallas as pl
from jax.experimental.pallas import tpu as pltpu
from jax.experimental.pallas import tpu_sc as plsc

B = 16
N = 8192
C = 3
G = 512
K = 32
L = 16
NCHUNK = N // L
BIG_I = 1 << 30


def _iota():
    return lax.iota(jnp.int32, L)


def _splat_f(x):
    return jnp.full((L,), x, dtype=jnp.float32)


def _splat_i(x):
    return jnp.full((L,), x, dtype=jnp.int32)


def _round_bf16(v):
    u = plsc.bitcast(v, jnp.int32)
    r = (u + 0x7FFF + ((u >> 16) & 1)) & -65536
    return plsc.bitcast(r, jnp.float32)


def _permute(x, idx):
    dn = lax.GatherDimensionNumbers(
        offset_dims=(), collapsed_slice_dims=(0,), start_index_map=(0,)
    )
    return lax.gather(
        x, idx[:, None], dn, slice_sizes=(1,),
        mode=lax.GatherScatterMode.PROMISE_IN_BOUNDS,
    )


def _lex_lt(ka, ia, kb, ib):
    return (ka < kb) | ((ka == kb) & (ia < ib))


def _merge16(ak, ai, bk, bi):
    revp = L - 1 - _iota()
    brk = _permute(bk, revp)
    bri = _permute(bi, revp)
    sel = _lex_lt(ak, ai, brk, bri)
    lok = jnp.where(sel, ak, brk)
    loi = jnp.where(sel, ai, bri)
    hik = jnp.where(sel, brk, ak)
    hii = jnp.where(sel, bri, ai)

    def clean(k, i):
        for s in (8, 4, 2, 1):
            p = _iota() ^ s
            upper = (_iota() & s) != 0
            pk = _permute(k, p)
            pi = _permute(i, p)
            small = _lex_lt(k, i, pk, pi)
            keep = small ^ upper
            k = jnp.where(keep, k, pk)
            i = jnp.where(keep, i, pi)
        return k, i

    lok, loi = clean(lok, loi)
    hik, hii = clean(hik, hii)
    return lok, loi, hik, hii


def _top32_insert(carry, ck, ci):
    ak, ai, bk, bi = carry
    mlo_k, mlo_i, _, _ = _merge16(bk, bi, ck, ci)
    return _merge16(ak, ai, mlo_k, mlo_i)




def _fps_body(pts_hbm, ctr_hbm, xr, yr, zr, dr, cb):
    w = lax.axis_index("s") * 2 + lax.axis_index("c")

    @pl.when(w < B)
    def _():
        b = w
        pltpu.sync_copy(pts_hbm.at[pl.ds((b * 3 + 0) * N, N)], xr)
        pltpu.sync_copy(pts_hbm.at[pl.ds((b * 3 + 1) * N, N)], yr)
        pltpu.sync_copy(pts_hbm.at[pl.ds((b * 3 + 2) * N, N)], zr)

        @plsc.parallel_loop(0, NCHUNK, unroll=8)
        def _init(j):
            dr[pl.ds(j * L, L)] = _splat_f(1e10)

        iota = _iota()
        lane0 = iota == 0
        lane1 = iota == 1
        mask3 = iota < 3

        def step(s, fvec):
            cx = plsc.load_gather(xr, [fvec])
            cy = plsc.load_gather(yr, [fvec])
            cz = plsc.load_gather(zr, [fvec])
            v3 = jnp.where(lane0, cx, jnp.where(lane1, cy, cz))
            plsc.store_scatter(cb, [_splat_i(3 * s) + iota], v3, mask=mask3)

            def chunk(j, st):
                bestv, besti = st
                ds_ = pl.ds(j * L, L)
                dx = xr[ds_] - cx
                dy = yr[ds_] - cy
                dz = zr[ds_] - cz
                d = (dx * dx + dy * dy) + dz * dz
                dm = jnp.minimum(dr[ds_], d)
                dr[ds_] = dm
                upd = dm > bestv
                bestv = jnp.where(upd, dm, bestv)
                besti = jnp.where(upd, _splat_i(j * L) + iota, besti)
                return bestv, besti

            bestv, besti = plsc.parallel_loop(
                0, NCHUNK, unroll=4,
                carry=(_splat_f(-jnp.inf), _splat_i(0)),
            )(chunk)
            vmax = jnp.max(bestv)
            cand = jnp.where(bestv == vmax, besti, BIG_I)
            nxt = jnp.min(cand)
            return _splat_i(nxt)

        lax.fori_loop(0, G, step, _splat_i(0))
        pltpu.sync_copy(cb.at[pl.ds(0, 3 * G)], ctr_hbm.at[pl.ds(b * 3 * G, 3 * G)])



_GPW = G // 2


def _knn_body(pts_hbm, ctr_hbm, out_hbm, xr, yr, zr, pnr, dbuf, ci_buf, cbv, ob,
              xb, yb, zb):
    w = lax.axis_index("s") * 2 + lax.axis_index("c")
    b = w // 2
    h = w % 2

    pltpu.sync_copy(pts_hbm.at[pl.ds((b * 3 + 0) * N, N)], xr)
    pltpu.sync_copy(pts_hbm.at[pl.ds((b * 3 + 1) * N, N)], yr)
    pltpu.sync_copy(pts_hbm.at[pl.ds((b * 3 + 2) * N, N)], zr)
    pltpu.sync_copy(ctr_hbm.at[pl.ds(b * 3 * G + h * 3 * _GPW, 3 * _GPW)], cbv)

    iota = _iota()
    inf = _splat_f(jnp.inf)

    @plsc.parallel_loop(0, NCHUNK, unroll=4)
    def _pn(j):
        ds_ = pl.ds(j * L, L)
        x = xr[ds_]
        y = yr[ds_]
        z = zr[ds_]
        pnr[ds_] = (x * x + y * y) + z * z
        xb[ds_] = _round_bf16(x)
        yb[ds_] = _round_bf16(y)
        zb[ds_] = _round_bf16(z)

    def row(r, _):
        cx = plsc.load_gather(cbv, [_splat_i(3 * r)])
        cy = plsc.load_gather(cbv, [_splat_i(3 * r + 1)])
        cz = plsc.load_gather(cbv, [_splat_i(3 * r + 2)])
        cn = (cx * cx + cy * cy) + cz * cz
        cxb = _round_bf16(cx)
        cyb = _round_bf16(cy)
        czb = _round_bf16(cz)

        def p1(j, st):
            m1, m2 = st
            ds_ = pl.ds(j * L, L)
            dot = (cxb * xb[ds_] + cyb * yb[ds_]) + czb * zb[ds_]
            d = (cn + pnr[ds_]) - 2.0 * dot
            dbuf[ds_] = d
            c1 = d < m1
            m1n = jnp.where(c1, d, m1)
            m2n = jnp.minimum(m2, jnp.where(c1, m1, d))
            return m1n, m2n

        _, m2 = plsc.parallel_loop(0, NCHUNK, unroll=4, carry=(inf, inf))(p1)
        t = jnp.max(m2)

        def p2(j, off):
            ds_ = pl.ds(j * L, L)
            d = dbuf[ds_]
            msk = d <= t
            plsc.store_compressed(
                ci_buf.at[pl.ds(off, L)], _splat_i(j * L) + iota, mask=msk)
            cntv = plsc.all_reduce_population_count(msk)
            return off + cntv[0]

        off = plsc.parallel_loop(
            0, NCHUNK, unroll=4, carry=jnp.int32(0))(p2)
        plsc.store_scatter(ci_buf, [_splat_i(off) + iota], iota)

        def p3(cchunk, carry):
            ci = ci_buf[pl.ds(cchunk * L, L)]
            cd = plsc.load_gather(dbuf, [ci])
            valid = (_splat_i(cchunk * L) + iota) < off
            cd = jnp.where(valid, cd, inf)
            sk, si = plsc.sort_key_val(cd, ci)
            return _top32_insert(carry, sk, si)

        nch = (off + L - 1) // L
        init = (inf, _splat_i(BIG_I), inf, _splat_i(BIG_I))
        ak, ai, bk, bi = plsc.parallel_loop(
            0, nch, unroll=2, carry=init)(lambda j, c: p3(j, c))

        base = _splat_i(r * 3 * K)
        for kv, idxv, j0 in ((ak, ai, 0), (bk, bi, L)):
            del kv
            gx = plsc.load_gather(xr, [idxv]) - cx
            gy = plsc.load_gather(yr, [idxv]) - cy
            gz = plsc.load_gather(zr, [idxv]) - cz
            o = base + _splat_i(3 * j0) + 3 * iota
            plsc.store_scatter(ob, [o], gx)
            plsc.store_scatter(ob, [o + 1], gy)
            plsc.store_scatter(ob, [o + 2], gz)
        return 0

    lax.fori_loop(0, _GPW, row, 0)
    pltpu.sync_copy(ob, out_hbm.at[pl.ds(w * _GPW * 3 * K, _GPW * 3 * K)])


@functools.cache
def _build():
    mesh = plsc.VectorSubcoreMesh(core_axis_name="c", subcore_axis_name="s")
    params = pltpu.CompilerParams(needs_layout_passes=False)
    fps = functools.partial(
        pl.kernel,
        mesh=mesh,
        compiler_params=params,
        out_type=jax.ShapeDtypeStruct((B * 3 * G,), jnp.float32),
        scratch_types=[
            pltpu.VMEM((N,), jnp.float32),
            pltpu.VMEM((N,), jnp.float32),
            pltpu.VMEM((N,), jnp.float32),
            pltpu.VMEM((N,), jnp.float32),
            pltpu.VMEM((3 * G + 16,), jnp.float32),
        ],
    )(_fps_body)
    knn = functools.partial(
        pl.kernel,
        mesh=mesh,
        compiler_params=params,
        out_type=jax.ShapeDtypeStruct((B * 2 * _GPW * 3 * K,), jnp.float32),
        scratch_types=[
            pltpu.VMEM((N,), jnp.float32),
            pltpu.VMEM((N,), jnp.float32),
            pltpu.VMEM((N,), jnp.float32),
            pltpu.VMEM((N,), jnp.float32),
            pltpu.VMEM((N,), jnp.float32),
            pltpu.VMEM((N + 2 * L,), jnp.int32),
            pltpu.VMEM((3 * _GPW,), jnp.float32),
            pltpu.VMEM((_GPW * 3 * K,), jnp.float32),
            pltpu.VMEM((N,), jnp.float32),
            pltpu.VMEM((N,), jnp.float32),
            pltpu.VMEM((N,), jnp.float32),
        ],
    )(_knn_body)
    return fps, knn


def kernel(points):
    fps_sc, knn_sc = _build()
    pts_t = jnp.transpose(points, (0, 2, 1)).reshape(-1)
    ctr = fps_sc(pts_t)
    nbr = knn_sc(pts_t, ctr)
    center = ctr.reshape(B, G, 3)
    neighborhood = nbr.reshape(B, G, K, 3)
    return (neighborhood, center)

# --- scband reference (transcript-rebuilt; emitter-appended) ---
"""Pipeline reference for scband-group-29368986370388 (READ-ONLY COPY).

The authoritative reference and input builder live on the scoring server;
editing this copy changes nothing except your own understanding.
"""

import jax, jax.numpy as jnp
import numpy as np

NUM_GROUP = 512
GROUP_SIZE = 32


def setup_inputs(seed: int = 0) -> dict:
    key = jax.random.key(seed)
    points = jax.random.normal(key, (16, 8192, 3), dtype=jnp.float32)
    return {"points": points}


def fps_indices(points, num_group):
    # Farthest Point Sampling. points: (B, N, C) -> (B, G) int32 indices.
    B, N, _ = points.shape

    def step(carry, _):
        dist, farthest = carry
        centroid = jnp.take_along_axis(points, farthest[:, None, None], axis=1)  # (B,1,C)
        d = jnp.sum((points - centroid) ** 2, axis=-1)  # (B,N)
        dist = jnp.minimum(dist, d)
        nxt = jnp.argmax(dist, axis=-1).astype(jnp.int32)
        return (dist, nxt), farthest

    init = (jnp.full((B, N), 1e10, dtype=points.dtype), jnp.zeros((B,), jnp.int32))
    _, idxs = jax.lax.scan(step, init, None, length=num_group)  # (G, B)
    return jnp.transpose(idxs)  # (B, G)


def knn_indices(points, center, k):
    # points: (B, N, C), center: (B, G, C) -> (B, G, K) indices of k nearest points.
    d = (
        jnp.sum(center ** 2, axis=-1)[:, :, None]
        + jnp.sum(points ** 2, axis=-1)[:, None, :]
        - 2.0 * jnp.einsum("bgc,bnc->bgn", center, points)
    )  # (B, G, N) squared distances
    _, idx = jax.lax.top_k(-d, k)
    return idx


def reference(points):
    B = points.shape[0]
    # FPS index selection is non-differentiable (pure index computation).
    cidx = fps_indices(jax.lax.stop_gradient(points), NUM_GROUP)  # (B, G)
    center = jnp.take_along_axis(points, cidx[:, :, None], axis=1)  # (B, G, C)
    idx = knn_indices(
        jax.lax.stop_gradient(points), jax.lax.stop_gradient(center), GROUP_SIZE
    )  # (B, G, K)
    batch = jnp.arange(B)[:, None, None]
    neighborhood = points[batch, idx]  # (B, G, K, C) gather
    neighborhood = neighborhood - center[:, :, None, :]
    return (neighborhood, center)

if __name__ == "__main__":
    import jax
    _d = setup_inputs()
    print(jax.jit(kernel)(*tuple(_d.values())))

</pallas_src>

<mosaic_0001>
#map = affine_map<(d0, d1) -> (0)>
module attributes {stable_mosaic.version = 14 : i64} {
  func.func @_knn_body(%arg0: i32, %arg1: i32, %arg2: memref<393216xf32, #tpu.memory_space<hbm>>, %arg3: memref<24576xf32, #tpu.memory_space<hbm>>, %arg4: memref<786432xf32, #tpu.memory_space<hbm>>, %arg5: memref<8192xf32, #tpu.memory_space<vmem>>, %arg6: memref<8192xf32, #tpu.memory_space<vmem>>, %arg7: memref<8192xf32, #tpu.memory_space<vmem>>, %arg8: memref<8192xf32, #tpu.memory_space<vmem>>, %arg9: memref<8192xf32, #tpu.memory_space<vmem>>, %arg10: memref<8224xi32, #tpu.memory_space<vmem>>, %arg11: memref<768xf32, #tpu.memory_space<vmem>>, %arg12: memref<24576xf32, #tpu.memory_space<vmem>>, %arg13: memref<8192xf32, #tpu.memory_space<vmem>>, %arg14: memref<8192xf32, #tpu.memory_space<vmem>>, %arg15: memref<8192xf32, #tpu.memory_space<vmem>>) attributes {dimension_semantics = [#tpu.dimension_semantics<core_parallel>, #tpu.dimension_semantics<subcore_parallel>], iteration_bounds = array<i64: 2, 16>, scalar_prefetch = 0 : i64, scratch_operands = 11 : i64, tpu.core_type = #tpu.core_type<sc_vector_subcore>, window_params = [{transform_indices = #map}, {transform_indices = #map}, {transform_indices = #map}]} {
    %mul3A = arith.constant 2 : i32
    %mul3A_0 = arith.muli %arg1, %mul3A : i32
    %add3A = arith.addi %mul3A_0, %arg0 : i32
    %jit3A = arith.constant 2 : i32
    %div3A = arith.divsi %add3A, %jit3A : i32
    %sign3A = arith.constant 0 : i32
    %sign3A_1 = arith.cmpi sgt, %add3A, %sign3A : i32
    %sign3A_2 = arith.extui %sign3A_1 : i1 to i32
    %sign3A_3 = arith.constant 0 : i32
    %sign3A_4 = arith.cmpi slt, %add3A, %sign3A_3 : i32
    %sign3A_5 = arith.extui %sign3A_4 : i1 to i32
    %sign3A_6 = arith.subi %sign3A_2, %sign3A_5 : i32
    %sign3A_7 = arith.constant 0 : i32
    %sign3A_8 = arith.cmpi sgt, %jit3A, %sign3A_7 : i32
    %sign3A_9 = arith.extui %sign3A_8 : i1 to i32
    %sign3A_10 = arith.constant 0 : i32
    %sign3A_11 = arith.cmpi slt, %jit3A, %sign3A_10 : i32
    %sign3A_12 = arith.extui %sign3A_11 : i1 to i32
    %sign3A_13 = arith.subi %sign3A_9, %sign3A_12 : i32
    %ne3A = arith.cmpi ne, %sign3A_6, %sign3A_13 : i32
    %rem3A = arith.remsi %add3A, %jit3A : i32
    %ne3A_14 = arith.constant 0 : i32
    %ne3A_15 = arith.cmpi ne, %rem3A, %ne3A_14 : i32
    %and3A = arith.andi %ne3A, %ne3A_15 : i1
    %sub3A = arith.constant 1 : i32
    %sub3A_16 = arith.subi %div3A, %sub3A : i32
    %select_n3A = arith.select %and3A, %sub3A_16, %div3A : i32
    %jit3A_17 = arith.constant 2 : i32
    %eq3A = arith.constant 0 : i32
    %eq3A_18 = arith.cmpi eq, %jit3A_17, %eq3A : i32
    %jit3A_19 = arith.constant 1 : i32
    %select_n3A_20 = arith.select %eq3A_18, %jit3A_19, %jit3A_17 : i32
    %rem3A_21 = arith.remsi %add3A, %select_n3A_20 : i32
    %ne3A_22 = arith.constant 0 : i32
    %ne3A_23 = arith.cmpi ne, %rem3A_21, %ne3A_22 : i32
    %lt3A = arith.constant 0 : i32
    %lt3A_24 = arith.cmpi slt, %rem3A_21, %lt3A : i32
    %lt3A_25 = arith.constant 0 : i32
    %lt3A_26 = arith.cmpi slt, %select_n3A_20, %lt3A_25 : i32
    %ne3A_27 = arith.xori %lt3A_24, %lt3A_26 : i1
    %and3A_28 = arith.andi %ne3A_27, %ne3A_23 : i1
    %add3A_29 = arith.addi %rem3A_21, %select_n3A_20 : i32
    %select_n3A_30 = arith.select %and3A_28, %add3A_29, %rem3A_21 : i32
    %mul3A_31 = arith.constant 3 : i32
    %mul3A_32 = arith.muli %select_n3A, %mul3A_31 : i32
    %add3A_33 = arith.constant 0 : i32
    %add3A_34 = arith.addi %mul3A_32, %add3A_33 : i32
    %mul3A_35 = arith.constant 8192 : i32
    %mul3A_36 = arith.muli %add3A_34, %mul3A_35 : i32
    "tpu.region"() ({
      %run_scoped3A = tpu.sem_alloc : memref<!tpu.dma_semaphore, #tpu.memory_space<semaphore_mem>>
      %dma_start3A = tpu.memref_slice %arg2[%mul3A_36] : memref<393216xf32, #tpu.memory_space<hbm>> -> memref<8192xf32, #tpu.memory_space<hbm>>
      %dma_start3A_73 = tpu.memref_slice %arg2[%mul3A_36] : memref<393216xf32, #tpu.memory_space<hbm>> -> memref<8192xf32, #tpu.memory_space<hbm>>
      tpu.enqueue_dma source(%dma_start3A_73 : memref<8192xf32, #tpu.memory_space<hbm>>) target(%arg5 : memref<8192xf32, #tpu.memory_space<vmem>>) target_semaphore(%run_scoped3A : memref<!tpu.dma_semaphore, #tpu.memory_space<semaphore_mem>>)
      %dma_wait3A = tpu.memref_slice %arg2[%mul3A_36] : memref<393216xf32, #tpu.memory_space<hbm>> -> memref<8192xf32, #tpu.memory_space<hbm>>
      %dma_wait3A_74 = tpu.memref_slice %arg2[%mul3A_36] : memref<393216xf32, #tpu.memory_space<hbm>> -> memref<8192xf32, #tpu.memory_space<hbm>>
      tpu.wait_dma2 semaphore(%run_scoped3A : memref<!tpu.dma_semaphore, #tpu.memory_space<semaphore_mem>>) src(%dma_wait3A_74 : memref<8192xf32, #tpu.memory_space<hbm>>) dst(%arg5 : memref<8192xf32, #tpu.memory_space<vmem>>)
      tpu.yield
    }) : () -> ()
    %mul3A_37 = arith.constant 3 : i32
    %mul3A_38 = arith.muli %select_n3A, %mul3A_37 : i32
    %add3A_39 = arith.constant 1 : i32
    %add3A_40 = arith.addi %mul3A_38, %add3A_39 : i32
    %mul3A_41 = arith.constant 8192 : i32
    %mul3A_42 = arith.muli %add3A_40, %mul3A_41 : i32
    "tpu.region"() ({
      %run_scoped3A = tpu.sem_alloc : memref<!tpu.dma_semaphore, #tpu.memory_space<semaphore_mem>>
      %dma_start3A = tpu.memref_slice %arg2[%mul3A_42] : memref<393216xf32, #tpu.memory_space<hbm>> -> memref<8192xf32, #tpu.memory_space<hbm>>
      %dma_start3A_73 = tpu.memref_slice %arg2[%mul3A_42] : memref<393216xf32, #tpu.memory_space<hbm>> -> memref<8192xf32, #tpu.memory_space<hbm>>
      tpu.enqueue_dma source(%dma_start3A_73 : memref<8192xf32, #tpu.memory_space<hbm>>) target(%arg6 : memref<8192xf32, #tpu.memory_space<vmem>>) target_semaphore(%run_scoped3A : memref<!tpu.dma_semaphore, #tpu.memory_space<semaphore_mem>>)
      %dma_wait3A = tpu.memref_slice %arg2[%mul3A_42] : memref<393216xf32, #tpu.memory_space<hbm>> -> memref<8192xf32, #tpu.memory_space<hbm>>
      %dma_wait3A_74 = tpu.memref_slice %arg2[%mul3A_42] : memref<393216xf32, #tpu.memory_space<hbm>> -> memref<8192xf32, #tpu.memory_space<hbm>>
      tpu.wait_dma2 semaphore(%run_scoped3A : memref<!tpu.dma_semaphore, #tpu.memory_space<semaphore_mem>>) src(%dma_wait3A_74 : memref<8192xf32, #tpu.memory_space<hbm>>) dst(%arg6 : memref<8192xf32, #tpu.memory_space<vmem>>)
      tpu.yield
    }) : () -> ()
    %mul3A_43 = arith.constant 3 : i32
    %mul3A_44 = arith.muli %select_n3A, %mul3A_43 : i32
    %add3A_45 = arith.constant 2 : i32
    %add3A_46 = arith.addi %mul3A_44, %add3A_45 : i32
    %mul3A_47 = arith.constant 8192 : i32
    %mul3A_48 = arith.muli %add3A_46, %mul3A_47 : i32
    "tpu.region"() ({
      %run_scoped3A = tpu.sem_alloc : memref<!tpu.dma_semaphore, #tpu.memory_space<semaphore_mem>>
      %dma_start3A = tpu.memref_slice %arg2[%mul3A_48] : memref<393216xf32, #tpu.memory_space<hbm>> -> memref<8192xf32, #tpu.memory_space<hbm>>
      %dma_start3A_73 = tpu.memref_slice %arg2[%mul3A_48] : memref<393216xf32, #tpu.memory_space<hbm>> -> memref<8192xf32, #tpu.memory_space<hbm>>
      tpu.enqueue_dma source(%dma_start3A_73 : memref<8192xf32, #tpu.memory_space<hbm>>) target(%arg7 : memref<8192xf32, #tpu.memory_space<vmem>>) target_semaphore(%run_scoped3A : memref<!tpu.dma_semaphore, #tpu.memory_space<semaphore_mem>>)
      %dma_wait3A = tpu.memref_slice %arg2[%mul3A_48] : memref<393216xf32, #tpu.memory_space<hbm>> -> memref<8192xf32, #tpu.memory_space<hbm>>
      %dma_wait3A_74 = tpu.memref_slice %arg2[%mul3A_48] : memref<393216xf32, #tpu.memory_space<hbm>> -> memref<8192xf32, #tpu.memory_space<hbm>>
      tpu.wait_dma2 semaphore(%run_scoped3A : memref<!tpu.dma_semaphore, #tpu.memory_space<semaphore_mem>>) src(%dma_wait3A_74 : memref<8192xf32, #tpu.memory_space<hbm>>) dst(%arg7 : memref<8192xf32, #tpu.memory_space<vmem>>)
      tpu.yield
    }) : () -> ()
    %mul3A_49 = arith.constant 3 : i32
    %mul3A_50 = arith.muli %select_n3A, %mul3A_49 : i32
    %mul3A_51 = arith.constant 512 : i32
    %mul3A_52 = arith.muli %mul3A_50, %mul3A_51 : i32
    %mul3A_53 = arith.constant 3 : i32
    %mul3A_54 = arith.muli %select_n3A_30, %mul3A_53 : i32
    %mul3A_55 = arith.constant 256 : i32
    %mul3A_56 = arith.muli %mul3A_54, %mul3A_55 : i32
    %add3A_57 = arith.addi %mul3A_52, %mul3A_56 : i32
    "tpu.region"() ({
      %run_scoped3A = tpu.sem_alloc : memref<!tpu.dma_semaphore, #tpu.memory_space<semaphore_mem>>
      %dma_start3A = tpu.memref_slice %arg3[%add3A_57] : memref<24576xf32, #tpu.memory_space<hbm>> -> memref<768xf32, #tpu.memory_space<hbm>>
      %dma_start3A_73 = tpu.memref_slice %arg3[%add3A_57] : memref<24576xf32, #tpu.memory_space<hbm>> -> memref<768xf32, #tpu.memory_space<hbm>>
      tpu.enqueue_dma source(%dma_start3A_73 : memref<768xf32, #tpu.memory_space<hbm>>) target(%arg11 : memref<768xf32, #tpu.memory_space<vmem>>) target_semaphore(%run_scoped3A : memref<!tpu.dma_semaphore, #tpu.memory_space<semaphore_mem>>)
      %dma_wait3A = tpu.memref_slice %arg3[%add3A_57] : memref<24576xf32, #tpu.memory_space<hbm>> -> memref<768xf32, #tpu.memory_space<hbm>>
      %dma_wait3A_74 = tpu.memref_slice %arg3[%add3A_57] : memref<24576xf32, #tpu.memory_space<hbm>> -> memref<768xf32, #tpu.memory_space<hbm>>
      tpu.wait_dma2 semaphore(%run_scoped3A : memref<!tpu.dma_semaphore, #tpu.memory_space<semaphore_mem>>) src(%dma_wait3A_74 : memref<768xf32, #tpu.memory_space<hbm>>) dst(%arg11 : memref<768xf32, #tpu.memory_space<vmem>>)
      tpu.yield
    }) : () -> ()
    %iota3A = tpu.iota {dimensions = array<i32: 0>} : vector<16xi32>
    %broadcast_in_dim3A = arith.constant 0x7F800000 : f32
    %broadcast_in_dim3A_58 = vector.broadcast %broadcast_in_dim3A : f32 to vector<16xf32>
    %parallel_loop3A = arith.constant 0 : i32
    %parallel_loop3A_59 = arith.constant 512 : i32
    %parallel_loop3A_60 = arith.constant 1 : i32
    scf.for %parallel_loop3A_73 = %parallel_loop3A to %parallel_loop3A_59 step %parallel_loop3A_60  : i32 {
      %parallel_loop3A_74 = arith.constant 16 : i32
      %parallel_loop3A_75 = arith.muli %parallel_loop3A_73, %parallel_loop3A_74 : i32
      %parallel_loop3A_76 = arith.index_cast %parallel_loop3A_75 : i32 to index
      %parallel_loop3A_77 = tpu.vector_load %arg5[%parallel_loop3A_76] {strides = array<i32>} : memref<8192xf32, #tpu.memory_space<vmem>>, vector<16xf32>,
      %parallel_loop3A_78 = arith.index_cast %parallel_loop3A_75 : i32 to index
      %parallel_loop3A_79 = tpu.vector_load %arg6[%parallel_loop3A_78] {strides = array<i32>} : memref<8192xf32, #tpu.memory_space<vmem>>, vector<16xf32>,
      %parallel_loop3A_80 = arith.index_cast %parallel_loop3A_75 : i32 to index
      %parallel_loop3A_81 = tpu.vector_load %arg7[%parallel_loop3A_80] {strides = array<i32>} : memref<8192xf32, #tpu.memory_space<vmem>>, vector<16xf32>,
      %parallel_loop3A_82 = arith.mulf %parallel_loop3A_77, %parallel_loop3A_77 : vector<16xf32>
      %parallel_loop3A_83 = arith.mulf %parallel_loop3A_79, %parallel_loop3A_79 : vector<16xf32>
      %parallel_loop3A_84 = arith.addf %parallel_loop3A_82, %parallel_loop3A_83 : vector<16xf32>
      %parallel_loop3A_85 = arith.mulf %parallel_loop3A_81, %parallel_loop3A_81 : vector<16xf32>
      %parallel_loop3A_86 = arith.addf %parallel_loop3A_84, %parallel_loop3A_85 : vector<16xf32>
      %parallel_loop3A_87 = arith.index_cast %parallel_loop3A_75 : i32 to index
      %parallel_loop3A_88 = tpu.vector_load %arg8[%parallel_loop3A_87] {strides = array<i32>} : memref<8192xf32, #tpu.memory_space<vmem>>, vector<16xf32>,
      tpu.vector_store %arg8[%parallel_loop3A_87], %parallel_loop3A_86 {strides = array<i32>} : memref<8192xf32, #tpu.memory_space<vmem>>, vector<16xf32>,
      %parallel_loop3A_89 = vector.bitcast %parallel_loop3A_77 : vector<16xf32> to vector<16xi32>
      %parallel_loop3A_90 = arith.constant 32767 : i32
      %parallel_loop3A_91 = vector.broadcast %parallel_loop3A_90 : i32 to vector<16xi32>
      %parallel_loop3A_92 = arith.addi %parallel_loop3A_89, %parallel_loop3A_91 : vector<16xi32>
      %parallel_loop3A_93 = arith.constant 16 : i32
      %parallel_loop3A_94 = vector.broadcast %parallel_loop3A_93 : i32 to vector<16xi32>
      %parallel_loop3A_95 = arith.shrsi %parallel_loop3A_89, %parallel_loop3A_94 : vector<16xi32>
      %parallel_loop3A_96 = arith.constant 1 : i32
      %parallel_loop3A_97 = vector.broadcast %parallel_loop3A_96 : i32 to vector<16xi32>
      %parallel_loop3A_98 = arith.andi %parallel_loop3A_95, %parallel_loop3A_97 : vector<16xi32>
      %parallel_loop3A_99 = arith.addi %parallel_loop3A_92, %parallel_loop3A_98 : vector<16xi32>
      %parallel_loop3A_100 = arith.constant -65536 : i32
      %parallel_loop3A_101 = vector.broadcast %parallel_loop3A_100 : i32 to vector<16xi32>
      %parallel_loop3A_102 = arith.andi %parallel_loop3A_99, %parallel_loop3A_101 : vector<16xi32>
      %parallel_loop3A_103 = vector.bitcast %parallel_loop3A_102 : vector<16xi32> to vector<16xf32>
      %parallel_loop3A_104 = arith.index_cast %parallel_loop3A_75 : i32 to index
      %parallel_loop3A_105 = tpu.vector_load %arg13[%parallel_loop3A_104] {strides = array<i32>} : memref<8192xf32, #tpu.memory_space<vmem>>, vector<16xf32>,
      tpu.vector_store %arg13[%parallel_loop3A_104], %parallel_loop3A_103 {strides = array<i32>} : memref<8192xf32, #tpu.memory_space<vmem>>, vector<16xf32>,
      %parallel_loop3A_106 = vector.bitcast %parallel_loop3A_79 : vector<16xf32> to vector<16xi32>
      %parallel_loop3A_107 = arith.constant 32767 : i32
      %parallel_loop3A_108 = vector.broadcast %parallel_loop3A_107 : i32 to vector<16xi32>
      %parallel_loop3A_109 = arith.addi %parallel_loop3A_106, %parallel_loop3A_108 : vector<16xi32>
      %parallel_loop3A_110 = arith.constant 16 : i32
      %parallel_loop3A_111 = vector.broadcast %parallel_loop3A_110 : i32 to vector<16xi32>
      %parallel_loop3A_112 = arith.shrsi %parallel_loop3A_106, %parallel_loop3A_111 : vector<16xi32>
      %parallel_loop3A_113 = arith.constant 1 : i32
      %parallel_loop3A_114 = vector.broadcast %parallel_loop3A_113 : i32 to vector<16xi32>
      %parallel_loop3A_115 = arith.andi %parallel_loop3A_112, %parallel_loop3A_114 : vector<16xi32>
      %parallel_loop3A_116 = arith.addi %parallel_loop3A_109, %parallel_loop3A_115 : vector<16xi32>
      %parallel_loop3A_117 = arith.constant -65536 : i32
      %parallel_loop3A_118 = vector.broadcast %parallel_loop3A_117 : i32 to vector<16xi32>
      %parallel_loop3A_119 = arith.andi %parallel_loop3A_116, %parallel_loop3A_118 : vector<16xi32>
      %parallel_loop3A_120 = vector.bitcast %parallel_loop3A_119 : vector<16xi32> to vector<16xf32>
      %parallel_loop3A_121 = arith.index_cast %parallel_loop3A_75 : i32 to index
      %parallel_loop3A_122 = tpu.vector_load %arg14[%parallel_loop3A_121] {strides = array<i32>} : memref<8192xf32, #tpu.memory_space<vmem>>, vector<16xf32>,
      tpu.vector_store %arg14[%parallel_loop3A_121], %parallel_loop3A_120 {strides = array<i32>} : memref<8192xf32, #tpu.memory_space<vmem>>, vector<16xf32>,
      %parallel_loop3A_123 = vector.bitcast %parallel_loop3A_81 : vector<16xf32> to vector<16xi32>
      %parallel_loop3A_124 = arith.constant 32767 : i32
      %parallel_loop3A_125 = vector.broadcast %parallel_loop3A_124 : i32 to vector<16xi32>
      %parallel_loop3A_126 = arith.addi %parallel_loop3A_123, %parallel_loop3A_125 : vector<16xi32>
      %parallel_loop3A_127 = arith.constant 16 : i32
      %parallel_loop3A_128 = vector.broadcast %parallel_loop3A_127 : i32 to vector<16xi32>
      %parallel_loop3A_129 = arith.shrsi %parallel_loop3A_123, %parallel_loop3A_128 : vector<16xi32>
      %parallel_loop3A_130 = arith.constant 1 : i32
      %parallel_loop3A_131 = vector.broadcast %parallel_loop3A_130 : i32 to vector<16xi32>
      %parallel_loop3A_132 = arith.andi %parallel_loop3A_129, %parallel_loop3A_131 : vector<16xi32>
      %parallel_loop3A_133 = arith.addi %parallel_loop3A_126, %parallel_loop3A_132 : vector<16xi32>
      %parallel_loop3A_134 = arith.constant -65536 : i32
      %parallel_loop3A_135 = vector.broadcast %parallel_loop3A_134 : i32 to vector<16xi32>
      %parallel_loop3A_136 = arith.andi %parallel_loop3A_133, %parallel_loop3A_135 : vector<16xi32>
      %parallel_loop3A_137 = vector.bitcast %parallel_loop3A_136 : vector<16xi32> to vector<16xf32>
      %parallel_loop3A_138 = arith.index_cast %parallel_loop3A_75 : i32 to index
      %parallel_loop3A_139 = tpu.vector_load %arg15[%parallel_loop3A_138] {strides = array<i32>} : memref<8192xf32, #tpu.memory_space<vmem>>, vector<16xf32>,
      tpu.vector_store %arg15[%parallel_loop3A_138], %parallel_loop3A_137 {strides = array<i32>} : memref<8192xf32, #tpu.memory_space<vmem>>, vector<16xf32>,
    } {sc.loop_unroll_factor = 4 : i64, sc.parallel_access}
    %scan3A = arith.constant 0 : i32
    %scan3A_61 = arith.constant 0 : i32
    %scan3A_62 = arith.constant 256 : i32
    %scan3A_63 = arith.addi %scan3A_61, %scan3A_62 : i32
    %scan3A_64 = arith.constant 1 : i32
    %scan3A_65 = scf.for %scan3A_73 = %scan3A_61 to %scan3A_63 step %scan3A_64 iter_args(%scan3A_74 = %scan3A) -> (i32)  : i32 {
      %mul3A_75 = arith.constant 3 : i32
      %mul3A_76 = arith.muli %mul3A_75, %scan3A_73 : i32
      %broadcast_in_dim3A_77 = vector.broadcast %mul3A_76 : i32 to vector<16xi32>
      %gather3A = tpu.vector_load_idx %arg11[%broadcast_in_dim3A_77] : memref<768xf32, #tpu.memory_space<vmem>>[vector<16xi32>], vector<16xf32>,
      %mul3A_78 = arith.constant 3 : i32
      %mul3A_79 = arith.muli %mul3A_78, %scan3A_73 : i32
      %add3A_80 = arith.constant 1 : i32
      %add3A_81 = arith.addi %mul3A_79, %add3A_80 : i32
      %broadcast_in_dim3A_82 = vector.broadcast %add3A_81 : i32 to vector<16xi32>
      %gather3A_83 = tpu.vector_load_idx %arg11[%broadcast_in_dim3A_82] : memref<768xf32, #tpu.memory_space<vmem>>[vector<16xi32>], vector<16xf32>,
      %mul3A_84 = arith.constant 3 : i32
      %mul3A_85 = arith.muli %mul3A_84, %scan3A_73 : i32
      %add3A_86 = arith.constant 2 : i32
      %add3A_87 = arith.addi %mul3A_85, %add3A_86 : i32
      %broadcast_in_dim3A_88 = vector.broadcast %add3A_87 : i32 to vector<16xi32>
      %gather3A_89 = tpu.vector_load_idx %arg11[%broadcast_in_dim3A_88] : memref<768xf32, #tpu.memory_space<vmem>>[vector<16xi32>], vector<16xf32>,
      %mul3A_90 = arith.mulf %gather3A, %gather3A : vector<16xf32>
      %mul3A_91 = arith.mulf %gather3A_83, %gather3A_83 : vector<16xf32>
      %add3A_92 = arith.addf %mul3A_90, %mul3A_91 : vector<16xf32>
      %mul3A_93 = arith.mulf %gather3A_89, %gather3A_89 : vector<16xf32>
      %add3A_94 = arith.addf %add3A_92, %mul3A_93 : vector<16xf32>
      %bitcast3A = vector.bitcast %gather3A : vector<16xf32> to vector<16xi32>
      %add3A_95 = arith.constant 32767 : i32
      %add3A_96 = vector.broadcast %add3A_95 : i32 to vector<16xi32>
      %add3A_97 = arith.addi %bitcast3A, %add3A_96 : vector<16xi32>
      %shift_right_arithmetic3A = arith.constant 16 : i32
      %shift_right_arithmetic3A_98 = vector.broadcast %shift_right_arithmetic3A : i32 to vector<16xi32>
      %shift_right_arithmetic3A_99 = arith.shrsi %bitcast3A, %shift_right_arithmetic3A_98 : vector<16xi32>
      %and3A_100 = arith.constant 1 : i32
      %and3A_101 = vector.broadcast %and3A_100 : i32 to vector<16xi32>
      %and3A_102 = arith.andi %shift_right_arithmetic3A_99, %and3A_101 : vector<16xi32>
      %add3A_103 = arith.addi %add3A_97, %and3A_102 : vector<16xi32>
      %and3A_104 = arith.constant -65536 : i32
      %and3A_105 = vector.broadcast %and3A_104 : i32 to vector<16xi32>
      %and3A_106 = arith.andi %add3A_103, %and3A_105 : vector<16xi32>
      %bitcast3A_107 = vector.bitcast %and3A_106 : vector<16xi32> to vector<16xf32>
      %bitcast3A_108 = vector.bitcast %gather3A_83 : vector<16xf32> to vector<16xi32>
      %add3A_109 = arith.constant 32767 : i32
      %add3A_110 = vector.broadcast %add3A_109 : i32 to vector<16xi32>
      %add3A_111 = arith.addi %bitcast3A_108, %add3A_110 : vector<16xi32>
      %shift_right_arithmetic3A_112 = arith.constant 16 : i32
      %shift_right_arithmetic3A_113 = vector.broadcast %shift_right_arithmetic3A_112 : i32 to vector<16xi32>
      %shift_right_arithmetic3A_114 = arith.shrsi %bitcast3A_108, %shift_right_arithmetic3A_113 : vector<16xi32>
      %and3A_115 = arith.constant 1 : i32
      %and3A_116 = vector.broadcast %and3A_115 : i32 to vector<16xi32>
      %and3A_117 = arith.andi %shift_right_arithmetic3A_114, %and3A_116 : vector<16xi32>
      %add3A_118 = arith.addi %add3A_111, %and3A_117 : vector<16xi32>
      %and3A_119 = arith.constant -65536 : i32
      %and3A_120 = vector.broadcast %and3A_119 : i32 to vector<16xi32>
      %and3A_121 = arith.andi %add3A_118, %and3A_120 : vector<16xi32>
      %bitcast3A_122 = vector.bitcast %and3A_121 : vector<16xi32> to vector<16xf32>
      %bitcast3A_123 = vector.bitcast %gather3A_89 : vector<16xf32> to vector<16xi32>
      %add3A_124 = arith.constant 32767 : i32
      %add3A_125 = vector.broadcast %add3A_124 : i32 to vector<16xi32>
      %add3A_126 = arith.addi %bitcast3A_123, %add3A_125 : vector<16xi32>
      %shift_right_arithmetic3A_127 = arith.constant 16 : i32
      %shift_right_arithmetic3A_128 = vector.broadcast %shift_right_arithmetic3A_127 : i32 to vector<16xi32>
      %shift_right_arithmetic3A_129 = arith.shrsi %bitcast3A_123, %shift_right_arithmetic3A_128 : vector<16xi32>
      %and3A_130 = arith.constant 1 : i32
      %and3A_131 = vector.broadcast %and3A_130 : i32 to vector<16xi32>
      %and3A_132 = arith.andi %shift_right_arithmetic3A_129, %and3A_131 : vector<16xi32>
      %add3A_133 = arith.addi %add3A_126, %and3A_132 : vector<16xi32>
      %and3A_134 = arith.constant -65536 : i32
      %and3A_135 = vector.broadcast %and3A_134 : i32 to vector<16xi32>
      %and3A_136 = arith.andi %add3A_133, %and3A_135 : vector<16xi32>
      %bitcast3A_137 = vector.bitcast %and3A_136 : vector<16xi32> to vector<16xf32>
      %parallel_loop3A_138 = arith.constant 0 : i32
      %parallel_loop3A_139 = arith.constant 512 : i32
      %parallel_loop3A_140 = arith.constant 1 : i32
      %parallel_loop3A_141:2 = scf.for %parallel_loop3A_231 = %parallel_loop3A_138 to %parallel_loop3A_139 step %parallel_loop3A_140 iter_args(%parallel_loop3A_232 = %broadcast_in_dim3A_58, %parallel_loop3A_233 = %broadcast_in_dim3A_58) -> (vector<16xf32>, vector<16xf32>)  : i32 {
        %parallel_loop3A_234 = arith.constant 16 : i32
        %parallel_loop3A_235 = arith.muli %parallel_loop3A_231, %parallel_loop3A_234 : i32
        %parallel_loop3A_236 = arith.index_cast %parallel_loop3A_235 : i32 to index
        %parallel_loop3A_237 = tpu.vector_load %arg13[%parallel_loop3A_236] {strides = array<i32>} : memref<8192xf32, #tpu.memory_space<vmem>>, vector<16xf32>,
        %parallel_loop3A_238 = arith.mulf %bitcast3A_107, %parallel_loop3A_237 : vector<16xf32>
        %parallel_loop3A_239 = arith.index_cast %parallel_loop3A_235 : i32 to index
        %parallel_loop3A_240 = tpu.vector_load %arg14[%parallel_loop3A_239] {strides = array<i32>} : memref<8192xf32, #tpu.memory_space<vmem>>, vector<16xf32>,
        %parallel_loop3A_241 = arith.mulf %bitcast3A_122, %parallel_loop3A_240 : vector<16xf32>
        %parallel_loop3A_242 = arith.addf %parallel_loop3A_238, %parallel_loop3A_241 : vector<16xf32>
        %parallel_loop3A_243 = arith.index_cast %parallel_loop3A_235 : i32 to index
        %parallel_loop3A_244 = tpu.vector_load %arg15[%parallel_loop3A_243] {strides = array<i32>} : memref<8192xf32, #tpu.memory_space<vmem>>, vector<16xf32>,
        %parallel_loop3A_245 = arith.mulf %bitcast3A_137, %parallel_loop3A_244 : vector<16xf32>
        %parallel_loop3A_246 = arith.addf %parallel_loop3A_242, %parallel_loop3A_245 : vector<16xf32>
        %parallel_loop3A_247 = arith.index_cast %parallel_loop3A_235 : i32 to index
        %parallel_loop3A_248 = tpu.vector_load %arg8[%parallel_loop3A_247] {strides = array<i32>} : memref<8192xf32, #tpu.memory_space<vmem>>, vector<16xf32>,
        %parallel_loop3A_249 = arith.addf %add3A_94, %parallel_loop3A_248 : vector<16xf32>
        %parallel_loop3A_250 = arith.constant 2.000000e+00 : f32
        %parallel_loop3A_251 = vector.broadcast %parallel_loop3A_250 : f32 to vector<16xf32>
        %parallel_loop3A_252 = arith.mulf %parallel_loop3A_251, %parallel_loop3A_246 : vector<16xf32>
        %parallel_loop3A_253 = arith.subf %parallel_loop3A_249, %parallel_loop3A_252 : vector<16xf32>
        %parallel_loop3A_254 = arith.index_cast %parallel_loop3A_235 : i32 to index
        %parallel_loop3A_255 = tpu.vector_load %arg9[%parallel_loop3A_254] {strides = array<i32>} : memref<8192xf32, #tpu.memory_space<vmem>>, vector<16xf32>,
        tpu.vector_store %arg9[%parallel_loop3A_254], %parallel_loop3A_253 {strides = array<i32>} : memref<8192xf32, #tpu.memory_space<vmem>>, vector<16xf32>,
        %parallel_loop3A_256 = arith.cmpf olt, %parallel_loop3A_253, %parallel_loop3A_232 : vector<16xf32>
        %parallel_loop3A_257 = arith.select %parallel_loop3A_256, %parallel_loop3A_253, %parallel_loop3A_232 : vector<16xi1>, vector<16xf32>
        %parallel_loop3A_258 = arith.select %parallel_loop3A_256, %parallel_loop3A_232, %parallel_loop3A_253 : vector<16xi1>, vector<16xf32>
        %parallel_loop3A_259 = arith.minimumf %parallel_loop3A_233, %parallel_loop3A_258 : vector<16xf32>
        scf.yield %parallel_loop3A_257, %parallel_loop3A_259 : vector<16xf32>, vector<16xf32>
      } {sc.loop_unroll_factor = 4 : i64, sc.parallel_access}
      %reduce_max3A = arith.constant true
      %reduce_max3A_142 = vector.broadcast %reduce_max3A : i1 to vector<16xi1>
      %reduce_max3A_143 = tpu.scan <max>, %parallel_loop3A_141#1 masked %reduce_max3A_142 : vector<16xf32>, vector<16xi1> -> vector<16xf32>
      %reduce_max3A_144 = vector.extract %reduce_max3A_143[15] : f32 from vector<16xf32>
      %parallel_loop3A_145 = arith.constant 0 : i32
      %parallel_loop3A_146 = arith.constant 512 : i32
      %parallel_loop3A_147 = arith.constant 1 : i32
      %parallel_loop3A_148 = arith.constant 0 : i32
      %parallel_loop3A_149 = scf.for %parallel_loop3A_231 = %parallel_loop3A_145 to %parallel_loop3A_146 step %parallel_loop3A_147 iter_args(%parallel_loop3A_232 = %parallel_loop3A_148) -> (i32)  : i32 {
        %parallel_loop3A_233 = arith.constant 16 : i32
        %parallel_loop3A_234 = arith.muli %parallel_loop3A_231, %parallel_loop3A_233 : i32
        %parallel_loop3A_235 = arith.index_cast %parallel_loop3A_234 : i32 to index
        %parallel_loop3A_236 = tpu.vector_load %arg9[%parallel_loop3A_235] {strides = array<i32>} : memref<8192xf32, #tpu.memory_space<vmem>>, vector<16xf32>,
        %parallel_loop3A_237 = vector.broadcast %reduce_max3A_144 : f32 to vector<16xf32>
        %parallel_loop3A_238 = arith.cmpf ole, %parallel_loop3A_236, %parallel_loop3A_237 : vector<16xf32>
        %parallel_loop3A_239 = arith.constant 16 : i32
        %parallel_loop3A_240 = arith.muli %parallel_loop3A_231, %parallel_loop3A_239 : i32
        %parallel_loop3A_241 = vector.broadcast %parallel_loop3A_240 : i32 to vector<16xi32>
        %parallel_loop3A_242 = arith.addi %parallel_loop3A_241, %iota3A : vector<16xi32>
        %parallel_loop3A_243 = arith.index_cast %parallel_loop3A_232 : i32 to index
        %parallel_loop3A_244 = tpu.vector_load %arg10[%parallel_loop3A_243] masked %parallel_loop3A_238 {strides = array<i32>} : memref<8224xi32, #tpu.memory_space<vmem>>, vector<16xi32>, vector<16xi1>
        tpu.vector_store %arg10[%parallel_loop3A_243], %parallel_loop3A_242 masked %parallel_loop3A_238 {strides = array<i32>} : memref<8224xi32, #tpu.memory_space<vmem>>, vector<16xi32>, vector<16xi1>
        %parallel_loop3A_245 = tpu.all_reduce %parallel_loop3A_238 {dim = 0 : i64, kind = #tpu.reduction_kind<sum>} : vector<16xi1> -> vector<16xi32>
        %parallel_loop3A_246 = vector.extract_strided_slice %parallel_loop3A_245 {offsets = [0], sizes = [1], strides = [1]} : vector<16xi32> to vector<1xi32>
        %parallel_loop3A_247 = vector.extract %parallel_loop3A_246[0] : i32 from vector<1xi32>
        %parallel_loop3A_248 = arith.addi %parallel_loop3A_232, %parallel_loop3A_247 : i32
        scf.yield %parallel_loop3A_248 : i32
      } {sc.loop_unroll_factor = 4 : i64, sc.parallel_access}
      %broadcast_in_dim3A_150 = vector.broadcast %parallel_loop3A_149 : i32 to vector<16xi32>
      %add3A_151 = arith.addi %broadcast_in_dim3A_150, %iota3A : vector<16xi32>
      tpu.vector_store_idx %arg10[%add3A_151], %iota3A : memref<8224xi32, #tpu.memory_space<vmem>>[vector<16xi32>], vector<16xi32>,
      %add3A_152 = arith.constant 16 : i32
      %add3A_153 = arith.addi %parallel_loop3A_149, %add3A_152 : i32
      %sub3A_154 = arith.constant 1 : i32
      %sub3A_155 = arith.subi %add3A_153, %sub3A_154 : i32
      %jit3A_156 = arith.constant 16 : i32
      %div3A_157 = arith.divsi %sub3A_155, %jit3A_156 : i32
      %sign3A_158 = arith.constant 0 : i32
      %sign3A_159 = arith.cmpi sgt, %sub3A_155, %sign3A_158 : i32
      %sign3A_160 = arith.extui %sign3A_159 : i1 to i32
      %sign3A_161 = arith.constant 0 : i32
      %sign3A_162 = arith.cmpi slt, %sub3A_155, %sign3A_161 : i32
      %sign3A_163 = arith.extui %sign3A_162 : i1 to i32
      %sign3A_164 = arith.subi %sign3A_160, %sign3A_163 : i32
      %sign3A_165 = arith.constant 0 : i32
      %sign3A_166 = arith.cmpi sgt, %jit3A_156, %sign3A_165 : i32
      %sign3A_167 = arith.extui %sign3A_166 : i1 to i32
      %sign3A_168 = arith.constant 0 : i32
      %sign3A_169 = arith.cmpi slt, %jit3A_156, %sign3A_168 : i32
      %sign3A_170 = arith.extui %sign3A_169 : i1 to i32
      %sign3A_171 = arith.subi %sign3A_167, %sign3A_170 : i32
      %ne3A_172 = arith.cmpi ne, %sign3A_164, %sign3A_171 : i32
      %rem3A_173 = arith.remsi %sub3A_155, %jit3A_156 : i32
      %ne3A_174 = arith.constant 0 : i32
      %ne3A_175 = arith.cmpi ne, %rem3A_173, %ne3A_174 : i32
      %and3A_176 = arith.andi %ne3A_172, %ne3A_175 : i1
      %sub3A_177 = arith.constant 1 : i32
      %sub3A_178 = arith.subi %div3A_157, %sub3A_177 : i32
      %select_n3A_179 = arith.select %and3A_176, %sub3A_178, %div3A_157 : i32
      %broadcast_in_dim3A_180 = arith.constant 1073741824 : i32
      %broadcast_in_dim3A_181 = vector.broadcast %broadcast_in_dim3A_180 : i32 to vector<16xi32>
      %broadcast_in_dim3A_182 = arith.constant 1073741824 : i32
      %broadcast_in_dim3A_183 = vector.broadcast %broadcast_in_dim3A_182 : i32 to vector<16xi32>
      %parallel_loop3A_184 = arith.constant 0 : i32
      %parallel_loop3A_185 = arith.constant 1 : i32
      %parallel_loop3A_186:4 = scf.for %parallel_loop3A_231 = %parallel_loop3A_184 to %select_n3A_179 step %parallel_loop3A_185 iter_args(%parallel_loop3A_232 = %broadcast_in_dim3A_58, %parallel_loop3A_233 = %broadcast_in_dim3A_181, %parallel_loop3A_234 = %broadcast_in_dim3A_58, %parallel_loop3A_235 = %broadcast_in_dim3A_183) -> (vector<16xf32>, vector<16xi32>, vector<16xf32>, vector<16xi32>)  : i32 {
        %parallel_loop3A_236 = arith.constant 16 : i32
        %parallel_loop3A_237 = arith.muli %parallel_loop3A_231, %parallel_loop3A_236 : i32
        %parallel_loop3A_238 = arith.index_cast %parallel_loop3A_237 : i32 to index
        %parallel_loop3A_239 = tpu.vector_load %arg10[%parallel_loop3A_238] {strides = array<i32>} : memref<8224xi32, #tpu.memory_space<vmem>>, vector<16xi32>,
        %parallel_loop3A_240 = tpu.vector_load_idx %arg9[%parallel_loop3A_239] : memref<8192xf32, #tpu.memory_space<vmem>>[vector<16xi32>], vector<16xf32>,
        %parallel_loop3A_241 = arith.constant 16 : i32
        %parallel_loop3A_242 = arith.muli %parallel_loop3A_231, %parallel_loop3A_241 : i32
        %parallel_loop3A_243 = vector.broadcast %parallel_loop3A_242 : i32 to vector<16xi32>
        %parallel_loop3A_244 = arith.addi %parallel_loop3A_243, %iota3A : vector<16xi32>
        %parallel_loop3A_245 = vector.broadcast %parallel_loop3A_149 : i32 to vector<16xi32>
        %parallel_loop3A_246 = arith.cmpi slt, %parallel_loop3A_244, %parallel_loop3A_245 : vector<16xi32>
        %parallel_loop3A_247 = arith.select %parallel_loop3A_246, %parallel_loop3A_240, %broadcast_in_dim3A_58 : vector<16xi1>, vector<16xf32>
        %parallel_loop3A_248 = arith.constant dense<true> : vector<16xi1>
        %parallel_loop3A_249, %parallel_loop3A_250, %parallel_loop3A_251 = tpu.sort %parallel_loop3A_247, %parallel_loop3A_239 masked %parallel_loop3A_248 : (vector<16xf32>, vector<16xi32>, vector<16xi1>) -> (vector<16xi1>, vector<16xf32>, vector<16xi32>)
        %parallel_loop3A_252 = tpu.iota {dimensions = array<i32: 0>} : vector<16xi32>
        %parallel_loop3A_253 = arith.constant 15 : i32
        %parallel_loop3A_254 = vector.broadcast %parallel_loop3A_253 : i32 to vector<16xi32>
        %parallel_loop3A_255 = arith.subi %parallel_loop3A_254, %parallel_loop3A_252 : vector<16xi32>
        %parallel_loop3A_256 = vector.shape_cast %parallel_loop3A_255 : vector<16xi32> to vector<16x1xi32>
        %parallel_loop3A_257 = vector.shape_cast %parallel_loop3A_256 : vector<16x1xi32> to vector<16xi32>
        %parallel_loop3A_258 = tpu.dynamic_gather %parallel_loop3A_250[%parallel_loop3A_257] in [0] : vector<16xf32>, vector<16xi32> -> vector<16xf32>
        %parallel_loop3A_259 = vector.shape_cast %parallel_loop3A_255 : vector<16xi32> to vector<16x1xi32>
        %parallel_loop3A_260 = vector.shape_cast %parallel_loop3A_259 : vector<16x1xi32> to vector<16xi32>
        %parallel_loop3A_261 = tpu.dynamic_gather %parallel_loop3A_251[%parallel_loop3A_260] in [0] : vector<16xi32>, vector<16xi32> -> vector<16xi32>
        %parallel_loop3A_262 = arith.cmpf olt, %parallel_loop3A_234, %parallel_loop3A_258 : vector<16xf32>
        %parallel_loop3A_263 = arith.cmpf oeq, %parallel_loop3A_234, %parallel_loop3A_258 : vector<16xf32>
        %parallel_loop3A_264 = arith.cmpi slt, %parallel_loop3A_235, %parallel_loop3A_261 : vector<16xi32>
        %parallel_loop3A_265 = arith.andi %parallel_loop3A_263, %parallel_loop3A_264 : vector<16xi1>
        %parallel_loop3A_266 = arith.ori %parallel_loop3A_262, %parallel_loop3A_265 : vector<16xi1>
        %parallel_loop3A_267 = arith.select %parallel_loop3A_266, %parallel_loop3A_234, %parallel_loop3A_258 : vector<16xi1>, vector<16xf32>
        %parallel_loop3A_268 = arith.select %parallel_loop3A_266, %parallel_loop3A_235, %parallel_loop3A_261 : vector<16xi1>, vector<16xi32>
        %parallel_loop3A_269 = arith.select %parallel_loop3A_266, %parallel_loop3A_258, %parallel_loop3A_234 : vector<16xi1>, vector<16xf32>
        %parallel_loop3A_270 = arith.select %parallel_loop3A_266, %parallel_loop3A_261, %parallel_loop3A_235 : vector<16xi1>, vector<16xi32>
        %parallel_loop3A_271 = tpu.iota {dimensions = array<i32: 0>} : vector<16xi32>
        %parallel_loop3A_272 = arith.constant 8 : i32
        %parallel_loop3A_273 = vector.broadcast %parallel_loop3A_272 : i32 to vector<16xi32>
        %parallel_loop3A_274 = arith.xori %parallel_loop3A_271, %parallel_loop3A_273 : vector<16xi32>
        %parallel_loop3A_275 = tpu.iota {dimensions = array<i32: 0>} : vector<16xi32>
        %parallel_loop3A_276 = arith.constant 8 : i32
        %parallel_loop3A_277 = vector.broadcast %parallel_loop3A_276 : i32 to vector<16xi32>
        %parallel_loop3A_278 = arith.andi %parallel_loop3A_275, %parallel_loop3A_277 : vector<16xi32>
        %parallel_loop3A_279 = arith.constant 0 : i32
        %parallel_loop3A_280 = vector.broadcast %parallel_loop3A_279 : i32 to vector<16xi32>
        %parallel_loop3A_281 = arith.cmpi ne, %parallel_loop3A_278, %parallel_loop3A_280 : vector<16xi32>
        %parallel_loop3A_282 = vector.shape_cast %parallel_loop3A_274 : vector<16xi32> to vector<16x1xi32>
        %parallel_loop3A_283 = vector.shape_cast %parallel_loop3A_282 : vector<16x1xi32> to vector<16xi32>
        %parallel_loop3A_284 = tpu.dynamic_gather %parallel_loop3A_267[%parallel_loop3A_283] in [0] : vector<16xf32>, vector<16xi32> -> vector<16xf32>
        %parallel_loop3A_285 = vector.shape_cast %parallel_loop3A_274 : vector<16xi32> to vector<16x1xi32>
        %parallel_loop3A_286 = vector.shape_cast %parallel_loop3A_285 : vector<16x1xi32> to vector<16xi32>
        %parallel_loop3A_287 = tpu.dynamic_gather %parallel_loop3A_268[%parallel_loop3A_286] in [0] : vector<16xi32>, vector<16xi32> -> vector<16xi32>
        %parallel_loop3A_288 = arith.cmpf olt, %parallel_loop3A_267, %parallel_loop3A_284 : vector<16xf32>
        %parallel_loop3A_289 = arith.cmpf oeq, %parallel_loop3A_267, %parallel_loop3A_284 : vector<16xf32>
        %parallel_loop3A_290 = arith.cmpi slt, %parallel_loop3A_268, %parallel_loop3A_287 : vector<16xi32>
        %parallel_loop3A_291 = arith.andi %parallel_loop3A_289, %parallel_loop3A_290 : vector<16xi1>
        %parallel_loop3A_292 = arith.ori %parallel_loop3A_288, %parallel_loop3A_291 : vector<16xi1>
        %parallel_loop3A_293 = arith.xori %parallel_loop3A_292, %parallel_loop3A_281 : vector<16xi1>
        %parallel_loop3A_294 = arith.select %parallel_loop3A_293, %parallel_loop3A_267, %parallel_loop3A_284 : vector<16xi1>, vector<16xf32>
        %parallel_loop3A_295 = arith.select %parallel_loop3A_293, %parallel_loop3A_268, %parallel_loop3A_287 : vector<16xi1>, vector<16xi32>
        %parallel_loop3A_296 = tpu.iota {dimensions = array<i32: 0>} : vector<16xi32>
        %parallel_loop3A_297 = arith.constant 4 : i32
        %parallel_loop3A_298 = vector.broadcast %parallel_loop3A_297 : i32 to vector<16xi32>
        %parallel_loop3A_299 = arith.xori %parallel_loop3A_296, %parallel_loop3A_298 : vector<16xi32>
        %parallel_loop3A_300 = tpu.iota {dimensions = array<i32: 0>} : vector<16xi32>
        %parallel_loop3A_301 = arith.constant 4 : i32
        %parallel_loop3A_302 = vector.broadcast %parallel_loop3A_301 : i32 to vector<16xi32>
        %parallel_loop3A_303 = arith.andi %parallel_loop3A_300, %parallel_loop3A_302 : vector<16xi32>
        %parallel_loop3A_304 = arith.constant 0 : i32
        %parallel_loop3A_305 = vector.broadcast %parallel_loop3A_304 : i32 to vector<16xi32>
        %parallel_loop3A_306 = arith.cmpi ne, %parallel_loop3A_303, %parallel_loop3A_305 : vector<16xi32>
        %parallel_loop3A_307 = vector.shape_cast %parallel_loop3A_299 : vector<16xi32> to vector<16x1xi32>
        %parallel_loop3A_308 = vector.shape_cast %parallel_loop3A_307 : vector<16x1xi32> to vector<16xi32>
        %parallel_loop3A_309 = tpu.dynamic_gather %parallel_loop3A_294[%parallel_loop3A_308] in [0] : vector<16xf32>, vector<16xi32> -> vector<16xf32>
        %parallel_loop3A_310 = vector.shape_cast %parallel_loop3A_299 : vector<16xi32> to vector<16x1xi32>
        %parallel_loop3A_311 = vector.shape_cast %parallel_loop3A_310 : vector<16x1xi32> to vector<16xi32>
        %parallel_loop3A_312 = tpu.dynamic_gather %parallel_loop3A_295[%parallel_loop3A_311] in [0] : vector<16xi32>, vector<16xi32> -> vector<16xi32>
        %parallel_loop3A_313 = arith.cmpf olt, %parallel_loop3A_294, %parallel_loop3A_309 : vector<16xf32>
        %parallel_loop3A_314 = arith.cmpf oeq, %parallel_loop3A_294, %parallel_loop3A_309 : vector<16xf32>
        %parallel_loop3A_315 = arith.cmpi slt, %parallel_loop3A_295, %parallel_loop3A_312 : vector<16xi32>
        %parallel_loop3A_316 = arith.andi %parallel_loop3A_314, %parallel_loop3A_315 : vector<16xi1>
        %parallel_loop3A_317 = arith.ori %parallel_loop3A_313, %parallel_loop3A_316 : vector<16xi1>
        %parallel_loop3A_318 = arith.xori %parallel_loop3A_317, %parallel_loop3A_306 : vector<16xi1>
        %parallel_loop3A_319 = arith.select %parallel_loop3A_318, %parallel_loop3A_294, %parallel_loop3A_309 : vector<16xi1>, vector<16xf32>
        %parallel_loop3A_320 = arith.select %parallel_loop3A_318, %parallel_loop3A_295, %parallel_loop3A_312 : vector<16xi1>, vector<16xi32>
        %parallel_loop3A_321 = tpu.iota {dimensions = array<i32: 0>} : vector<16xi32>
        %parallel_loop3A_322 = arith.constant 2 : i32
        %parallel_loop3A_323 = vector.broadcast %parallel_loop3A_322 : i32 to vector<16xi32>
        %parallel_loop3A_324 = arith.xori %parallel_loop3A_321, %parallel_loop3A_323 : vector<16xi32>
        %parallel_loop3A_325 = tpu.iota {dimensions = array<i32: 0>} : vector<16xi32>
        %parallel_loop3A_326 = arith.constant 2 : i32
        %parallel_loop3A_327 = vector.broadcast %parallel_loop3A_326 : i32 to vector<16xi32>
        %parallel_loop3A_328 = arith.andi %parallel_loop3A_325, %parallel_loop3A_327 : vector<16xi32>
        %parallel_loop3A_329 = arith.constant 0 : i32
        %parallel_loop3A_330 = vector.broadcast %parallel_loop3A_329 : i32 to vector<16xi32>
        %parallel_loop3A_331 = arith.cmpi ne, %parallel_loop3A_328, %parallel_loop3A_330 : vector<16xi32>
        %parallel_loop3A_332 = vector.shape_cast %parallel_loop3A_324 : vector<16xi32> to vector<16x1xi32>
        %parallel_loop3A_333 = vector.shape_cast %parallel_loop3A_332 : vector<16x1xi32> to vector<16xi32>
        %parallel_loop3A_334 = tpu.dynamic_gather %parallel_loop3A_319[%parallel_loop3A_333] in [0] : vector<16xf32>, vector<16xi32> -> vector<16xf32>
        %parallel_loop3A_335 = vector.shape_cast %parallel_loop3A_324 : vector<16xi32> to vector<16x1xi32>
        %parallel_loop3A_336 = vector.shape_cast %parallel_loop3A_335 : vector<16x1xi32> to vector<16xi32>
        %parallel_loop3A_337 = tpu.dynamic_gather %parallel_loop3A_320[%parallel_loop3A_336] in [0] : vector<16xi32>, vector<16xi32> -> vector<16xi32>
        %parallel_loop3A_338 = arith.cmpf olt, %parallel_loop3A_319, %parallel_loop3A_334 : vector<16xf32>
        %parallel_loop3A_339 = arith.cmpf oeq, %parallel_loop3A_319, %parallel_loop3A_334 : vector<16xf32>
        %parallel_loop3A_340 = arith.cmpi slt, %parallel_loop3A_320, %parallel_loop3A_337 : vector<16xi32>
        %parallel_loop3A_341 = arith.andi %parallel_loop3A_339, %parallel_loop3A_340 : vector<16xi1>
        %parallel_loop3A_342 = arith.ori %parallel_loop3A_338, %parallel_loop3A_341 : vector<16xi1>
        %parallel_loop3A_343 = arith.xori %parallel_loop3A_342, %parallel_loop3A_331 : vector<16xi1>
        %parallel_loop3A_344 = arith.select %parallel_loop3A_343, %parallel_loop3A_319, %parallel_loop3A_334 : vector<16xi1>, vector<16xf32>
        %parallel_loop3A_345 = arith.select %parallel_loop3A_343, %parallel_loop3A_320, %parallel_loop3A_337 : vector<16xi1>, vector<16xi32>
        %parallel_loop3A_346 = tpu.iota {dimensions = array<i32: 0>} : vector<16xi32>
        %parallel_loop3A_347 = arith.constant 1 : i32
        %parallel_loop3A_348 = vector.broadcast %parallel_loop3A_347 : i32 to vector<16xi32>
        %parallel_loop3A_349 = arith.xori %parallel_loop3A_346, %parallel_loop3A_348 : vector<16xi32>
        %parallel_loop3A_350 = tpu.iota {dimensions = array<i32: 0>} : vector<16xi32>
        %parallel_loop3A_351 = arith.constant 1 : i32
        %parallel_loop3A_352 = vector.broadcast %parallel_loop3A_351 : i32 to vector<16xi32>
        %parallel_loop3A_353 = arith.andi %parallel_loop3A_350, %parallel_loop3A_352 : vector<16xi32>
        %parallel_loop3A_354 = arith.constant 0 : i32
        %parallel_loop3A_355 = vector.broadcast %parallel_loop3A_354 : i32 to vector<16xi32>
        %parallel_loop3A_356 = arith.cmpi ne, %parallel_loop3A_353, %parallel_loop3A_355 : vector<16xi32>
        %parallel_loop3A_357 = vector.shape_cast %parallel_loop3A_349 : vector<16xi32> to vector<16x1xi32>
        %parallel_loop3A_358 = vector.shape_cast %parallel_loop3A_357 : vector<16x1xi32> to vector<16xi32>
        %parallel_loop3A_359 = tpu.dynamic_gather %parallel_loop3A_344[%parallel_loop3A_358] in [0] : vector<16xf32>, vector<16xi32> -> vector<16xf32>
        %parallel_loop3A_360 = vector.shape_cast %parallel_loop3A_349 : vector<16xi32> to vector<16x1xi32>
        %parallel_loop3A_361 = vector.shape_cast %parallel_loop3A_360 : vector<16x1xi32> to vector<16xi32>
        %parallel_loop3A_362 = tpu.dynamic_gather %parallel_loop3A_345[%parallel_loop3A_361] in [0] : vector<16xi32>, vector<16xi32> -> vector<16xi32>
        %parallel_loop3A_363 = arith.cmpf olt, %parallel_loop3A_344, %parallel_loop3A_359 : vector<16xf32>
        %parallel_loop3A_364 = arith.cmpf oeq, %parallel_loop3A_344, %parallel_loop3A_359 : vector<16xf32>
        %parallel_loop3A_365 = arith.cmpi slt, %parallel_loop3A_345, %parallel_loop3A_362 : vector<16xi32>
        %parallel_loop3A_366 = arith.andi %parallel_loop3A_364, %parallel_loop3A_365 : vector<16xi1>
        %parallel_loop3A_367 = arith.ori %parallel_loop3A_363, %parallel_loop3A_366 : vector<16xi1>
        %parallel_loop3A_368 = arith.xori %parallel_loop3A_367, %parallel_loop3A_356 : vector<16xi1>
        %parallel_loop3A_369 = arith.select %parallel_loop3A_368, %parallel_loop3A_344, %parallel_loop3A_359 : vector<16xi1>, vector<16xf32>
        %parallel_loop3A_370 = arith.select %parallel_loop3A_368, %parallel_loop3A_345, %parallel_loop3A_362 : vector<16xi1>, vector<16xi32>
        %parallel_loop3A_371 = tpu.iota {dimensions = array<i32: 0>} : vector<16xi32>
        %parallel_loop3A_372 = arith.constant 8 : i32
        %parallel_loop3A_373 = vector.broadcast %parallel_loop3A_372 : i32 to vector<16xi32>
        %parallel_loop3A_374 = arith.xori %parallel_loop3A_371, %parallel_loop3A_373 : vector<16xi32>
        %parallel_loop3A_375 = tpu.iota {dimensions = array<i32: 0>} : vector<16xi32>
        %parallel_loop3A_376 = arith.constant 8 : i32
        %parallel_loop3A_377 = vector.broadcast %parallel_loop3A_376 : i32 to vector<16xi32>
        %parallel_loop3A_378 = arith.andi %parallel_loop3A_375, %parallel_loop3A_377 : vector<16xi32>
        %parallel_loop3A_379 = arith.constant 0 : i32
        %parallel_loop3A_380 = vector.broadcast %parallel_loop3A_379 : i32 to vector<16xi32>
        %parallel_loop3A_381 = arith.cmpi ne, %parallel_loop3A_378, %parallel_loop3A_380 : vector<16xi32>
        %parallel_loop3A_382 = vector.shape_cast %parallel_loop3A_374 : vector<16xi32> to vector<16x1xi32>
        %parallel_loop3A_383 = vector.shape_cast %parallel_loop3A_382 : vector<16x1xi32> to vector<16xi32>
        %parallel_loop3A_384 = tpu.dynamic_gather %parallel_loop3A_269[%parallel_loop3A_383] in [0] : vector<16xf32>, vector<16xi32> -> vector<16xf32>
        %parallel_loop3A_385 = vector.shape_cast %parallel_loop3A_374 : vector<16xi32> to vector<16x1xi32>
        %parallel_loop3A_386 = vector.shape_cast %parallel_loop3A_385 : vector<16x1xi32> to vector<16xi32>
        %parallel_loop3A_387 = tpu.dynamic_gather %parallel_loop3A_270[%parallel_loop3A_386] in [0] : vector<16xi32>, vector<16xi32> -> vector<16xi32>
        %parallel_loop3A_388 = arith.cmpf olt, %parallel_loop3A_269, %parallel_loop3A_384 : vector<16xf32>
        %parallel_loop3A_389 = arith.cmpf oeq, %parallel_loop3A_269, %parallel_loop3A_384 : vector<16xf32>
        %parallel_loop3A_390 = arith.cmpi slt, %parallel_loop3A_270, %parallel_loop3A_387 : vector<16xi32>
        %parallel_loop3A_391 = arith.andi %parallel_loop3A_389, %parallel_loop3A_390 : vector<16xi1>
        %parallel_loop3A_392 = arith.ori %parallel_loop3A_388, %parallel_loop3A_391 : vector<16xi1>
        %parallel_loop3A_393 = arith.xori %parallel_loop3A_392, %parallel_loop3A_381 : vector<16xi1>
        %parallel_loop3A_394 = arith.select %parallel_loop3A_393, %parallel_loop3A_269, %parallel_loop3A_384 : vector<16xi1>, vector<16xf32>
        %parallel_loop3A_395 = arith.select %parallel_loop3A_393, %parallel_loop3A_270, %parallel_loop3A_387 : vector<16xi1>, vector<16xi32>
        %parallel_loop3A_396 = tpu.iota {dimensions = array<i32: 0>} : vector<16xi32>
        %parallel_loop3A_397 = arith.constant 4 : i32
        %parallel_loop3A_398 = vector.broadcast %parallel_loop3A_397 : i32 to vector<16xi32>
        %parallel_loop3A_399 = arith.xori %parallel_loop3A_396, %parallel_loop3A_398 : vector<16xi32>
        %parallel_loop3A_400 = tpu.iota {dimensions = array<i32: 0>} : vector<16xi32>
        %parallel_loop3A_401 = arith.constant 4 : i32
        %parallel_loop3A_402 = vector.broadcast %parallel_loop3A_401 : i32 to vector<16xi32>
        %parallel_loop3A_403 = arith.andi %parallel_loop3A_400, %parallel_loop3A_402 : vector<16xi32>
        %parallel_loop3A_404 = arith.constant 0 : i32
        %parallel_loop3A_405 = vector.broadcast %parallel_loop3A_404 : i32 to vector<16xi32>
        %parallel_loop3A_406 = arith.cmpi ne, %parallel_loop3A_403, %parallel_loop3A_405 : vector<16xi32>
        %parallel_loop3A_407 = vector.shape_cast %parallel_loop3A_399 : vector<16xi32> to vector<16x1xi32>
        %parallel_loop3A_408 = vector.shape_cast %parallel_loop3A_407 : vector<16x1xi32> to vector<16xi32>
        %parallel_loop3A_409 = tpu.dynamic_gather %parallel_loop3A_394[%parallel_loop3A_408] in [0] : vector<16xf32>, vector<16xi32> -> vector<16xf32>
        %parallel_loop3A_410 = vector.shape_cast %parallel_loop3A_399 : vector<16xi32> to vector<16x1xi32>
        %parallel_loop3A_411 = vector.shape_cast %parallel_loop3A_410 : vector<16x1xi32> to vector<16xi32>
        %parallel_loop3A_412 = tpu.dynamic_gather %parallel_loop3A_395[%parallel_loop3A_411] in [0] : vector<16xi32>, vector<16xi32> -> vector<16xi32>
        %parallel_loop3A_413 = arith.cmpf olt, %parallel_loop3A_394, %parallel_loop3A_409 : vector<16xf32>
        %parallel_loop3A_414 = arith.cmpf oeq, %parallel_loop3A_394, %parallel_loop3A_409 : vector<16xf32>
        %parallel_loop3A_415 = arith.cmpi slt, %parallel_loop3A_395, %parallel_loop3A_412 : vector<16xi32>
        %parallel_loop3A_416 = arith.andi %parallel_loop3A_414, %parallel_loop3A_415 : vector<16xi1>
        %parallel_loop3A_417 = arith.ori %parallel_loop3A_413, %parallel_loop3A_416 : vector<16xi1>
        %parallel_loop3A_418 = arith.xori %parallel_loop3A_417, %parallel_loop3A_406 : vector<16xi1>
        %parallel_loop3A_419 = arith.select %parallel_loop3A_418, %parallel_loop3A_394, %parallel_loop3A_409 : vector<16xi1>, vector<16xf32>
        %parallel_loop3A_420 = arith.select %parallel_loop3A_418, %parallel_loop3A_395, %parallel_loop3A_412 : vector<16xi1>, vector<16xi32>
        %parallel_loop3A_421 = tpu.iota {dimensions = array<i32: 0>} : vector<16xi32>
        %parallel_loop3A_422 = arith.constant 2 : i32
        %parallel_loop3A_423 = vector.broadcast %parallel_loop3A_422 : i32 to vector<16xi32>
        %parallel_loop3A_424 = arith.xori %parallel_loop3A_421, %parallel_loop3A_423 : vector<16xi32>
        %parallel_loop3A_425 = tpu.iota {dimensions = array<i32: 0>} : vector<16xi32>
        %parallel_loop3A_426 = arith.constant 2 : i32
        %parallel_loop3A_427 = vector.broadcast %parallel_loop3A_426 : i32 to vector<16xi32>
        %parallel_loop3A_428 = arith.andi %parallel_loop3A_425, %parallel_loop3A_427 : vector<16xi32>
        %parallel_loop3A_429 = arith.constant 0 : i32
        %parallel_loop3A_430 = vector.broadcast %parallel_loop3A_429 : i32 to vector<16xi32>
        %parallel_loop3A_431 = arith.cmpi ne, %parallel_loop3A_428, %parallel_loop3A_430 : vector<16xi32>
        %parallel_loop3A_432 = vector.shape_cast %parallel_loop3A_424 : vector<16xi32> to vector<16x1xi32>
        %parallel_loop3A_433 = vector.shape_cast %parallel_loop3A_432 : vector<16x1xi32> to vector<16xi32>
        %parallel_loop3A_434 = tpu.dynamic_gather %parallel_loop3A_419[%parallel_loop3A_433] in [0] : vector<16xf32>, vector<16xi32> -> vector<16xf32>
        %parallel_loop3A_435 = vector.shape_cast %parallel_loop3A_424 : vector<16xi32> to vector<16x1xi32>
        %parallel_loop3A_436 = vector.shape_cast %parallel_loop3A_435 : vector<16x1xi32> to vector<16xi32>
        %parallel_loop3A_437 = tpu.dynamic_gather %parallel_loop3A_420[%parallel_loop3A_436] in [0] : vector<16xi32>, vector<16xi32> -> vector<16xi32>
        %parallel_loop3A_438 = arith.cmpf olt, %parallel_loop3A_419, %parallel_loop3A_434 : vector<16xf32>
        %parallel_loop3A_439 = arith.cmpf oeq, %parallel_loop3A_419, %parallel_loop3A_434 : vector<16xf32>
        %parallel_loop3A_440 = arith.cmpi slt, %parallel_loop3A_420, %parallel_loop3A_437 : vector<16xi32>
        %parallel_loop3A_441 = arith.andi %parallel_loop3A_439, %parallel_loop3A_440 : vector<16xi1>
        %parallel_loop3A_442 = arith.ori %parallel_loop3A_438, %parallel_loop3A_441 : vector<16xi1>
        %parallel_loop3A_443 = arith.xori %parallel_loop3A_442, %parallel_loop3A_431 : vector<16xi1>
        %parallel_loop3A_444 = arith.select %parallel_loop3A_443, %parallel_loop3A_419, %parallel_loop3A_434 : vector<16xi1>, vector<16xf32>
        %parallel_loop3A_445 = arith.select %parallel_loop3A_443, %parallel_loop3A_420, %parallel_loop3A_437 : vector<16xi1>, vector<16xi32>
        %parallel_loop3A_446 = tpu.iota {dimensions = array<i32: 0>} : vector<16xi32>
        %parallel_loop3A_447 = arith.constant 1 : i32
        %parallel_loop3A_448 = vector.broadcast %parallel_loop3A_447 : i32 to vector<16xi32>
        %parallel_loop3A_449 = arith.xori %parallel_loop3A_446, %parallel_loop3A_448 : vector<16xi32>
        %parallel_loop3A_450 = tpu.iota {dimensions = array<i32: 0>} : vector<16xi32>
        %parallel_loop3A_451 = arith.constant 1 : i32
        %parallel_loop3A_452 = vector.broadcast %parallel_loop3A_451 : i32 to vector<16xi32>
        %parallel_loop3A_453 = arith.andi %parallel_loop3A_450, %parallel_loop3A_452 : vector<16xi32>
        %parallel_loop3A_454 = arith.constant 0 : i32
        %parallel_loop3A_455 = vector.broadcast %parallel_loop3A_454 : i32 to vector<16xi32>
        %parallel_loop3A_456 = arith.cmpi ne, %parallel_loop3A_453, %parallel_loop3A_455 : vector<16xi32>
        %parallel_loop3A_457 = vector.shape_cast %parallel_loop3A_449 : vector<16xi32> to vector<16x1xi32>
        %parallel_loop3A_458 = vector.shape_cast %parallel_loop3A_457 : vector<16x1xi32> to vector<16xi32>
        %parallel_loop3A_459 = tpu.dynamic_gather %parallel_loop3A_444[%parallel_loop3A_458] in [0] : vector<16xf32>, vector<16xi32> -> vector<16xf32>
        %parallel_loop3A_460 = vector.shape_cast %parallel_loop3A_449 : vector<16xi32> to vector<16x1xi32>
        %parallel_loop3A_461 = vector.shape_cast %parallel_loop3A_460 : vector<16x1xi32> to vector<16xi32>
        %parallel_loop3A_462 = tpu.dynamic_gather %parallel_loop3A_445[%parallel_loop3A_461] in [0] : vector<16xi32>, vector<16xi32> -> vector<16xi32>
        %parallel_loop3A_463 = arith.cmpf olt, %parallel_loop3A_444, %parallel_loop3A_459 : vector<16xf32>
        %parallel_loop3A_464 = arith.cmpf oeq, %parallel_loop3A_444, %parallel_loop3A_459 : vector<16xf32>
        %parallel_loop3A_465 = arith.cmpi slt, %parallel_loop3A_445, %parallel_loop3A_462 : vector<16xi32>
        %parallel_loop3A_466 = arith.andi %parallel_loop3A_464, %parallel_loop3A_465 : vector<16xi1>
        %parallel_loop3A_467 = arith.ori %parallel_loop3A_463, %parallel_loop3A_466 : vector<16xi1>
        %parallel_loop3A_468 = arith.xori %parallel_loop3A_467, %parallel_loop3A_456 : vector<16xi1>
        %parallel_loop3A_469 = arith.select %parallel_loop3A_468, %parallel_loop3A_444, %parallel_loop3A_459 : vector<16xi1>, vector<16xf32>
        %parallel_loop3A_470 = arith.select %parallel_loop3A_468, %parallel_loop3A_445, %parallel_loop3A_462 : vector<16xi1>, vector<16xi32>
        %parallel_loop3A_471 = tpu.iota {dimensions = array<i32: 0>} : vector<16xi32>
        %parallel_loop3A_472 = arith.constant 15 : i32
        %parallel_loop3A_473 = vector.broadcast %parallel_loop3A_472 : i32 to vector<16xi32>
        %parallel_loop3A_474 = arith.subi %parallel_loop3A_473, %parallel_loop3A_471 : vector<16xi32>
        %parallel_loop3A_475 = vector.shape_cast %parallel_loop3A_474 : vector<16xi32> to vector<16x1xi32>
        %parallel_loop3A_476 = vector.shape_cast %parallel_loop3A_475 : vector<16x1xi32> to vector<16xi32>
        %parallel_loop3A_477 = tpu.dynamic_gather %parallel_loop3A_369[%parallel_loop3A_476] in [0] : vector<16xf32>, vector<16xi32> -> vector<16xf32>
        %parallel_loop3A_478 = vector.shape_cast %parallel_loop3A_474 : vector<16xi32> to vector<16x1xi32>
        %parallel_loop3A_479 = vector.shape_cast %parallel_loop3A_478 : vector<16x1xi32> to vector<16xi32>
        %parallel_loop3A_480 = tpu.dynamic_gather %parallel_loop3A_370[%parallel_loop3A_479] in [0] : vector<16xi32>, vector<16xi32> -> vector<16xi32>
        %parallel_loop3A_481 = arith.cmpf olt, %parallel_loop3A_232, %parallel_loop3A_477 : vector<16xf32>
        %parallel_loop3A_482 = arith.cmpf oeq, %parallel_loop3A_232, %parallel_loop3A_477 : vector<16xf32>
        %parallel_loop3A_483 = arith.cmpi slt, %parallel_loop3A_233, %parallel_loop3A_480 : vector<16xi32>
        %parallel_loop3A_484 = arith.andi %parallel_loop3A_482, %parallel_loop3A_483 : vector<16xi1>
        %parallel_loop3A_485 = arith.ori %parallel_loop3A_481, %parallel_loop3A_484 : vector<16xi1>
        %parallel_loop3A_486 = arith.select %parallel_loop3A_485, %parallel_loop3A_232, %parallel_loop3A_477 : vector<16xi1>, vector<16xf32>
        %parallel_loop3A_487 = arith.select %parallel_loop3A_485, %parallel_loop3A_233, %parallel_loop3A_480 : vector<16xi1>, vector<16xi32>
        %parallel_loop3A_488 = arith.select %parallel_loop3A_485, %parallel_loop3A_477, %parallel_loop3A_232 : vector<16xi1>, vector<16xf32>
        %parallel_loop3A_489 = arith.select %parallel_loop3A_485, %parallel_loop3A_480, %parallel_loop3A_233 : vector<16xi1>, vector<16xi32>
        %parallel_loop3A_490 = tpu.iota {dimensions = array<i32: 0>} : vector<16xi32>
        %parallel_loop3A_491 = arith.constant 8 : i32
        %parallel_loop3A_492 = vector.broadcast %parallel_loop3A_491 : i32 to vector<16xi32>
        %parallel_loop3A_493 = arith.xori %parallel_loop3A_490, %parallel_loop3A_492 : vector<16xi32>
        %parallel_loop3A_494 = tpu.iota {dimensions = array<i32: 0>} : vector<16xi32>
        %parallel_loop3A_495 = arith.constant 8 : i32
        %parallel_loop3A_496 = vector.broadcast %parallel_loop3A_495 : i32 to vector<16xi32>
        %parallel_loop3A_497 = arith.andi %parallel_loop3A_494, %parallel_loop3A_496 : vector<16xi32>
        %parallel_loop3A_498 = arith.constant 0 : i32
        %parallel_loop3A_499 = vector.broadcast %parallel_loop3A_498 : i32 to vector<16xi32>
        %parallel_loop3A_500 = arith.cmpi ne, %parallel_loop3A_497, %parallel_loop3A_499 : vector<16xi32>
        %parallel_loop3A_501 = vector.shape_cast %parallel_loop3A_493 : vector<16xi32> to vector<16x1xi32>
        %parallel_loop3A_502 = vector.shape_cast %parallel_loop3A_501 : vector<16x1xi32> to vector<16xi32>
        %parallel_loop3A_503 = tpu.dynamic_gather %parallel_loop3A_486[%parallel_loop3A_502] in [0] : vector<16xf32>, vector<16xi32> -> vector<16xf32>
        %parallel_loop3A_504 = vector.shape_cast %parallel_loop3A_493 : vector<16xi32> to vector<16x1xi32>
        %parallel_loop3A_505 = vector.shape_cast %parallel_loop3A_504 : vector<16x1xi32> to vector<16xi32>
        %parallel_loop3A_506 = tpu.dynamic_gather %parallel_loop3A_487[%parallel_loop3A_505] in [0] : vector<16xi32>, vector<16xi32> -> vector<16xi32>
        %parallel_loop3A_507 = arith.cmpf olt, %parallel_loop3A_486, %parallel_loop3A_503 : vector<16xf32>
        %parallel_loop3A_508 = arith.cmpf oeq, %parallel_loop3A_486, %parallel_loop3A_503 : vector<16xf32>
        %parallel_loop3A_509 = arith.cmpi slt, %parallel_loop3A_487, %parallel_loop3A_506 : vector<16xi32>
        %parallel_loop3A_510 = arith.andi %parallel_loop3A_508, %parallel_loop3A_509 : vector<16xi1>
        %parallel_loop3A_511 = arith.ori %parallel_loop3A_507, %parallel_loop3A_510 : vector<16xi1>
        %parallel_loop3A_512 = arith.xori %parallel_loop3A_511, %parallel_loop3A_500 : vector<16xi1>
        %parallel_loop3A_513 = arith.select %parallel_loop3A_512, %parallel_loop3A_486, %parallel_loop3A_503 : vector<16xi1>, vector<16xf32>
        %parallel_loop3A_514 = arith.select %parallel_loop3A_512, %parallel_loop3A_487, %parallel_loop3A_506 : vector<16xi1>, vector<16xi32>
        %parallel_loop3A_515 = tpu.iota {dimensions = array<i32: 0>} : vector<16xi32>
        %parallel_loop3A_516 = arith.constant 4 : i32
        %parallel_loop3A_517 = vector.broadcast %parallel_loop3A_516 : i32 to vector<16xi32>
        %parallel_loop3A_518 = arith.xori %parallel_loop3A_515, %parallel_loop3A_517 : vector<16xi32>
        %parallel_loop3A_519 = tpu.iota {dimensions = array<i32: 0>} : vector<16xi32>
        %parallel_loop3A_520 = arith.constant 4 : i32
        %parallel_loop3A_521 = vector.broadcast %parallel_loop3A_520 : i32 to vector<16xi32>
        %parallel_loop3A_522 = arith.andi %parallel_loop3A_519, %parallel_loop3A_521 : vector<16xi32>
        %parallel_loop3A_523 = arith.constant 0 : i32
        %parallel_loop3A_524 = vector.broadcast %parallel_loop3A_523 : i32 to vector<16xi32>
        %parallel_loop3A_525 = arith.cmpi ne, %parallel_loop3A_522, %parallel_loop3A_524 : vector<16xi32>
        %parallel_loop3A_526 = vector.shape_cast %parallel_loop3A_518 : vector<16xi32> to vector<16x1xi32>
        %parallel_loop3A_527 = vector.shape_cast %parallel_loop3A_526 : vector<16x1xi32> to vector<16xi32>
        %parallel_loop3A_528 = tpu.dynamic_gather %parallel_loop3A_513[%parallel_loop3A_527] in [0] : vector<16xf32>, vector<16xi32> -> vector<16xf32>
        %parallel_loop3A_529 = vector.shape_cast %parallel_loop3A_518 : vector<16xi32> to vector<16x1xi32>
        %parallel_loop3A_530 = vector.shape_cast %parallel_loop3A_529 : vector<16x1xi32> to vector<16xi32>
        %parallel_loop3A_531 = tpu.dynamic_gather %parallel_loop3A_514[%parallel_loop3A_530] in [0] : vector<16xi32>, vector<16xi32> -> vector<16xi32>
        %parallel_loop3A_532 = arith.cmpf olt, %parallel_loop3A_513, %parallel_loop3A_528 : vector<16xf32>
        %parallel_loop3A_533 = arith.cmpf oeq, %parallel_loop3A_513, %parallel_loop3A_528 : vector<16xf32>
        %parallel_loop3A_534 = arith.cmpi slt, %parallel_loop3A_514, %parallel_loop3A_531 : vector<16xi32>
        %parallel_loop3A_535 = arith.andi %parallel_loop3A_533, %parallel_loop3A_534 : vector<16xi1>
        %parallel_loop3A_536 = arith.ori %parallel_loop3A_532, %parallel_loop3A_535 : vector<16xi1>
        %parallel_loop3A_537 = arith.xori %parallel_loop3A_536, %parallel_loop3A_525 : vector<16xi1>
        %parallel_loop3A_538 = arith.select %parallel_loop3A_537, %parallel_loop3A_513, %parallel_loop3A_528 : vector<16xi1>, vector<16xf32>
        %parallel_loop3A_539 = arith.select %parallel_loop3A_537, %parallel_loop3A_514, %parallel_loop3A_531 : vector<16xi1>, vector<16xi32>
        %parallel_loop3A_540 = tpu.iota {dimensions = array<i32: 0>} : vector<16xi32>
        %parallel_loop3A_541 = arith.constant 2 : i32
        %parallel_loop3A_542 = vector.broadcast %parallel_loop3A_541 : i32 to vector<16xi32>
        %parallel_loop3A_543 = arith.xori %parallel_loop3A_540, %parallel_loop3A_542 : vector<16xi32>
        %parallel_loop3A_544 = tpu.iota {dimensions = array<i32: 0>} : vector<16xi32>
        %parallel_loop3A_545 = arith.constant 2 : i32
        %parallel_loop3A_546 = vector.broadcast %parallel_loop3A_545 : i32 to vector<16xi32>
        %parallel_loop3A_547 = arith.andi %parallel_loop3A_544, %parallel_loop3A_546 : vector<16xi32>
        %parallel_loop3A_548 = arith.constant 0 : i32
        %parallel_loop3A_549 = vector.broadcast %parallel_loop3A_548 : i32 to vector<16xi32>
        %parallel_loop3A_550 = arith.cmpi ne, %parallel_loop3A_547, %parallel_loop3A_549 : vector<16xi32>
        %parallel_loop3A_551 = vector.shape_cast %parallel_loop3A_543 : vector<16xi32> to vector<16x1xi32>
        %parallel_loop3A_552 = vector.shape_cast %parallel_loop3A_551 : vector<16x1xi32> to vector<16xi32>
        %parallel_loop3A_553 = tpu.dynamic_gather %parallel_loop3A_538[%parallel_loop3A_552] in [0] : vector<16xf32>, vector<16xi32> -> vector<16xf32>
        %parallel_loop3A_554 = vector.shape_cast %parallel_loop3A_543 : vector<16xi32> to vector<16x1xi32>
        %parallel_loop3A_555 = vector.shape_cast %parallel_loop3A_554 : vector<16x1xi32> to vector<16xi32>
        %parallel_loop3A_556 = tpu.dynamic_gather %parallel_loop3A_539[%parallel_loop3A_555] in [0] : vector<16xi32>, vector<16xi32> -> vector<16xi32>
        %parallel_loop3A_557 = arith.cmpf olt, %parallel_loop3A_538, %parallel_loop3A_553 : vector<16xf32>
        %parallel_loop3A_558 = arith.cmpf oeq, %parallel_loop3A_538, %parallel_loop3A_553 : vector<16xf32>
        %parallel_loop3A_559 = arith.cmpi slt, %parallel_loop3A_539, %parallel_loop3A_556 : vector<16xi32>
        %parallel_loop3A_560 = arith.andi %parallel_loop3A_558, %parallel_loop3A_559 : vector<16xi1>
        %parallel_loop3A_561 = arith.ori %parallel_loop3A_557, %parallel_loop3A_560 : vector<16xi1>
        %parallel_loop3A_562 = arith.xori %parallel_loop3A_561, %parallel_loop3A_550 : vector<16xi1>
        %parallel_loop3A_563 = arith.select %parallel_loop3A_562, %parallel_loop3A_538, %parallel_loop3A_553 : vector<16xi1>, vector<16xf32>
        %parallel_loop3A_564 = arith.select %parallel_loop3A_562, %parallel_loop3A_539, %parallel_loop3A_556 : vector<16xi1>, vector<16xi32>
        %parallel_loop3A_565 = tpu.iota {dimensions = array<i32: 0>} : vector<16xi32>
        %parallel_loop3A_566 = arith.constant 1 : i32
        %parallel_loop3A_567 = vector.broadcast %parallel_loop3A_566 : i32 to vector<16xi32>
        %parallel_loop3A_568 = arith.xori %parallel_loop3A_565, %parallel_loop3A_567 : vector<16xi32>
        %parallel_loop3A_569 = tpu.iota {dimensions = array<i32: 0>} : vector<16xi32>
        %parallel_loop3A_570 = arith.constant 1 : i32
        %parallel_loop3A_571 = vector.broadcast %parallel_loop3A_570 : i32 to vector<16xi32>
        %parallel_loop3A_572 = arith.andi %parallel_loop3A_569, %parallel_loop3A_571 : vector<16xi32>
        %parallel_loop3A_573 = arith.constant 0 : i32
        %parallel_loop3A_574 = vector.broadcast %parallel_loop3A_573 : i32 to vector<16xi32>
        %parallel_loop3A_575 = arith.cmpi ne, %parallel_loop3A_572, %parallel_loop3A_574 : vector<16xi32>
        %parallel_loop3A_576 = vector.shape_cast %parallel_loop3A_568 : vector<16xi32> to vector<16x1xi32>
        %parallel_loop3A_577 = vector.shape_cast %parallel_loop3A_576 : vector<16x1xi32> to vector<16xi32>
        %parallel_loop3A_578 = tpu.dynamic_gather %parallel_loop3A_563[%parallel_loop3A_577] in [0] : vector<16xf32>, vector<16xi32> -> vector<16xf32>
        %parallel_loop3A_579 = vector.shape_cast %parallel_loop3A_568 : vector<16xi32> to vector<16x1xi32>
        %parallel_loop3A_580 = vector.shape_cast %parallel_loop3A_579 : vector<16x1xi32> to vector<16xi32>
        %parallel_loop3A_581 = tpu.dynamic_gather %parallel_loop3A_564[%parallel_loop3A_580] in [0] : vector<16xi32>, vector<16xi32> -> vector<16xi32>
        %parallel_loop3A_582 = arith.cmpf olt, %parallel_loop3A_563, %parallel_loop3A_578 : vector<16xf32>
        %parallel_loop3A_583 = arith.cmpf oeq, %parallel_loop3A_563, %parallel_loop3A_578 : vector<16xf32>
        %parallel_loop3A_584 = arith.cmpi slt, %parallel_loop3A_564, %parallel_loop3A_581 : vector<16xi32>
        %parallel_loop3A_585 = arith.andi %parallel_loop3A_583, %parallel_loop3A_584 : vector<16xi1>
        %parallel_loop3A_586 = arith.ori %parallel_loop3A_582, %parallel_loop3A_585 : vector<16xi1>
        %parallel_loop3A_587 = arith.xori %parallel_loop3A_586, %parallel_loop3A_575 : vector<16xi1>
        %parallel_loop3A_588 = arith.select %parallel_loop3A_587, %parallel_loop3A_563, %parallel_loop3A_578 : vector<16xi1>, vector<16xf32>
        %parallel_loop3A_589 = arith.select %parallel_loop3A_587, %parallel_loop3A_564, %parallel_loop3A_581 : vector<16xi1>, vector<16xi32>
        %parallel_loop3A_590 = tpu.iota {dimensions = array<i32: 0>} : vector<16xi32>
        %parallel_loop3A_591 = arith.constant 8 : i32
        %parallel_loop3A_592 = vector.broadcast %parallel_loop3A_591 : i32 to vector<16xi32>
        %parallel_loop3A_593 = arith.xori %parallel_loop3A_590, %parallel_loop3A_592 : vector<16xi32>
        %parallel_loop3A_594 = tpu.iota {dimensions = array<i32: 0>} : vector<16xi32>
        %parallel_loop3A_595 = arith.constant 8 : i32
        %parallel_loop3A_596 = vector.broadcast %parallel_loop3A_595 : i32 to vector<16xi32>
        %parallel_loop3A_597 = arith.andi %parallel_loop3A_594, %parallel_loop3A_596 : vector<16xi32>
        %parallel_loop3A_598 = arith.constant 0 : i32
        %parallel_loop3A_599 = vector.broadcast %parallel_loop3A_598 : i32 to vector<16xi32>
        %parallel_loop3A_600 = arith.cmpi ne, %parallel_loop3A_597, %parallel_loop3A_599 : vector<16xi32>
        %parallel_loop3A_601 = vector.shape_cast %parallel_loop3A_593 : vector<16xi32> to vector<16x1xi32>
        %parallel_loop3A_602 = vector.shape_cast %parallel_loop3A_601 : vector<16x1xi32> to vector<16xi32>
        %parallel_loop3A_603 = tpu.dynamic_gather %parallel_loop3A_488[%parallel_loop3A_602] in [0] : vector<16xf32>, vector<16xi32> -> vector<16xf32>
        %parallel_loop3A_604 = vector.shape_cast %parallel_loop3A_593 : vector<16xi32> to vector<16x1xi32>
        %parallel_loop3A_605 = vector.shape_cast %parallel_loop3A_604 : vector<16x1xi32> to vector<16xi32>
        %parallel_loop3A_606 = tpu.dynamic_gather %parallel_loop3A_489[%parallel_loop3A_605] in [0] : vector<16xi32>, vector<16xi32> -> vector<16xi32>
        %parallel_loop3A_607 = arith.cmpf olt, %parallel_loop3A_488, %parallel_loop3A_603 : vector<16xf32>
        %parallel_loop3A_608 = arith.cmpf oeq, %parallel_loop3A_488, %parallel_loop3A_603 : vector<16xf32>
        %parallel_loop3A_609 = arith.cmpi slt, %parallel_loop3A_489, %parallel_loop3A_606 : vector<16xi32>
        %parallel_loop3A_610 = arith.andi %parallel_loop3A_608, %parallel_loop3A_609 : vector<16xi1>
        %parallel_loop3A_611 = arith.ori %parallel_loop3A_607, %parallel_loop3A_610 : vector<16xi1>
        %parallel_loop3A_612 = arith.xori %parallel_loop3A_611, %parallel_loop3A_600 : vector<16xi1>
        %parallel_loop3A_613 = arith.select %parallel_loop3A_612, %parallel_loop3A_488, %parallel_loop3A_603 : vector<16xi1>, vector<16xf32>
        %parallel_loop3A_614 = arith.select %parallel_loop3A_612, %parallel_loop3A_489, %parallel_loop3A_606 : vector<16xi1>, vector<16xi32>
        %parallel_loop3A_615 = tpu.iota {dimensions = array<i32: 0>} : vector<16xi32>
        %parallel_loop3A_616 = arith.constant 4 : i32
        %parallel_loop3A_617 = vector.broadcast %parallel_loop3A_616 : i32 to vector<16xi32>
        %parallel_loop3A_618 = arith.xori %parallel_loop3A_615, %parallel_loop3A_617 : vector<16xi32>
        %parallel_loop3A_619 = tpu.iota {dimensions = array<i32: 0>} : vector<16xi32>
        %parallel_loop3A_620 = arith.constant 4 : i32
        %parallel_loop3A_621 = vector.broadcast %parallel_loop3A_620 : i32 to vector<16xi32>
        %parallel_loop3A_622 = arith.andi %parallel_loop3A_619, %parallel_loop3A_621 : vector<16xi32>
        %parallel_loop3A_623 = arith.constant 0 : i32
        %parallel_loop3A_624 = vector.broadcast %parallel_loop3A_623 : i32 to vector<16xi32>
        %parallel_loop3A_625 = arith.cmpi ne, %parallel_loop3A_622, %parallel_loop3A_624 : vector<16xi32>
        %parallel_loop3A_626 = vector.shape_cast %parallel_loop3A_618 : vector<16xi32> to vector<16x1xi32>
        %parallel_loop3A_627 = vector.shape_cast %parallel_loop3A_626 : vector<16x1xi32> to vector<16xi32>
        %parallel_loop3A_628 = tpu.dynamic_gather %parallel_loop3A_613[%parallel_loop3A_627] in [0] : vector<16xf32>, vector<16xi32> -> vector<16xf32>
        %parallel_loop3A_629 = vector.shape_cast %parallel_loop3A_618 : vector<16xi32> to vector<16x1xi32>
        %parallel_loop3A_630 = vector.shape_cast %parallel_loop3A_629 : vector<16x1xi32> to vector<16xi32>
        %parallel_loop3A_631 = tpu.dynamic_gather %parallel_loop3A_614[%parallel_loop3A_630] in [0] : vector<16xi32>, vector<16xi32> -> vector<16xi32>
        %parallel_loop3A_632 = arith.cmpf olt, %parallel_loop3A_613, %parallel_loop3A_628 : vector<16xf32>
        %parallel_loop3A_633 = arith.cmpf oeq, %parallel_loop3A_613, %parallel_loop3A_628 : vector<16xf32>
        %parallel_loop3A_634 = arith.cmpi slt, %parallel_loop3A_614, %parallel_loop3A_631 : vector<16xi32>
        %parallel_loop3A_635 = arith.andi %parallel_loop3A_633, %parallel_loop3A_634 : vector<16xi1>
        %parallel_loop3A_636 = arith.ori %parallel_loop3A_632, %parallel_loop3A_635 : vector<16xi1>
        %parallel_loop3A_637 = arith.xori %parallel_loop3A_636, %parallel_loop3A_625 : vector<16xi1>
        %parallel_loop3A_638 = arith.select %parallel_loop3A_637, %parallel_loop3A_613, %parallel_loop3A_628 : vector<16xi1>, vector<16xf32>
        %parallel_loop3A_639 = arith.select %parallel_loop3A_637, %parallel_loop3A_614, %parallel_loop3A_631 : vector<16xi1>, vector<16xi32>
        %parallel_loop3A_640 = tpu.iota {dimensions = array<i32: 0>} : vector<16xi32>
        %parallel_loop3A_641 = arith.constant 2 : i32
        %parallel_loop3A_642 = vector.broadcast %parallel_loop3A_641 : i32 to vector<16xi32>
        %parallel_loop3A_643 = arith.xori %parallel_loop3A_640, %parallel_loop3A_642 : vector<16xi32>
        %parallel_loop3A_644 = tpu.iota {dimensions = array<i32: 0>} : vector<16xi32>
        %parallel_loop3A_645 = arith.constant 2 : i32
        %parallel_loop3A_646 = vector.broadcast %parallel_loop3A_645 : i32 to vector<16xi32>
        %parallel_loop3A_647 = arith.andi %parallel_loop3A_644, %parallel_loop3A_646 : vector<16xi32>
        %parallel_loop3A_648 = arith.constant 0 : i32
        %parallel_loop3A_649 = vector.broadcast %parallel_loop3A_648 : i32 to vector<16xi32>
        %parallel_loop3A_650 = arith.cmpi ne, %parallel_loop3A_647, %parallel_loop3A_649 : vector<16xi32>
        %parallel_loop3A_651 = vector.shape_cast %parallel_loop3A_643 : vector<16xi32> to vector<16x1xi32>
        %parallel_loop3A_652 = vector.shape_cast %parallel_loop3A_651 : vector<16x1xi32> to vector<16xi32>
        %parallel_loop3A_653 = tpu.dynamic_gather %parallel_loop3A_638[%parallel_loop3A_652] in [0] : vector<16xf32>, vector<16xi32> -> vector<16xf32>
        %parallel_loop3A_654 = vector.shape_cast %parallel_loop3A_643 : vector<16xi32> to vector<16x1xi32>
        %parallel_loop3A_655 = vector.shape_cast %parallel_loop3A_654 : vector<16x1xi32> to vector<16xi32>
        %parallel_loop3A_656 = tpu.dynamic_gather %parallel_loop3A_639[%parallel_loop3A_655] in [0] : vector<16xi32>, vector<16xi32> -> vector<16xi32>
        %parallel_loop3A_657 = arith.cmpf olt, %parallel_loop3A_638, %parallel_loop3A_653 : vector<16xf32>
        %parallel_loop3A_658 = arith.cmpf oeq, %parallel_loop3A_638, %parallel_loop3A_653 : vector<16xf32>
        %parallel_loop3A_659 = arith.cmpi slt, %parallel_loop3A_639, %parallel_loop3A_656 : vector<16xi32>
        %parallel_loop3A_660 = arith.andi %parallel_loop3A_658, %parallel_loop3A_659 : vector<16xi1>
        %parallel_loop3A_661 = arith.ori %parallel_loop3A_657, %parallel_loop3A_660 : vector<16xi1>
        %parallel_loop3A_662 = arith.xori %parallel_loop3A_661, %parallel_loop3A_650 : vector<16xi1>
        %parallel_loop3A_663 = arith.select %parallel_loop3A_662, %parallel_loop3A_638, %parallel_loop3A_653 : vector<16xi1>, vector<16xf32>
        %parallel_loop3A_664 = arith.select %parallel_loop3A_662, %parallel_loop3A_639, %parallel_loop3A_656 : vector<16xi1>, vector<16xi32>
        %parallel_loop3A_665 = tpu.iota {dimensions = array<i32: 0>} : vector<16xi32>
        %parallel_loop3A_666 = arith.constant 1 : i32
        %parallel_loop3A_667 = vector.broadcast %parallel_loop3A_666 : i32 to vector<16xi32>
        %parallel_loop3A_668 = arith.xori %parallel_loop3A_665, %parallel_loop3A_667 : vector<16xi32>
        %parallel_loop3A_669 = tpu.iota {dimensions = array<i32: 0>} : vector<16xi32>
        %parallel_loop3A_670 = arith.constant 1 : i32
        %parallel_loop3A_671 = vector.broadcast %parallel_loop3A_670 : i32 to vector<16xi32>
        %parallel_loop3A_672 = arith.andi %parallel_loop3A_669, %parallel_loop3A_671 : vector<16xi32>
        %parallel_loop3A_673 = arith.constant 0 : i32
        %parallel_loop3A_674 = vector.broadcast %parallel_loop3A_673 : i32 to vector<16xi32>
        %parallel_loop3A_675 = arith.cmpi ne, %parallel_loop3A_672, %parallel_loop3A_674 : vector<16xi32>
        %parallel_loop3A_676 = vector.shape_cast %parallel_loop3A_668 : vector<16xi32> to vector<16x1xi32>
        %parallel_loop3A_677 = vector.shape_cast %parallel_loop3A_676 : vector<16x1xi32> to vector<16xi32>
        %parallel_loop3A_678 = tpu.dynamic_gather %parallel_loop3A_663[%parallel_loop3A_677] in [0] : vector<16xf32>, vector<16xi32> -> vector<16xf32>
        %parallel_loop3A_679 = vector.shape_cast %parallel_loop3A_668 : vector<16xi32> to vector<16x1xi32>
        %parallel_loop3A_680 = vector.shape_cast %parallel_loop3A_679 : vector<16x1xi32> to vector<16xi32>
        %parallel_loop3A_681 = tpu.dynamic_gather %parallel_loop3A_664[%parallel_loop3A_680] in [0] : vector<16xi32>, vector<16xi32> -> vector<16xi32>
        %parallel_loop3A_682 = arith.cmpf olt, %parallel_loop3A_663, %parallel_loop3A_678 : vector<16xf32>
        %parallel_loop3A_683 = arith.cmpf oeq, %parallel_loop3A_663, %parallel_loop3A_678 : vector<16xf32>
        %parallel_loop3A_684 = arith.cmpi slt, %parallel_loop3A_664, %parallel_loop3A_681 : vector<16xi32>
        %parallel_loop3A_685 = arith.andi %parallel_loop3A_683, %parallel_loop3A_684 : vector<16xi1>
        %parallel_loop3A_686 = arith.ori %parallel_loop3A_682, %parallel_loop3A_685 : vector<16xi1>
        %parallel_loop3A_687 = arith.xori %parallel_loop3A_686, %parallel_loop3A_675 : vector<16xi1>
        %parallel_loop3A_688 = arith.select %parallel_loop3A_687, %parallel_loop3A_663, %parallel_loop3A_678 : vector<16xi1>, vector<16xf32>
        %parallel_loop3A_689 = arith.select %parallel_loop3A_687, %parallel_loop3A_664, %parallel_loop3A_681 : vector<16xi1>, vector<16xi32>
        scf.yield %parallel_loop3A_588, %parallel_loop3A_589, %parallel_loop3A_688, %parallel_loop3A_689 : vector<16xf32>, vector<16xi32>, vector<16xf32>, vector<16xi32>
      } {sc.loop_unroll_factor = 2 : i64, sc.parallel_access}
      %mul3A_187 = arith.constant 3 : i32
      %mul3A_188 = arith.muli %scan3A_73, %mul3A_187 : i32
      %mul3A_189 = arith.constant 32 : i32
      %mul3A_190 = arith.muli %mul3A_188, %mul3A_189 : i32
      %broadcast_in_dim3A_191 = vector.broadcast %mul3A_190 : i32 to vector<16xi32>
      %gather3A_192 = tpu.vector_load_idx %arg5[%parallel_loop3A_186#1] : memref<8192xf32, #tpu.memory_space<vmem>>[vector<16xi32>], vector<16xf32>,
      %sub3A_193 = arith.subf %gather3A_192, %gather3A : vector<16xf32>
      %gather3A_194 = tpu.vector_load_idx %arg6[%parallel_loop3A_186#1] : memref<8192xf32, #tpu.memory_space<vmem>>[vector<16xi32>], vector<16xf32>,
      %sub3A_195 = arith.subf %gather3A_194, %gather3A_83 : vector<16xf32>
      %gather3A_196 = tpu.vector_load_idx %arg7[%parallel_loop3A_186#1] : memref<8192xf32, #tpu.memory_space<vmem>>[vector<16xi32>], vector<16xf32>,
      %sub3A_197 = arith.subf %gather3A_196, %gather3A_89 : vector<16xf32>
      %broadcast_in_dim3A_198 = arith.constant 0 : i32
      %broadcast_in_dim3A_199 = vector.broadcast %broadcast_in_dim3A_198 : i32 to vector<16xi32>
      %add3A_200 = arith.addi %broadcast_in_dim3A_191, %broadcast_in_dim3A_199 : vector<16xi32>
      %mul3A_201 = arith.constant 3 : i32
      %mul3A_202 = vector.broadcast %mul3A_201 : i32 to vector<16xi32>
      %mul3A_203 = arith.muli %mul3A_202, %iota3A : vector<16xi32>
      %add3A_204 = arith.addi %add3A_200, %mul3A_203 : vector<16xi32>
      tpu.vector_store_idx %arg12[%add3A_204], %sub3A_193 : memref<24576xf32, #tpu.memory_space<vmem>>[vector<16xi32>], vector<16xf32>,
      %add3A_205 = arith.constant 1 : i32
      %add3A_206 = vector.broadcast %add3A_205 : i32 to vector<16xi32>
      %add3A_207 = arith.addi %add3A_204, %add3A_206 : vector<16xi32>
      tpu.vector_store_idx %arg12[%add3A_207], %sub3A_195 : memref<24576xf32, #tpu.memory_space<vmem>>[vector<16xi32>], vector<16xf32>,
      %add3A_208 = arith.constant 2 : i32
      %add3A_209 = vector.broadcast %add3A_208 : i32 to vector<16xi32>
      %add3A_210 = arith.addi %add3A_204, %add3A_209 : vector<16xi32>
      tpu.vector_store_idx %arg12[%add3A_210], %sub3A_197 : memref<24576xf32, #tpu.memory_space<vmem>>[vector<16xi32>], vector<16xf32>,
      %gather3A_211 = tpu.vector_load_idx %arg5[%parallel_loop3A_186#3] : memref<8192xf32, #tpu.memory_space<vmem>>[vector<16xi32>], vector<16xf32>,
      %sub3A_212 = arith.subf %gather3A_211, %gather3A : vector<16xf32>
      %gather3A_213 = tpu.vector_load_idx %arg6[%parallel_loop3A_186#3] : memref<8192xf32, #tpu.memory_space<vmem>>[vector<16xi32>], vector<16xf32>,
      %sub3A_214 = arith.subf %gather3A_213, %gather3A_83 : vector<16xf32>
      %gather3A_215 = tpu.vector_load_idx %arg7[%parallel_loop3A_186#3] : memref<8192xf32, #tpu.memory_space<vmem>>[vector<16xi32>], vector<16xf32>,
      %sub3A_216 = arith.subf %gather3A_215, %gather3A_89 : vector<16xf32>
      %broadcast_in_dim3A_217 = arith.constant 48 : i32
      %broadcast_in_dim3A_218 = vector.broadcast %broadcast_in_dim3A_217 : i32 to vector<16xi32>
      %add3A_219 = arith.addi %broadcast_in_dim3A_191, %broadcast_in_dim3A_218 : vector<16xi32>
      %mul3A_220 = arith.constant 3 : i32
      %mul3A_221 = vector.broadcast %mul3A_220 : i32 to vector<16xi32>
      %mul3A_222 = arith.muli %mul3A_221, %iota3A : vector<16xi32>
      %add3A_223 = arith.addi %add3A_219, %mul3A_222 : vector<16xi32>
      tpu.vector_store_idx %arg12[%add3A_223], %sub3A_212 : memref<24576xf32, #tpu.memory_space<vmem>>[vector<16xi32>], vector<16xf32>,
      %add3A_224 = arith.constant 1 : i32
      %add3A_225 = vector.broadcast %add3A_224 : i32 to vector<16xi32>
      %add3A_226 = arith.addi %add3A_223, %add3A_225 : vector<16xi32>
      tpu.vector_store_idx %arg12[%add3A_226], %sub3A_214 : memref<24576xf32, #tpu.memory_space<vmem>>[vector<16xi32>], vector<16xf32>,
      %add3A_227 = arith.constant 2 : i32
      %add3A_228 = vector.broadcast %add3A_227 : i32 to vector<16xi32>
      %add3A_229 = arith.addi %add3A_223, %add3A_228 : vector<16xi32>
      tpu.vector_store_idx %arg12[%add3A_229], %sub3A_216 : memref<24576xf32, #tpu.memory_space<vmem>>[vector<16xi32>], vector<16xf32>,
      %scan3A_230 = arith.constant 0 : i32
      scf.yield %scan3A_230 : i32
    }
    %scan3A_66 = arith.constant 256 : i32
    %mul3A_67 = arith.constant 256 : i32
    %mul3A_68 = arith.muli %add3A, %mul3A_67 : i32
    %mul3A_69 = arith.constant 3 : i32
    %mul3A_70 = arith.muli %mul3A_68, %mul3A_69 : i32
    %mul3A_71 = arith.constant 32 : i32
    %mul3A_72 = arith.muli %mul3A_70, %mul3A_71 : i32
    "tpu.region"() ({
      %run_scoped3A = tpu.sem_alloc : memref<!tpu.dma_semaphore, #tpu.memory_space<semaphore_mem>>
      %dma_start3A = tpu.memref_slice %arg4[%mul3A_72] : memref<786432xf32, #tpu.memory_space<hbm>> -> memref<24576xf32, #tpu.memory_space<hbm>>
      %dma_start3A_73 = tpu.memref_slice %arg4[%mul3A_72] : memref<786432xf32, #tpu.memory_space<hbm>> -> memref<24576xf32, #tpu.memory_space<hbm>>
      tpu.enqueue_dma source(%arg12 : memref<24576xf32, #tpu.memory_space<vmem>>) target(%dma_start3A_73 : memref<24576xf32, #tpu.memory_space<hbm>>) target_semaphore(%run_scoped3A : memref<!tpu.dma_semaphore, #tpu.memory_space<semaphore_mem>>)
      %dma_wait3A = tpu.memref_slice %arg4[%mul3A_72] : memref<786432xf32, #tpu.memory_space<hbm>> -> memref<24576xf32, #tpu.memory_space<hbm>>
      %dma_wait3A_74 = tpu.memref_slice %arg4[%mul3A_72] : memref<786432xf32, #tpu.memory_space<hbm>> -> memref<24576xf32, #tpu.memory_space<hbm>>
      tpu.wait_dma2 semaphore(%run_scoped3A : memref<!tpu.dma_semaphore, #tpu.memory_space<semaphore_mem>>) src(%arg12 : memref<24576xf32, #tpu.memory_space<vmem>>) dst(%dma_wait3A_74 : memref<24576xf32, #tpu.memory_space<hbm>>)
      tpu.yield
    }) : () -> ()
    return
  }
}

#map = affine_map<(d0, d1) -> (0)>
module attributes {stable_mosaic.version = 14 : i64} {
  func.func @_fps_body(%arg0: i32, %arg1: i32, %arg2: memref<393216xf32, #tpu.memory_space<hbm>>, %arg3: memref<24576xf32, #tpu.memory_space<hbm>>, %arg4: memref<8192xf32, #tpu.memory_space<vmem>>, %arg5: memref<8192xf32, #tpu.memory_space<vmem>>, %arg6: memref<8192xf32, #tpu.memory_space<vmem>>, %arg7: memref<8192xf32, #tpu.memory_space<vmem>>, %arg8: memref<1552xf32, #tpu.memory_space<vmem>>) attributes {dimension_semantics = [#tpu.dimension_semantics<core_parallel>, #tpu.dimension_semantics<subcore_parallel>], iteration_bounds = array<i64: 2, 16>, scalar_prefetch = 0 : i64, scratch_operands = 5 : i64, tpu.core_type = #tpu.core_type<sc_vector_subcore>, window_params = [{transform_indices = #map}, {transform_indices = #map}]} {
    %mul3A = arith.constant 2 : i32
    %mul3A_0 = arith.muli %arg1, %mul3A : i32
    %add3A = arith.addi %mul3A_0, %arg0 : i32
    %lt3A = arith.constant 16 : i32
    %lt3A_1 = arith.cmpi slt, %add3A, %lt3A : i32
    %convert_element_type3A = arith.extui %lt3A_1 : i1 to i32
    %cond3A = arith.constant 0 : i32
    %cond3A_2 = arith.cmpi ne, %convert_element_type3A, %cond3A : i32
    scf.if %cond3A_2 {
      %mul3A_3 = arith.constant 3 : i32
      %mul3A_4 = arith.muli %add3A, %mul3A_3 : i32
      %add3A_5 = arith.constant 0 : i32
      %add3A_6 = arith.addi %mul3A_4, %add3A_5 : i32
      %mul3A_7 = arith.constant 8192 : i32
      %mul3A_8 = arith.muli %add3A_6, %mul3A_7 : i32
      "tpu.region"() ({
        %run_scoped3A = tpu.sem_alloc : memref<!tpu.dma_semaphore, #tpu.memory_space<semaphore_mem>>
        %dma_start3A = tpu.memref_slice %arg2[%mul3A_8] : memref<393216xf32, #tpu.memory_space<hbm>> -> memref<8192xf32, #tpu.memory_space<hbm>>
        %dma_start3A_41 = tpu.memref_slice %arg2[%mul3A_8] : memref<393216xf32, #tpu.memory_space<hbm>> -> memref<8192xf32, #tpu.memory_space<hbm>>
        tpu.enqueue_dma source(%dma_start3A_41 : memref<8192xf32, #tpu.memory_space<hbm>>) target(%arg4 : memref<8192xf32, #tpu.memory_space<vmem>>) target_semaphore(%run_scoped3A : memref<!tpu.dma_semaphore, #tpu.memory_space<semaphore_mem>>)
        %dma_wait3A = tpu.memref_slice %arg2[%mul3A_8] : memref<393216xf32, #tpu.memory_space<hbm>> -> memref<8192xf32, #tpu.memory_space<hbm>>
        %dma_wait3A_42 = tpu.memref_slice %arg2[%mul3A_8] : memref<393216xf32, #tpu.memory_space<hbm>> -> memref<8192xf32, #tpu.memory_space<hbm>>
        tpu.wait_dma2 semaphore(%run_scoped3A : memref<!tpu.dma_semaphore, #tpu.memory_space<semaphore_mem>>) src(%dma_wait3A_42 : memref<8192xf32, #tpu.memory_space<hbm>>) dst(%arg4 : memref<8192xf32, #tpu.memory_space<vmem>>)
        tpu.yield
      }) : () -> ()
      %mul3A_9 = arith.constant 3 : i32
      %mul3A_10 = arith.muli %add3A, %mul3A_9 : i32
      %add3A_11 = arith.constant 1 : i32
      %add3A_12 = arith.addi %mul3A_10, %add3A_11 : i32
      %mul3A_13 = arith.constant 8192 : i32
      %mul3A_14 = arith.muli %add3A_12, %mul3A_13 : i32
      "tpu.region"() ({
        %run_scoped3A = tpu.sem_alloc : memref<!tpu.dma_semaphore, #tpu.memory_space<semaphore_mem>>
        %dma_start3A = tpu.memref_slice %arg2[%mul3A_14] : memref<393216xf32, #tpu.memory_space<hbm>> -> memref<8192xf32, #tpu.memory_space<hbm>>
        %dma_start3A_41 = tpu.memref_slice %arg2[%mul3A_14] : memref<393216xf32, #tpu.memory_space<hbm>> -> memref<8192xf32, #tpu.memory_space<hbm>>
        tpu.enqueue_dma source(%dma_start3A_41 : memref<8192xf32, #tpu.memory_space<hbm>>) target(%arg5 : memref<8192xf32, #tpu.memory_space<vmem>>) target_semaphore(%run_scoped3A : memref<!tpu.dma_semaphore, #tpu.memory_space<semaphore_mem>>)
        %dma_wait3A = tpu.memref_slice %arg2[%mul3A_14] : memref<393216xf32, #tpu.memory_space<hbm>> -> memref<8192xf32, #tpu.memory_space<hbm>>
        %dma_wait3A_42 = tpu.memref_slice %arg2[%mul3A_14] : memref<393216xf32, #tpu.memory_space<hbm>> -> memref<8192xf32, #tpu.memory_space<hbm>>
        tpu.wait_dma2 semaphore(%run_scoped3A : memref<!tpu.dma_semaphore, #tpu.memory_space<semaphore_mem>>) src(%dma_wait3A_42 : memref<8192xf32, #tpu.memory_space<hbm>>) dst(%arg5 : memref<8192xf32, #tpu.memory_space<vmem>>)
        tpu.yield
      }) : () -> ()
      %mul3A_15 = arith.constant 3 : i32
      %mul3A_16 = arith.muli %add3A, %mul3A_15 : i32
      %add3A_17 = arith.constant 2 : i32
      %add3A_18 = arith.addi %mul3A_16, %add3A_17 : i32
      %mul3A_19 = arith.constant 8192 : i32
      %mul3A_20 = arith.muli %add3A_18, %mul3A_19 : i32
      "tpu.region"() ({
        %run_scoped3A = tpu.sem_alloc : memref<!tpu.dma_semaphore, #tpu.memory_space<semaphore_mem>>
        %dma_start3A = tpu.memref_slice %arg2[%mul3A_20] : memref<393216xf32, #tpu.memory_space<hbm>> -> memref<8192xf32, #tpu.memory_space<hbm>>
        %dma_start3A_41 = tpu.memref_slice %arg2[%mul3A_20] : memref<393216xf32, #tpu.memory_space<hbm>> -> memref<8192xf32, #tpu.memory_space<hbm>>
        tpu.enqueue_dma source(%dma_start3A_41 : memref<8192xf32, #tpu.memory_space<hbm>>) target(%arg6 : memref<8192xf32, #tpu.memory_space<vmem>>) target_semaphore(%run_scoped3A : memref<!tpu.dma_semaphore, #tpu.memory_space<semaphore_mem>>)
        %dma_wait3A = tpu.memref_slice %arg2[%mul3A_20] : memref<393216xf32, #tpu.memory_space<hbm>> -> memref<8192xf32, #tpu.memory_space<hbm>>
        %dma_wait3A_42 = tpu.memref_slice %arg2[%mul3A_20] : memref<393216xf32, #tpu.memory_space<hbm>> -> memref<8192xf32, #tpu.memory_space<hbm>>
        tpu.wait_dma2 semaphore(%run_scoped3A : memref<!tpu.dma_semaphore, #tpu.memory_space<semaphore_mem>>) src(%dma_wait3A_42 : memref<8192xf32, #tpu.memory_space<hbm>>) dst(%arg6 : memref<8192xf32, #tpu.memory_space<vmem>>)
        tpu.yield
      }) : () -> ()
      %parallel_loop3A = arith.constant 0 : i32
      %parallel_loop3A_21 = arith.constant 512 : i32
      %parallel_loop3A_22 = arith.constant 1 : i32
      scf.for %parallel_loop3A_41 = %parallel_loop3A to %parallel_loop3A_21 step %parallel_loop3A_22  : i32 {
        %parallel_loop3A_42 = arith.constant 1.000000e+10 : f32
        %parallel_loop3A_43 = vector.broadcast %parallel_loop3A_42 : f32 to vector<16xf32>
        %parallel_loop3A_44 = arith.constant 16 : i32
        %parallel_loop3A_45 = arith.muli %parallel_loop3A_41, %parallel_loop3A_44 : i32
        %parallel_loop3A_46 = arith.index_cast %parallel_loop3A_45 : i32 to index
        %parallel_loop3A_47 = tpu.vector_load %arg7[%parallel_loop3A_46] {strides = array<i32>} : memref<8192xf32, #tpu.memory_space<vmem>>, vector<16xf32>,
        tpu.vector_store %arg7[%parallel_loop3A_46], %parallel_loop3A_43 {strides = array<i32>} : memref<8192xf32, #tpu.memory_space<vmem>>, vector<16xf32>,
      } {sc.loop_unroll_factor = 8 : i64, sc.parallel_access}
      %iota3A = tpu.iota {dimensions = array<i32: 0>} : vector<16xi32>
      %eq3A = arith.constant 0 : i32
      %eq3A_23 = vector.broadcast %eq3A : i32 to vector<16xi32>
      %eq3A_24 = arith.cmpi eq, %iota3A, %eq3A_23 : vector<16xi32>
      %eq3A_25 = arith.constant 1 : i32
      %eq3A_26 = vector.broadcast %eq3A_25 : i32 to vector<16xi32>
      %eq3A_27 = arith.cmpi eq, %iota3A, %eq3A_26 : vector<16xi32>
      %lt3A_28 = arith.constant 3 : i32
      %lt3A_29 = vector.broadcast %lt3A_28 : i32 to vector<16xi32>
      %lt3A_30 = arith.cmpi slt, %iota3A, %lt3A_29 : vector<16xi32>
      %broadcast_in_dim3A = arith.constant 0 : i32
      %broadcast_in_dim3A_31 = vector.broadcast %broadcast_in_dim3A : i32 to vector<16xi32>
      %scan3A = arith.constant 0 : i32
      %scan3A_32 = arith.constant 512 : i32
      %scan3A_33 = arith.addi %scan3A, %scan3A_32 : i32
      %scan3A_34 = arith.constant 1 : i32
      %scan3A_35 = scf.for %scan3A_41 = %scan3A to %scan3A_33 step %scan3A_34 iter_args(%scan3A_42 = %broadcast_in_dim3A_31) -> (vector<16xi32>)  : i32 {
        %gather3A = tpu.vector_load_idx %arg4[%scan3A_42] : memref<8192xf32, #tpu.memory_space<vmem>>[vector<16xi32>], vector<16xf32>,
        %gather3A_43 = tpu.vector_load_idx %arg5[%scan3A_42] : memref<8192xf32, #tpu.memory_space<vmem>>[vector<16xi32>], vector<16xf32>,
        %gather3A_44 = tpu.vector_load_idx %arg6[%scan3A_42] : memref<8192xf32, #tpu.memory_space<vmem>>[vector<16xi32>], vector<16xf32>,
        %select_n3A = arith.select %eq3A_27, %gather3A_43, %gather3A_44 : vector<16xi1>, vector<16xf32>
        %select_n3A_45 = arith.select %eq3A_24, %gather3A, %select_n3A : vector<16xi1>, vector<16xf32>
        %mul3A_46 = arith.constant 3 : i32
        %mul3A_47 = arith.muli %mul3A_46, %scan3A_41 : i32
        %broadcast_in_dim3A_48 = vector.broadcast %mul3A_47 : i32 to vector<16xi32>
        %add3A_49 = arith.addi %broadcast_in_dim3A_48, %iota3A : vector<16xi32>
        tpu.vector_store_idx %arg8[%add3A_49], %select_n3A_45 masked %lt3A_30 : memref<1552xf32, #tpu.memory_space<vmem>>[vector<16xi32>], vector<16xf32>, vector<16xi1>
        %broadcast_in_dim3A_50 = arith.constant 0xFF800000 : f32
        %broadcast_in_dim3A_51 = vector.broadcast %broadcast_in_dim3A_50 : f32 to vector<16xf32>
        %broadcast_in_dim3A_52 = arith.constant 0 : i32
        %broadcast_in_dim3A_53 = vector.broadcast %broadcast_in_dim3A_52 : i32 to vector<16xi32>
        %parallel_loop3A_54 = arith.constant 0 : i32
        %parallel_loop3A_55 = arith.constant 512 : i32
        %parallel_loop3A_56 = arith.constant 1 : i32
        %parallel_loop3A_57:2 = scf.for %parallel_loop3A_73 = %parallel_loop3A_54 to %parallel_loop3A_55 step %parallel_loop3A_56 iter_args(%parallel_loop3A_74 = %broadcast_in_dim3A_51, %parallel_loop3A_75 = %broadcast_in_dim3A_53) -> (vector<16xf32>, vector<16xi32>)  : i32 {
          %parallel_loop3A_76 = arith.constant 16 : i32
          %parallel_loop3A_77 = arith.muli %parallel_loop3A_73, %parallel_loop3A_76 : i32
          %parallel_loop3A_78 = arith.index_cast %parallel_loop3A_77 : i32 to index
          %parallel_loop3A_79 = tpu.vector_load %arg4[%parallel_loop3A_78] {strides = array<i32>} : memref<8192xf32, #tpu.memory_space<vmem>>, vector<16xf32>,
          %parallel_loop3A_80 = arith.subf %parallel_loop3A_79, %gather3A : vector<16xf32>
          %parallel_loop3A_81 = arith.index_cast %parallel_loop3A_77 : i32 to index
          %parallel_loop3A_82 = tpu.vector_load %arg5[%parallel_loop3A_81] {strides = array<i32>} : memref<8192xf32, #tpu.memory_space<vmem>>, vector<16xf32>,
          %parallel_loop3A_83 = arith.subf %parallel_loop3A_82, %gather3A_43 : vector<16xf32>
          %parallel_loop3A_84 = arith.index_cast %parallel_loop3A_77 : i32 to index
          %parallel_loop3A_85 = tpu.vector_load %arg6[%parallel_loop3A_84] {strides = array<i32>} : memref<8192xf32, #tpu.memory_space<vmem>>, vector<16xf32>,
          %parallel_loop3A_86 = arith.subf %parallel_loop3A_85, %gather3A_44 : vector<16xf32>
          %parallel_loop3A_87 = arith.mulf %parallel_loop3A_80, %parallel_loop3A_80 : vector<16xf32>
          %parallel_loop3A_88 = arith.mulf %parallel_loop3A_83, %parallel_loop3A_83 : vector<16xf32>
          %parallel_loop3A_89 = arith.addf %parallel_loop3A_87, %parallel_loop3A_88 : vector<16xf32>
          %parallel_loop3A_90 = arith.mulf %parallel_loop3A_86, %parallel_loop3A_86 : vector<16xf32>
          %parallel_loop3A_91 = arith.addf %parallel_loop3A_89, %parallel_loop3A_90 : vector<16xf32>
          %parallel_loop3A_92 = arith.index_cast %parallel_loop3A_77 : i32 to index
          %parallel_loop3A_93 = tpu.vector_load %arg7[%parallel_loop3A_92] {strides = array<i32>} : memref<8192xf32, #tpu.memory_space<vmem>>, vector<16xf32>,
          %parallel_loop3A_94 = arith.minimumf %parallel_loop3A_93, %parallel_loop3A_91 : vector<16xf32>
          %parallel_loop3A_95 = arith.index_cast %parallel_loop3A_77 : i32 to index
          %parallel_loop3A_96 = tpu.vector_load %arg7[%parallel_loop3A_95] {strides = array<i32>} : memref<8192xf32, #tpu.memory_space<vmem>>, vector<16xf32>,
          tpu.vector_store %arg7[%parallel_loop3A_95], %parallel_loop3A_94 {strides = array<i32>} : memref<8192xf32, #tpu.memory_space<vmem>>, vector<16xf32>,
          %parallel_loop3A_97 = arith.cmpf ogt, %parallel_loop3A_94, %parallel_loop3A_74 : vector<16xf32>
          %parallel_loop3A_98 = arith.select %parallel_loop3A_97, %parallel_loop3A_94, %parallel_loop3A_74 : vector<16xi1>, vector<16xf32>
          %parallel_loop3A_99 = arith.constant 16 : i32
          %parallel_loop3A_100 = arith.muli %parallel_loop3A_73, %parallel_loop3A_99 : i32
          %parallel_loop3A_101 = vector.broadcast %parallel_loop3A_100 : i32 to vector<16xi32>
          %parallel_loop3A_102 = arith.addi %parallel_loop3A_101, %iota3A : vector<16xi32>
          %parallel_loop3A_103 = arith.select %parallel_loop3A_97, %parallel_loop3A_102, %parallel_loop3A_75 : vector<16xi1>, vector<16xi32>
          scf.yield %parallel_loop3A_98, %parallel_loop3A_103 : vector<16xf32>, vector<16xi32>
        } {sc.loop_unroll_factor = 4 : i64, sc.parallel_access}
        %reduce_max3A = arith.constant true
        %reduce_max3A_58 = vector.broadcast %reduce_max3A : i1 to vector<16xi1>
        %reduce_max3A_59 = tpu.scan <max>, %parallel_loop3A_57#0 masked %reduce_max3A_58 : vector<16xf32>, vector<16xi1> -> vector<16xf32>
        %reduce_max3A_60 = vector.extract %reduce_max3A_59[15] : f32 from vector<16xf32>
        %eq3A_61 = vector.broadcast %reduce_max3A_60 : f32 to vector<16xf32>
        %eq3A_62 = arith.cmpf oeq, %parallel_loop3A_57#0, %eq3A_61 : vector<16xf32>
        %jit3A = arith.constant 1073741824 : i32
        %broadcast_in_dim3A_63 = vector.broadcast %jit3A : i32 to vector<16xi32>
        %select_n3A_64 = arith.select %eq3A_62, %parallel_loop3A_57#1, %broadcast_in_dim3A_63 : vector<16xi1>, vector<16xi32>
        %reduce_min3A = arith.constant true
        %reduce_min3A_65 = vector.broadcast %reduce_min3A : i1 to vector<16xi1>
        %reduce_min3A_66 = arith.constant -2147483648 : i32
        %reduce_min3A_67 = vector.broadcast %reduce_min3A_66 : i32 to vector<16xi32>
        %reduce_min3A_68 = arith.xori %select_n3A_64, %reduce_min3A_67 : vector<16xi32>
        %reduce_min3A_69 = tpu.scan <min>, %reduce_min3A_68 masked %reduce_min3A_65 : vector<16xi32>, vector<16xi1> -> vector<16xi32>
        %reduce_min3A_70 = arith.xori %reduce_min3A_69, %reduce_min3A_67 : vector<16xi32>
        %reduce_min3A_71 = vector.extract %reduce_min3A_70[15] : i32 from vector<16xi32>
        %broadcast_in_dim3A_72 = vector.broadcast %reduce_min3A_71 : i32 to vector<16xi32>
        scf.yield %broadcast_in_dim3A_72 : vector<16xi32>
      }
      %scan3A_36 = arith.constant 512 : i32
      %mul3A_37 = arith.constant 3 : i32
      %mul3A_38 = arith.muli %add3A, %mul3A_37 : i32
      %mul3A_39 = arith.constant 512 : i32
      %mul3A_40 = arith.muli %mul3A_38, %mul3A_39 : i32
      "tpu.region"() ({
        %run_scoped3A = tpu.sem_alloc : memref<!tpu.dma_semaphore, #tpu.memory_space<semaphore_mem>>
        %dma_start3A = arith.constant 0 : i32
        %dma_start3A_41 = tpu.memref_slice %arg8[%dma_start3A] : memref<1552xf32, #tpu.memory_space<vmem>> -> memref<1536xf32, #tpu.memory_space<vmem>>
        %dma_start3A_42 = tpu.memref_slice %arg3[%mul3A_40] : memref<24576xf32, #tpu.memory_space<hbm>> -> memref<1536xf32, #tpu.memory_space<hbm>>
        %dma_start3A_43 = tpu.memref_slice %arg3[%mul3A_40] : memref<24576xf32, #tpu.memory_space<hbm>> -> memref<1536xf32, #tpu.memory_space<hbm>>
        %dma_start3A_44 = arith.constant 0 : i32
        %dma_start3A_45 = tpu.memref_slice %arg8[%dma_start3A_44] : memref<1552xf32, #tpu.memory_space<vmem>> -> memref<1536xf32, #tpu.memory_space<vmem>>
        tpu.enqueue_dma source(%dma_start3A_45 : memref<1536xf32, #tpu.memory_space<vmem>>) target(%dma_start3A_43 : memref<1536xf32, #tpu.memory_space<hbm>>) target_semaphore(%run_scoped3A : memref<!tpu.dma_semaphore, #tpu.memory_space<semaphore_mem>>)
        %dma_wait3A = arith.constant 0 : i32
        %dma_wait3A_46 = tpu.memref_slice %arg8[%dma_wait3A] : memref<1552xf32, #tpu.memory_space<vmem>> -> memref<1536xf32, #tpu.memory_space<vmem>>
        %dma_wait3A_47 = tpu.memref_slice %arg3[%mul3A_40] : memref<24576xf32, #tpu.memory_space<hbm>> -> memref<1536xf32, #tpu.memory_space<hbm>>
        %dma_wait3A_48 = tpu.memref_slice %arg3[%mul3A_40] : memref<24576xf32, #tpu.memory_space<hbm>> -> memref<1536xf32, #tpu.memory_space<hbm>>
        %dma_wait3A_49 = arith.constant 0 : i32
        %dma_wait3A_50 = tpu.memref_slice %arg8[%dma_wait3A_49] : memref<1552xf32, #tpu.memory_space<vmem>> -> memref<1536xf32, #tpu.memory_space<vmem>>
        tpu.wait_dma2 semaphore(%run_scoped3A : memref<!tpu.dma_semaphore, #tpu.memory_space<semaphore_mem>>) src(%dma_wait3A_50 : memref<1536xf32, #tpu.memory_space<vmem>>) dst(%dma_wait3A_48 : memref<1536xf32, #tpu.memory_space<hbm>>)
        tpu.yield
      }) : () -> ()
    } else {
    }
    return
  }
}

</mosaic_0001>

<sc_bundles>
// kernel: kernel.4.cloned.1.call-start
scs
__scs_entry_jumppad:
0x0: {  	(pc) =	sbr.rel $0x88, $3  }
0x1: {  	(tag) =	ssettag $0x0;
	lr =	simm.s32 $0x1  }
0x2: {  	[smem:$0x3FA0] =	sst lr;
	_ =	strace $0xD0000000  }
0x3: {  	_ = 	snop  }
0x4: {  	_ = 	snop  }
0x5: {  	_ = 	snop  }
0x6: {  	_ = 	snop  }
0x7: {  	_ = 	snop  }
__scs_overlays_trampoline_lowered:
0x8: {  	[smem:$0x3FAF] =	sst s0  }
0x9: {  	[smem:$0x3FB0] =	sst s1  }
0xa: {  	[smem:$0x3FB1] =	sst s2  }
0xb: {  	[smem:$0x3FB2] =	sst s3  }
0xc: {  	[smem:$0x3FB3] =	sst s4  }
0xd: {  	[smem:$0x3FB4] =	sst s5  }
0xe: {  	[smem:$0x3FB5] =	sst s6  }
0xf: {  	[smem:$0x3FB6] =	sst s7  }
0x10: {  	[smem:$0x3FB7] =	sst s8  }
0x11: {  	[smem:$0x3FB8] =	sst s9;
	s0 =	simm.s32 @!p0 $0x0  }
0x12: {  	s1 =	sld [smem:$0x3F9E];
	s0 =	simm.s32 @p0 $0x1  }
0x13: {  	[smem:$0x3FB9] =	sst s0;
	s0 =	simm.s32 @!p1 $0x0  }
0x14: {  	s2 =	sld [smem:$0x3F9D];
	s0 =	simm.s32 @p1 $0x1  }
0x15: {  	[smem:$0x3FBA] =	sst s0;
	s0 =	simm.s32 @!p2 $0x0  }
0x16: {  	s3 =	sld [smem:$0x3FDB];
	s0 =	simm.s32 @p2 $0x1  }
0x17: {  	s4 =	simm.s32 $0x1BF5;
	[smem:$0x3FBC] =	sst s0  }
0x18: {  	s0 =	sld [smem:$0x3F9F];
	_ =	swait.ge [sflag:s4], $0x0  }
0x19: {  	s7 =	sld [smem:$0x3FA0]  }
0x1a: {  	s8 =	sadd.s32 $0xFFFFE003, lr  }
0x1b: {  	s9 =	sadd.s32 $0xFFFFFEF7, lr;
	s5 =	simm.s32 $0xFFFFFFFF;
	p2 =	slt.u32 s8, $0xFFFFF086  }
0x1c: {  	p1 =	slt.u32 s9, $0xF7A;
	s5 =	simm.s32 @!p2 $0x0  }
0x1d: {  	s5 =	simm.s32 @p1 $0x1;
	p0 =	seq.s32 s7, s2  }
0x1e: {  	s7 =	smul.u32 @!p0 $0xF7A, s2;
	p2 =	seq.s32 @!p0 s5, $0x0  }
0x1f: {  	s9 =	smul.u32 $0xF7A, s1;
	s8 =	simm.s32 @!p0 $0x1BF5;
	p2 =	por !p2, p0  }
0x20: {  	[sflag:s8] =	ssyncset.s32 @!p0 $0xFFFFF086;
	s6 =	sadd.s32 @!p0 s3, s7;
	s7 =	simm.s32 @!p0 $0x108  }
0x21: {  	s3 =	sadd.s32 s3, s9;
	s6 =	sadd.s32 @!p0 $0x88, s6;
	s7 =	simm.s32 @p2 $0x1082  }
0x22: {  	[simem:s7], [sflag:s8] =	dma.local @!p0 [hbm:s6], $0xF7A  }
0x23: {  	s9 =	sor.u32 $0xD0000000, s2;
	s6 =	simm.s32 $0x108;
	_ =	swait.ge @!p0 [sflag:s8], $0x0  }
0x24: {  	s3 =	sadd.s32 $0x88, s3;
	s6 =	simm.s32 @!p1 $0x1082;
	[sflag:s4] =	ssyncset.s32 $0xFFFFF086  }
0x25: {  	[simem:s6], [sflag:s4] =	dma.local [hbm:s3], $0xF7A  }
0x26: {  	[smem:$0x3FA0] =	sst s1;
	(tag) =	ssettag s2;
	_ =	strace s9  }
0x27: {  	s1 =	sld [smem:$0x3FB0]  }
0x28: {  	s2 =	sld [smem:$0x3FB1]  }
0x29: {  	s4 =	sld [smem:$0x3FB3]  }
0x2a: {  	p0 =	seq.s32 s5, $0x0;
	s5 =	sld [smem:$0x3FB4]  }
0x2b: {  	s6 =	sld [smem:$0x3FB5]  }
0x2c: {  	s7 =	sld [smem:$0x3FB6]  }
0x2d: {  	s3 =	simm.s32 $0x108;
	s8 =	sld [smem:$0x3FB7]  }
0x2e: {  	s3 =	simm.s32 @!p0 $0x1082;
	s9 =	sld [smem:$0x3FB8]  }
0x2f: {  	lr =	sadd.s32 s0, s3;
	s0 =	sld [smem:$0x3FAF]  }
0x30: {  	s3 =	sld [smem:$0x3FB2]  }
0x31: {  	[smem:$0x3FBB] =	sst s10  }
0x32: {  	s10 =	sld [smem:$0x3FB9];
	_ =	sdelay $0x3  }
0x33: {  	p0 =	seq.s32 s10, $0x1;
	s10 =	sld [smem:$0x3FBB];
	_ =	sdelay $0x3  }
0x34: {  	[smem:$0x3FBB] =	sst s10  }
0x35: {  	s10 =	sld [smem:$0x3FBA];
	_ =	sdelay $0x3  }
0x36: {  	p1 =	seq.s32 s10, $0x1;
	s10 =	sld [smem:$0x3FBB];
	_ =	sdelay $0x3  }
0x37: {  	[smem:$0x3FBB] =	sst s10  }
0x38: {  	s10 =	sld [smem:$0x3FBC]  }
0x39: {  	_ = 	snop;
	(pc) =	sbr.ind lr, $3  }
0x3a: {  	_ = 	snop  }
0x3b: {  	_ = 	snop  }
0x3c: {  	p2 =	seq.s32 s10, $0x1;
	s10 =	sld [smem:$0x3FBB]  }
0x3d: {  	_ =	shalt  }
0x3e: {  	_ =	shalt  }
0x3f: {  	_ =	shalt  }
0x40: {  	_ =	shalt  }
0x41: {  	_ =	shalt  }
0x42: {  	_ =	shalt  }
0x43: {  	_ =	shalt  }
0x44: {  	_ =	shalt  }
0x45: {  	_ =	shalt  }
0x46: {  	_ =	shalt  }
0x47: {  	_ =	shalt  }
0x48: {  	_ =	shalt  }
0x49: {  	_ =	shalt  }
0x4a: {  	_ =	shalt  }
0x4b: {  	_ =	shalt  }
0x4c: {  	_ =	shalt  }
0x4d: {  	_ =	shalt  }
0x4e: {  	_ =	shalt  }
0x4f: {  	_ =	shalt  }
0x50: {  	_ =	shalt  }
0x51: {  	_ =	shalt  }
0x52: {  	_ =	shalt  }
0x53: {  	_ =	shalt  }
0x54: {  	_ =	shalt  }
0x55: {  	_ =	shalt  }
0x56: {  	_ =	shalt  }
0x57: {  	_ =	shalt  }
0x58: {  	_ =	shalt  }
0x59: {  	_ =	shalt  }
0x5a: {  	_ =	shalt  }
0x5b: {  	_ =	shalt  }
0x5c: {  	_ =	shalt  }
0x5d: {  	_ =	shalt  }
0x5e: {  	_ =	shalt  }
0x5f: {  	_ =	shalt  }
0x60: {  	_ =	shalt  }
0x61: {  	_ =	shalt  }
0x62: {  	_ =	shalt  }
0x63: {  	_ =	shalt  }
0x64: {  	_ =	shalt  }
0x65: {  	_ =	shalt  }
0x66: {  	_ =	shalt  }
0x67: {  	_ =	shalt  }
0x68: {  	_ =	shalt  }
0x69: {  	_ =	shalt  }
0x6a: {  	_ =	shalt  }
0x6b: {  	_ =	shalt  }
0x6c: {  	_ =	shalt  }
0x6d: {  	_ =	shalt  }
0x6e: {  	_ =	shalt  }
0x6f: {  	_ =	shalt  }
0x70: {  	_ =	shalt  }
0x71: {  	_ =	shalt  }
0x72: {  	_ =	shalt  }
0x73: {  	_ =	shalt  }
0x74: {  	_ =	shalt  }
0x75: {  	_ =	shalt  }
0x76: {  	_ =	shalt  }
0x77: {  	_ =	shalt  }
0x78: {  	_ =	shalt  }
0x79: {  	_ =	shalt  }
0x7a: {  	_ =	shalt  }
0x7b: {  	_ =	shalt  }
0x7c: {  	_ =	shalt  }
0x7d: {  	_ =	shalt  }
0x7e: {  	_ =	shalt  }
0x7f: {  	_ =	shalt  }
0x80: {  	_ =	shalt  }
0x81: {  	_ =	shalt  }
0x82: {  	_ =	shalt  }
0x83: {  	_ =	shalt  }
0x84: {  	_ =	shalt  }
0x85: {  	_ =	shalt  }
0x86: {  	_ =	shalt  }
0x87: {  	_ =	shalt  }
.Lfunc_end0:
.L_simem_size_0:
called_computation_lowered:
.L_overlay_start_0:
0x88: {  	s2 =	sld [smem:$0x3FD9]  }
0x89: {  	s3 =	sld [smem:$0x3FFE];
	_ =	sdelay $0x1  }
0x8a: {  	s1 =	srdreg.scid  }
0x8b: {  	s0 =	sand.u32 $0x1, s1  }
0x8c: {  	s16 =	sshll.u32 s0, $0xA;
	s2 =	sadd.s32 s3, s2  }
0x8d: {  	s2 =	sadd.s32 s2, s16  }
0x8e: {  	[smem:$0x3FC7] =	sst s2  }
0x8f: {  	_ = 	snop  }
0x90: {  	(tm) =	ssettm $0x1  }
0x91: {  	s17 =	sld [smem:$0x3FFB];
	_ =	sdelay $0x3  }
0x92: {  	_ =	strace s17  }
0x93: {  	s2 =	sld [smem:$0x3FFC];
	_ =	sdelay $0x3  }
0x94: {  	_ =	strace s2  }
0x95: {  	s2 =	sld [smem:$0x3FFD];
	_ =	sdelay $0x3  }
0x96: {  	_ =	strace s2  }
0x97: {  	_ =	strace $0x8FFFFFFF  }
0x98: {  	s18 =	sld [smem:$0x3FDB];
	_ =	sdelay $0x1  }
0x99: {  	s19 =	simm.s32 $_scs_section_size  }
0x9a: {  	s4 =	simm.s32 $_size__tile_overlayer_lowered;
	s5 =	simm.s32 $_tile_overlayer_lowered  }
0x9b: {  	s22 =	simm.s32 $0x1BFF;
	s21 =	sshll.u32 s5, $0x1;
	s2 =	sadd.s32 s19, s18  }
0x9c: {  	s6 =	simm.s32 $0x0;
	s20 =	sshll.u32 s4, $0x1;
	s4 =	sadd.s32 s21, s2  }
0x9d: {  	[timem:s6], [sflag:s22] =	dma.local [hbm:s4], s20  }
0x9e: {  	_ =	swait.ge [sflag:s22], s20  }
0x9f: {  	s3 =	ssub.s32 $0x0, s20;
	[sflag:s22] =	ssyncset.done $0x0  }
0xa0: {  	[sflag:s22] =	ssyncadd.s32 s3;
	_ =	sdelay $0x1  }
0xa1: {  	s23 =	simm.s32 $0x1B8B  }
0xa2: {  	_ =	swait.ge [sflag:s23], $0x1  }
0xa3: {  	[sflag:s23] =	ssyncset.done $0x0  }
0xa4: {  	s25 =	simm.s32 $0x1B8E;
	s24 =	sld [smem:$0x3FFE];
	[sflag:s23] =	ssyncadd.s32 $0xFFFFFFFF  }
0xa5: {  	s26 =	simm.s32 $execute0_lowered;
	[smem:$0x3FD2] =	sst s25  }
0xa6: {  	s4 =	sshll.u32 s26, $0x1;
	_ =	strace $0x80000046;
	[dreg:$0x1] =	wrdreg $0xFFFFFFFF  }
0xa7: {  	s28 =	simm.s32 $_size_execute0_lowered;
	s2 =	sadd.s32 s2, s4;
	[dreg:$0x0] =	wrdreg $0x0  }
0xa8: {  	s4 =	sshll.u32 s28, $0x1;
	[dreg:$0x2] =	wrdreg s2  }
0xa9: {  	[dreg:$0x3] =	wrdreg s4  }
0xaa: {  	[dreg:$0x4] =	wrdreg $0xC0  }
0xab: {  	_ =	task [dreg:s6], $0x5FFFF  }
0xac: {  	[dreg:$0x1] =	wrdreg $0xFFFFFFFF  }
0xad: {  	[dreg:$0x0] =	wrdreg $0x60  }
0xae: {  	[dreg:$0x2] =	wrdreg s24  }
0xaf: {  	[dreg:$0x3] =	wrdreg $0x9  }
0xb0: {  	_ =	task.clear_ibuf [dreg:s6], $0x4FFFF;
	_ =	strace $0x90000046  }
0xb1: {  	s29 =	simm.s32 $0x9;
	_ =	strace $0x80000048  }
0xb2: {  	_ =	swait.ge [sflag:s29], $0x1  }
0xb3: {  	[sflag:s29] =	ssyncadd.s32 $0xFFFFFFFF  }
0xb4: {  	_ =	strace $0x90000048  }
0xb5: {  	_ =	sfence  }
0xb6: {  	s30 =	sld [smem:$0x0];
	_ =	sdelay $0x2  }
0xb7: {  	s31 =	sshll.u32 s1, $0xD;
	s1 =	sshrl.u32 s1, $0x2  }
0xb8: {  	s3 =	sand.u32 $0x4000, s31;
	s1 =	sadd.s32 s1, s30  }
0xb9: {  	s0 =	sor.u32 s3, s0;
	s1 =	sshll.u32 s1, $0x11  }
0xba: {  	s0 =	sor.u32 s1, s0  }
0xbb: {  	s0 =	sadd.s32 $0x8F2B, s0  }
0xbc: {  	[sflag:s0] =	ssyncadd.remote.s32 $0x1  }
0xbd: {  	_ =	sfence.sel $0xFFFF  }
0xbe: {  	[dreg:$0x0] =	wrdreg $0xFFFFFFFF;
	(pc) =	sbr.abs _section_cstart, $3  }
0xbf: {  	[dreg:$0x1] =	wrdreg $0xFFFFFFFF  }
0xc0: {  	_ =	task.clear_ibuf [dreg:s6], $0x2FFFF;
	_ =	strace $0x9FFFFFFF  }
0xc1: {  	(tm) =	ssettm $0x7FFFFFFF  }
tec
execute0_lowered:
.L_overlay_start_1:
0x0: {  	(tag) =	ssettag $0x1  }
0x1: {  	s1 =	stileid.u32  }
0x2: {  	p0 =	sgt.u32 s1, $0x7  }
.Ltmp0:
0x3: {  	_ = 	snop;
	(pc) =	sbr.rel @p0 .LBB2_9-.Ltmp0, $4  }
0x4: {  	_ = 	snop  }
0x5: {  	s3 =	rddreg [dreg:$0x0];
	s2 =	simm.s32 $0x0  }
0x6: {  	[smem:$0x7FF] =	sst s2  }
0x7: {  	s0 =	rddreg [dreg:$0x1];
	_ =	strace $0x80000047  }
0x8: {  	s4 =	srdreg.scid  }
0x9: {  	s5 =	sshll.u32 s1, $0x1;
	s4 =	sand.u32 $0x1, s4  }
0xa: {  	s5 =	sor.u32 s4, s5  }
0xb: {  	s8 =	sadd.s32 $0xA00, s3;
	s7 =	smul.u32 $0x6000, s5  }
0xc: {  	s11 =	simm.s32 $0x8000;
	s12 =	simm.s32 $0x0;
	s6 =	smul.u32 $0xC0, s5  }
0xd: {  	s9 =	ssub.s32 $0x2, s4;
	s10 =	smul.u32 $0xC00, s5;
	s30 =	sshrl.u32 s7, $0x3  }
0xe: {  	s31 =	sshrl.u32 s9, $0x1;
	s6 =	sadd.s32 s6, s3;
	s7 =	sadd.s32 s8, s30  }
0xf: {  	s5 =	sadd.s32 $0xCA00, s6;
	s6 =	sadd.s32 s8, s10;
	s8 =	simm.s32 $0x1  }
0x10: {  	v0 =	vimm.f32 $1.000000000e+10;
	s3 =	sadd.s32 $0x400, s7;
	s4 =	sadd.s32 $0x800, s7;
	s7 =	ssub.s32 s9, s31  }
0x11: {  	vm0 =	vcmask $0x3F08;
	vm1 =	vmmov $0x1;
	v1 =	vlaneseq.u32;
	s10 =	simm.s32 $0x4000;
	s9 =	simm.s32 $0x2000;
	s7 =	smax.u32 s7, $0x1  }
.LBB2_2:
0x12: {  	[tilespmem:s2], [sflag:$0x1] =	stream.linear.gather [hbm4b:s6+s2], $0x2000, $0x38;
	[tilespmem:$0x8680] =	vst v63  }
0x13: {  	_ =	swait.ge [sflag:s8], $0x2000  }
0x14: {  	[sflag:s8] =	ssyncset.done $0x0  }
0x15: {  	[sflag:s8] =	ssyncadd.s32 $0xFFFFE000  }
0x16: {  	[tilespmem:s9], [sflag:$0x1] =	stream.linear.gather [hbm4b:s3+s2], $0x2000, $0x38;
	[tilespmem:$0x8680] =	vst v63  }
0x17: {  	_ =	swait.ge [sflag:s8], $0x2000  }
0x18: {  	[sflag:s8] =	ssyncset.done $0x0  }
0x19: {  	[sflag:s8] =	ssyncadd.s32 $0xFFFFE000  }
0x1a: {  	[tilespmem:s10], [sflag:$0x1] =	stream.linear.gather [hbm4b:s4+s2], $0x2000, $0x38;
	[tilespmem:$0x8680] =	vst v63  }
0x1b: {  	_ =	swait.ge [sflag:s8], $0x2000  }
0x1c: {  	[sflag:s8] =	ssyncset.done $0x0  }
0x1d: {  	s13 =	simm.s32 $0x6040;
	[sflag:s8] =	ssyncadd.s32 $0xFFFFE000  }
0x1e: {  	[tilespmem:s13+$0xFFFFFFC0] =	vst v0  }
0x1f: {  	[tilespmem:s13+$0x30] =	vst v0  }
0x20: {  	[tilespmem:s13+$0x20] =	vst v0  }
0x21: {  	[tilespmem:s13+$0x10] =	vst v0  }
0x22: {  	[tilespmem:s13+$0x0] =	vst v0  }
0x23: {  	[tilespmem:s13+$0xFFFFFFF0] =	vst v0  }
0x24: {  	s14 =	simm.s32 $0x0;
	[tilespmem:s13+$0xFFFFFFE0] =	vst v0  }
.LBB2_3:
0x25: {  	s14 =	sadd.s32 $0x8, s14;
	[tilespmem:s13+$0xFFFFFFD0] =	vst v0;
	s13 =	sadd.s32 $0x80, s13;
	v4 =	vimm.s32 $0x0  }
0x26: {  	[tilespmem:s13+$0xFFFFFFC0] =	vst v0;
	p0 =	slt.u32 s14, $0x1F8  }
0x27: {  	[tilespmem:s13+$0x30] =	vst v0  }
.Ltmp1:
0x28: {  	[tilespmem:s13+$0x20] =	vst v0;
	(pc) =	sbr.rel @p0 .LBB2_3-.Ltmp1, $4  }
0x29: {  	[tilespmem:s13+$0x10] =	vst v0  }
0x2a: {  	[tilespmem:s13+$0x0] =	vst v0  }
0x2b: {  	[tilespmem:s13+$0xFFFFFFF0] =	vst v0  }
0x2c: {  	[tilespmem:s13+$0xFFFFFFE0] =	vst v0  }
0x2d: {  	[tilespmem:s13+$0xFFFFFFD0] =	vst v0;
	s13 =	simm.s32 $0x0;
	s14 =	simm.s32 $0x0  }
.LBB2_5:
0x2e: {  	_ =	sdelay $0x3  }
0x2f: {  	v2 =	vld.idx.msk [tilespmem:v4+s9+$0x0], $0xffff  }
0x30: {  	v3 =	vld.idx.msk [tilespmem:v4+s10+$0x0], $0xffff;
	s15 =	smul.u32 $0x3, s14  }
0x31: {  	v4 =	vld.idx.msk [tilespmem:v4+s13+$0x0], $0xffff  }
0x32: {  	v5 =	vadd.s32 s15, v1;
	_ =	sdelay $0x2  }
0x33: {  	v6 =	vsel vm0, v3, v2  }
0x34: {  	v6 =	vsel vm1, v4, v6  }
0x35: {  	s31 =	simm.s32 $0x4020;
	[tilespmem:v5+s11+$0x0] =	vst.idx.msk $0x7, v6  }
0x36: {  	v5 =	vld [tilespmem:s31+$0x10]  }
0x37: {  	s16 =	simm.s32 $0x20;
	v6 =	vld [tilespmem:s31+$0x0]  }
0x38: {  	v8 =	vld [tilespmem:s16+$0x10]  }
0x39: {  	v9 =	vld [tilespmem:s31+$0xFFFFFFF0]  }
0x3a: {  	v11 =	vld [tilespmem:s16+$0x0]  }
0x3b: {  	v13 =	vld [tilespmem:s31+$0xFFFFFFE0]  }
0x3c: {  	s17 =	simm.s32 $0x2020;
	v14 =	vld [tilespmem:s16+$0xFFFFFFE0]  }
0x3d: {  	v15 =	vld [tilespmem:s17+$0xFFFFFFE0]  }
0x3e: {  	v16 =	vld [tilespmem:s16+$0xFFFFFFF0]  }
0x3f: {  	v17 =	vld [tilespmem:s17+$0xFFFFFFF0]  }
0x40: {  	v19 =	vld [tilespmem:s17+$0x0];
	v18 =	vsub.f32 v6, v3;
	v7 =	vsub.f32 v5, v3  }
0x41: {  	v21 =	vld [tilespmem:s17+$0x10];
	v10 =	vsub.f32 v8, v4;
	v12 =	vsub.f32 v9, v3  }
0x42: {  	v9 =	vsub.f32 v11, v4;
	v5 =	vsub.f32 v14, v4  }
0x43: {  	v6 =	vimm.f32 $-Inf;
	v11 =	vsub.f32 v15, v2;
	v13 =	vsub.f32 v13, v3  }
0x44: {  	s15 =	simm.s32 $0x6020;
	v8 =	vor.u32 s13, v1;
	v14 =	vsub.f32 v16, v4;
	v22 =	vsub.f32 v17, v2  }
0x45: {  	v15 =	vld [tilespmem:s15+$0xFFFFFFE0];
	v23 =	vsub.f32 v19, v2;
	v20 =	vmul.f32 v5, v5;
	v11 =	vmul.f32 v11, v11  }
0x46: {  	v21 =	vsub.f32 v21, v2;
	v5 =	vld [tilespmem:s15+$0x10];
	v16 =	vmul.f32 v13, v13;
	v13 =	vmul.f32 v18, v18  }
0x47: {  	v17 =	vmul.f32 v14, v14;
	v19 =	vmul.f32 v22, v22;
	v14 =	vld [tilespmem:s15+$0xFFFFFFF0];
	v18 =	vadd.f32 v11, v20  }
0x48: {  	s19 =	simm.s32 $0x0;
	s20 =	simm.s32 $0x4060;
	s18 =	simm.s32 $0x0;
	v22 =	vmul.f32 v23, v23;
	v11 =	vld [tilespmem:s15+$0x0];
	v20 =	vmul.f32 v9, v9;
	v9 =	vimm.s32 $0x0  }
.LBB2_6:
0x49: {  	v23 =	vld [tilespmem:s20+$0x10];
	v16 =	vadd.f32 v16, v18;
	v17 =	vadd.f32 v19, v17;
	v12 =	vmul.f32 v12, v12  }
0x4a: {  	v10 =	vmul.f32 v10, v10;
	s16 =	sadd.s32 $0x40, s16;
	v18 =	vld [tilespmem:s20+$0x0];
	v19 =	vadd.f32 v22, v20;
	v20 =	vmul.f32 v21, v21  }
0x4b: {  	v7 =	vmul.f32 v7, v7;
	v21 =	vld [tilespmem:s16+$0x10];
	v15 =	vmin.f32 v15, v16;
	v12 =	vadd.f32 v12, v17  }
0x4c: {  	v16 =	vld [tilespmem:s20+$0xFFFFFFF0];
	[tilespmem:s15+$0xFFFFFFE0] =	vst v15;
	vm2 =	vgt.f32 v15, v6;
	v13 =	vadd.f32 v13, v19;
	v10 =	vadd.f32 v20, v10  }
0x4d: {  	s21 =	sadd.s32 $0x10, s18;
	v17 =	vld [tilespmem:s16+$0x0];
	v6 =	vsel vm2, v15, v6;
	v8 =	vsel vm2, v8, v9;
	v9 =	vmin.f32 v14, v12  }
0x4e: {  	v12 =	vor.u32 s21, v1;
	v14 =	vld [tilespmem:s20+$0xFFFFFFE0];
	[tilespmem:s15+$0xFFFFFFF0] =	vst v9;
	vm2 =	vgt.f32 v9, v6;
	v7 =	vadd.f32 v7, v10  }
0x4f: {  	s22 =	sadd.s32 $0x30, s18;
	s17 =	sadd.s32 $0x40, s17;
	s21 =	sadd.s32 $0x20, s18;
	v15 =	vld [tilespmem:s16+$0xFFFFFFE0];
	v6 =	vsel vm2, v9, v6;
	v8 =	vsel vm2, v12, v8;
	v9 =	vmin.f32 v11, v13  }
0x50: {  	s19 =	sadd.s32 $0x4, s19;
	v10 =	vor.u32 s21, v1;
	v12 =	vor.u32 s22, v1;
	v11 =	vld [tilespmem:s17+$0xFFFFFFE0];
	[tilespmem:s15+$0x0] =	vst v9;
	vm2 =	vgt.f32 v9, v6  }
0x51: {  	p0 =	slt.u32 s19, $0x1FC;
	v5 =	vmin.f32 v5, v7;
	v13 =	vld [tilespmem:s16+$0xFFFFFFF0];
	v6 =	vsel vm2, v9, v6;
	v8 =	vsel vm2, v10, v8  }
0x52: {  	v18 =	vsub.f32 v18, v3;
	v7 =	vsub.f32 v23, v3;
	v19 =	vld [tilespmem:s17+$0xFFFFFFF0];
	[tilespmem:s15+$0x10] =	vst v5;
	vm2 =	vgt.f32 v5, v6  }
0x53: {  	v10 =	vsub.f32 v21, v4;
	v20 =	vld [tilespmem:s17+$0x0];
	v6 =	vsel vm2, v5, v6;
	v9 =	vsel vm2, v12, v8  }
0x54: {  	v21 =	vsub.f32 v17, v4;
	v12 =	vsub.f32 v16, v3  }
0x55: {  	s18 =	sadd.s32 $0x40, s18;
	v5 =	vsub.f32 v15, v4;
	v11 =	vsub.f32 v11, v2;
	v23 =	vld [tilespmem:s17+$0x10]  }
.Ltmp2:
0x56: {  	s15 =	sadd.s32 $0x40, s15;
	v14 =	vsub.f32 v14, v3;
	v8 =	vor.u32 s18, v1;
	v17 =	vsub.f32 v13, v4;
	(pc) =	sbr.rel @p0 .LBB2_6-.Ltmp2, $4  }
0x57: {  	v22 =	vmul.f32 v5, v5;
	v11 =	vmul.f32 v11, v11;
	v19 =	vsub.f32 v19, v2;
	v5 =	vld [tilespmem:s15+$0x10]  }
0x58: {  	v16 =	vmul.f32 v14, v14;
	v13 =	vmul.f32 v18, v18;
	v15 =	vld [tilespmem:s15+$0xFFFFFFE0];
	v24 =	vsub.f32 v20, v2  }
0x59: {  	v17 =	vmul.f32 v17, v17;
	v18 =	vadd.f32 v11, v22;
	v19 =	vmul.f32 v19, v19;
	v11 =	vld [tilespmem:s15+$0x0]  }
0x5a: {  	s20 =	sadd.s32 $0x40, s20;
	v20 =	vmul.f32 v21, v21;
	v14 =	vld [tilespmem:s15+$0xFFFFFFF0];
	v22 =	vmul.f32 v24, v24;
	v21 =	vsub.f32 v23, v2  }
0x5b: {  	v2 =	vadd.f32 v16, v18;
	v3 =	vadd.f32 v19, v17;
	v4 =	vmul.f32 v12, v12  }
0x5c: {  	v10 =	vmul.f32 v10, v10;
	v58 =	vadd.f32 v22, v20  }
0x5d: {  	v59 =	vmul.f32 v21, v21;
	v2 =	vmin.f32 v15, v2;
	v3 =	vadd.f32 v4, v3  }
0x5e: {  	v4 =	vmul.f32 v7, v7;
	vm2 =	vgt.f32 v2, v6;
	v7 =	vadd.f32 v13, v58  }
0x5f: {  	v10 =	vadd.f32 v59, v10;
	v6 =	vsel vm2, v2, v6;
	v3 =	vmin.f32 v14, v3  }
0x60: {  	vm3 =	vgt.f32 v3, v6  }
0x61: {  	v4 =	vadd.f32 v4, v10;
	v7 =	vmin.f32 v11, v7;
	v6 =	vsel vm3, v3, v6  }
0x62: {  	vm4 =	vgt.f32 v7, v6  }
0x63: {  	v4 =	vmin.f32 v5, v4;
	v6 =	vsel vm4, v7, v6  }
0x64: {  	vm5 =	vgt.f32 v4, v6  }
0x65: {  	v5 =	vsel vm5, v4, v6  }
0x66: {  	(xrf0) =	vmax.scan.msk.f32 $0xffff, v5;
	_ =	sdelay $0x3  }
0x67: {  	s16 =	sadd.s32 $0x10, s18  }
0x68: {  	s30 =	sadd.s32 $0x20, s18;
	v60 =	vor.u32 s16, v1;
	v6 =	vsel vm2, v8, v9  }
0x69: {  	s17 =	sadd.s32 $0x30, s18;
	v61 =	vor.u32 s30, v1;
	v6 =	vsel vm3, v60, v6;
	v62, _, _ =	vpop (xrf0)  }
0x6a: {  	v63 =	vor.u32 s17, v1;
	v6 =	vsel vm4, v61, v6;
	v9 =	vbroadcast v62, $0xF  }
0x6b: {  	v6 =	vsel vm5, v63, v6  }
0x6c: {  	vm2 =	veq.f32 v5, v9;
	v5 =	vxor.u32 $0x80000000, v6  }
0x6d: {  	v5 =	vnsel vm2, $0xC0000000, v5  }
0x6e: {  	(xrf0) =	vmin.scan.msk.u32 $0xffff, v5;
	_ =	sdelay $0x5  }
0x6f: {  	v5, _, _ =	vpop (xrf0)  }
0x70: {  	(v2sf) =	vpush v5, $0xF;
	_ =	sdelay $0xa  }
0x71: {  	s14 =	sadd.s32 $0x1, s14  }
0x72: {  	p0 =	sne.s32 s14, $0x200  }
.Ltmp3:
0x73: {  	_ = 	snop;
	(pc) =	sbr.rel @p0 .LBB2_5-.Ltmp3, $4  }
0x74: {  	[tilespmem:s15+$0xFFFFFFE0] =	vst v2  }
0x75: {  	[tilespmem:s15+$0xFFFFFFF0] =	vst v3;
	s31 =	spop (v2sf)  }
0x76: {  	[tilespmem:s15+$0x0] =	vst v7;
	s16 =	sxor.u32 $0x80000000, s31  }
0x77: {  	[tilespmem:s15+$0x10] =	vst v4;
	v4 =	vmov s16  }
0x78: {  	s12 =	sadd.s32 $0x1, s12  }
0x79: {  	p0 =	sne.s32 s12, s7  }
.Ltmp4:
0x7a: {  	_ = 	snop;
	(pc) =	sbr.rel @p0 .LBB2_2-.Ltmp4, $4  }
0x7b: {  	[hbm4b:s5+s2] =	stream.linear.scatter [tilespmem:s11], [sflag:$0x1], $0x600, $0x38;
	[tilespmem:$0x8680] =	vst v63  }
0x7c: {  	_ =	swait.ge [sflag:s8], $0x600  }
0x7d: {  	[sflag:s8] =	ssyncset.done $0x0  }
0x7e: {  	[sflag:s8] =	ssyncadd.s32 $0xFFFFFA00  }
.LBB2_9:
0x7f: {  	_ =	sfence.sel $0x180000  }
0x80: {  	[bflag:$0x0] =	sbarrier.arrive $0xFFFF  }
0x81: {  	p0 =	sne.s32 s1, $0x0;
	_ =	strace $0x90000047  }
0x82: {  	s0 =	sadd.s32 @!p0 $0x100000, s0;
	[bflag:$0x2] =	sbarrier.arrive $0xFFFF  }
0x83: {  	[sflag:s0] =	ssyncadd.tile.s32 @!p0 $0x1;
	_ =	shalt  }
.Lfunc_end2:
_tile_overlayer_lowered:
.L_overlay_start_2:
0x84: {  	(tag) =	ssettag $0x2  }
0x85: {  	s0 =	rddreg [dreg:$0x0];
	s2 =	stileid.u32  }
0x86: {  	s1 =	rddreg [dreg:$0x1];
	p0 =	sne.s32 s2, $0x0  }
0x87: {  	s3 =	rddreg [dreg:$0x2];
	[bflag:$0x3] =	sbarrier.arrive $0xFFFF;
	s2 =	simm.s32 @!p0 $0x1C01  }
0x88: {  	[timem:s3], [sflag:s2] =	dma.local @!p0 [hbm:s0], s1  }
0x89: {  	s0 =	simm.s32 @!p0 $0x1  }
0x8a: {  	_ =	swait.ge @!p0 [sflag:s0], s1  }
0x8b: {  	s1 =	ssub.s32 @!p0 $0x0, s1;
	[sflag:s0] =	ssyncset.done @!p0 $0x0  }
0x8c: {  	[sflag:s0] =	ssyncadd.s32 @!p0 s1  }
0x8d: {  	[bflag:$0x3] =	sbarrier.arrive $0xFFFF  }
0x8e: {  	_ =	shalt  }

// kernel: kernel.7.cloned.1.call-start
scs
__scs_entry_jumppad:
0x0: {  	(pc) =	sbr.rel $0x88, $3  }
0x1: {  	(tag) =	ssettag $0x0;
	lr =	simm.s32 $0x1  }
0x2: {  	[smem:$0x3FA0] =	sst lr;
	_ =	strace $0xD0000000  }
0x3: {  	_ = 	snop  }
0x4: {  	_ = 	snop  }
0x5: {  	_ = 	snop  }
0x6: {  	_ = 	snop  }
0x7: {  	_ = 	snop  }
__scs_overlays_trampoline_lowered:
0x8: {  	[smem:$0x3FAF] =	sst s0  }
0x9: {  	[smem:$0x3FB0] =	sst s1  }
0xa: {  	[smem:$0x3FB1] =	sst s2  }
0xb: {  	[smem:$0x3FB2] =	sst s3  }
0xc: {  	[smem:$0x3FB3] =	sst s4  }
0xd: {  	[smem:$0x3FB4] =	sst s5  }
0xe: {  	[smem:$0x3FB5] =	sst s6  }
0xf: {  	[smem:$0x3FB6] =	sst s7  }
0x10: {  	[smem:$0x3FB7] =	sst s8  }
0x11: {  	[smem:$0x3FB8] =	sst s9;
	s0 =	simm.s32 @!p0 $0x0  }
0x12: {  	s1 =	sld [smem:$0x3F9E];
	s0 =	simm.s32 @p0 $0x1  }
0x13: {  	[smem:$0x3FB9] =	sst s0;
	s0 =	simm.s32 @!p1 $0x0  }
0x14: {  	s2 =	sld [smem:$0x3F9D];
	s0 =	simm.s32 @p1 $0x1  }
0x15: {  	[smem:$0x3FBA] =	sst s0;
	s0 =	simm.s32 @!p2 $0x0  }
0x16: {  	s3 =	sld [smem:$0x3FDB];
	s0 =	simm.s32 @p2 $0x1  }
0x17: {  	s4 =	simm.s32 $0x1BF5;
	[smem:$0x3FBC] =	sst s0  }
0x18: {  	s0 =	sld [smem:$0x3F9F];
	_ =	swait.ge [sflag:s4], $0x0  }
0x19: {  	s7 =	sld [smem:$0x3FA0]  }
0x1a: {  	s8 =	sadd.s32 $0xFFFFE003, lr  }
0x1b: {  	s9 =	sadd.s32 $0xFFFFFEF7, lr;
	s5 =	simm.s32 $0xFFFFFFFF;
	p2 =	slt.u32 s8, $0xFFFFF086  }
0x1c: {  	p1 =	slt.u32 s9, $0xF7A;
	s5 =	simm.s32 @!p2 $0x0  }
0x1d: {  	s5 =	simm.s32 @p1 $0x1;
	p0 =	seq.s32 s7, s2  }
0x1e: {  	s7 =	smul.u32 @!p0 $0xF7A, s2;
	p2 =	seq.s32 @!p0 s5, $0x0  }
0x1f: {  	s9 =	smul.u32 $0xF7A, s1;
	s8 =	simm.s32 @!p0 $0x1BF5;
	p2 =	por !p2, p0  }
0x20: {  	[sflag:s8] =	ssyncset.s32 @!p0 $0xFFFFF086;
	s6 =	sadd.s32 @!p0 s3, s7;
	s7 =	simm.s32 @!p0 $0x108  }
0x21: {  	s3 =	sadd.s32 s3, s9;
	s6 =	sadd.s32 @!p0 $0x88, s6;
	s7 =	simm.s32 @p2 $0x1082  }
0x22: {  	[simem:s7], [sflag:s8] =	dma.local @!p0 [hbm:s6], $0xF7A  }
0x23: {  	s9 =	sor.u32 $0xD0000000, s2;
	s6 =	simm.s32 $0x108;
	_ =	swait.ge @!p0 [sflag:s8], $0x0  }
0x24: {  	s3 =	sadd.s32 $0x88, s3;
	s6 =	simm.s32 @!p1 $0x1082;
	[sflag:s4] =	ssyncset.s32 $0xFFFFF086  }
0x25: {  	[simem:s6], [sflag:s4] =	dma.local [hbm:s3], $0xF7A  }
0x26: {  	[smem:$0x3FA0] =	sst s1;
	(tag) =	ssettag s2;
	_ =	strace s9  }
0x27: {  	s1 =	sld [smem:$0x3FB0]  }
0x28: {  	s2 =	sld [smem:$0x3FB1]  }
0x29: {  	s4 =	sld [smem:$0x3FB3]  }
0x2a: {  	p0 =	seq.s32 s5, $0x0;
	s5 =	sld [smem:$0x3FB4]  }
0x2b: {  	s6 =	sld [smem:$0x3FB5]  }
0x2c: {  	s7 =	sld [smem:$0x3FB6]  }
0x2d: {  	s3 =	simm.s32 $0x108;
	s8 =	sld [smem:$0x3FB7]  }
0x2e: {  	s3 =	simm.s32 @!p0 $0x1082;
	s9 =	sld [smem:$0x3FB8]  }
0x2f: {  	lr =	sadd.s32 s0, s3;
	s0 =	sld [smem:$0x3FAF]  }
0x30: {  	s3 =	sld [smem:$0x3FB2]  }
0x31: {  	[smem:$0x3FBB] =	sst s10  }
0x32: {  	s10 =	sld [smem:$0x3FB9];
	_ =	sdelay $0x3  }
0x33: {  	p0 =	seq.s32 s10, $0x1;
	s10 =	sld [smem:$0x3FBB];
	_ =	sdelay $0x3  }
0x34: {  	[smem:$0x3FBB] =	sst s10  }
0x35: {  	s10 =	sld [smem:$0x3FBA];
	_ =	sdelay $0x3  }
0x36: {  	p1 =	seq.s32 s10, $0x1;
	s10 =	sld [smem:$0x3FBB];
	_ =	sdelay $0x3  }
0x37: {  	[smem:$0x3FBB] =	sst s10  }
0x38: {  	s10 =	sld [smem:$0x3FBC]  }
0x39: {  	_ = 	snop;
	(pc) =	sbr.ind lr, $3  }
0x3a: {  	_ = 	snop  }
0x3b: {  	_ = 	snop  }
0x3c: {  	p2 =	seq.s32 s10, $0x1;
	s10 =	sld [smem:$0x3FBB]  }
0x3d: {  	_ =	shalt  }
0x3e: {  	_ =	shalt  }
0x3f: {  	_ =	shalt  }
0x40: {  	_ =	shalt  }
0x41: {  	_ =	shalt  }
0x42: {  	_ =	shalt  }
0x43: {  	_ =	shalt  }
0x44: {  	_ =	shalt  }
0x45: {  	_ =	shalt  }
0x46: {  	_ =	shalt  }
0x47: {  	_ =	shalt  }
0x48: {  	_ =	shalt  }
0x49: {  	_ =	shalt  }
0x4a: {  	_ =	shalt  }
0x4b: {  	_ =	shalt  }
0x4c: {  	_ =	shalt  }
0x4d: {  	_ =	shalt  }
0x4e: {  	_ =	shalt  }
0x4f: {  	_ =	shalt  }
0x50: {  	_ =	shalt  }
0x51: {  	_ =	shalt  }
0x52: {  	_ =	shalt  }
0x53: {  	_ =	shalt  }
0x54: {  	_ =	shalt  }
0x55: {  	_ =	shalt  }
0x56: {  	_ =	shalt  }
0x57: {  	_ =	shalt  }
0x58: {  	_ =	shalt  }
0x59: {  	_ =	shalt  }
0x5a: {  	_ =	shalt  }
0x5b: {  	_ =	shalt  }
0x5c: {  	_ =	shalt  }
0x5d: {  	_ =	shalt  }
0x5e: {  	_ =	shalt  }
0x5f: {  	_ =	shalt  }
0x60: {  	_ =	shalt  }
0x61: {  	_ =	shalt  }
0x62: {  	_ =	shalt  }
0x63: {  	_ =	shalt  }
0x64: {  	_ =	shalt  }
0x65: {  	_ =	shalt  }
0x66: {  	_ =	shalt  }
0x67: {  	_ =	shalt  }
0x68: {  	_ =	shalt  }
0x69: {  	_ =	shalt  }
0x6a: {  	_ =	shalt  }
0x6b: {  	_ =	shalt  }
0x6c: {  	_ =	shalt  }
0x6d: {  	_ =	shalt  }
0x6e: {  	_ =	shalt  }
0x6f: {  	_ =	shalt  }
0x70: {  	_ =	shalt  }
0x71: {  	_ =	shalt  }
0x72: {  	_ =	shalt  }
0x73: {  	_ =	shalt  }
0x74: {  	_ =	shalt  }
0x75: {  	_ =	shalt  }
0x76: {  	_ =	shalt  }
0x77: {  	_ =	shalt  }
0x78: {  	_ =	shalt  }
0x79: {  	_ =	shalt  }
0x7a: {  	_ =	shalt  }
0x7b: {  	_ =	shalt  }
0x7c: {  	_ =	shalt  }
0x7d: {  	_ =	shalt  }
0x7e: {  	_ =	shalt  }
0x7f: {  	_ =	shalt  }
0x80: {  	_ =	shalt  }
0x81: {  	_ =	shalt  }
0x82: {  	_ =	shalt  }
0x83: {  	_ =	shalt  }
0x84: {  	_ =	shalt  }
0x85: {  	_ =	shalt  }
0x86: {  	_ =	shalt  }
0x87: {  	_ =	shalt  }
.Lfunc_end0:
.L_simem_size_0:
called_computation.1_lowered:
.L_overlay_start_0:
0x88: {  	s2 =	sld [smem:$0x3FD9]  }
0x89: {  	s3 =	sld [smem:$0x3FFE];
	_ =	sdelay $0x1  }
0x8a: {  	s1 =	srdreg.scid  }
0x8b: {  	s0 =	sand.u32 $0x1, s1  }
0x8c: {  	s14 =	sshll.u32 s0, $0xA;
	s2 =	sadd.s32 s3, s2  }
0x8d: {  	s2 =	sadd.s32 s2, s14  }
0x8e: {  	[smem:$0x3FC7] =	sst s2  }
0x8f: {  	_ = 	snop  }
0x90: {  	s2 =	sld [smem:$0x3FD0];
	_ =	sdelay $0x2  }
0x91: {  	s15 =	simm.s32 $0xA;
	s4 =	simm.s32 $0x10  }
0x92: {  	[smem:s4], [sflag:s15] =	dma.local [hbm:s2], $0x1  }
0x93: {  	_ =	swait.eq [sflag:s15], $0x1  }
0x94: {  	[sflag:s15] =	ssyncset.done $0x0  }
0x95: {  	[sflag:s15] =	ssyncadd.s32 $0xFFFFFFFF  }
0x96: {  	s16 =	sld [smem:$0x10];
	(tm) =	ssettm $0x1  }
0x97: {  	s17 =	sld [smem:$0x3FFB];
	_ =	sdelay $0x3  }
0x98: {  	_ =	strace s17  }
0x99: {  	s3 =	sld [smem:$0x3FFC];
	_ =	sdelay $0x3  }
0x9a: {  	_ =	strace s3  }
0x9b: {  	s3 =	sld [smem:$0x3FFD];
	_ =	sdelay $0x3  }
0x9c: {  	_ =	strace s3  }
0x9d: {  	_ =	strace $0x8FFFFFFF  }
0x9e: {  	s18 =	sld [smem:$0x3FDB];
	_ =	sdelay $0x1  }
0x9f: {  	s19 =	simm.s32 $_scs_section_size  }
0xa0: {  	s5 =	simm.s32 $_size__tile_overlayer_lowered;
	s6 =	simm.s32 $_tile_overlayer_lowered  }
0xa1: {  	s22 =	simm.s32 $0x1BFF;
	s21 =	sshll.u32 s6, $0x1;
	s3 =	sadd.s32 s19, s18  }
0xa2: {  	s7 =	simm.s32 $0x0;
	s20 =	sshll.u32 s5, $0x1;
	s5 =	sadd.s32 s21, s3  }
0xa3: {  	[timem:s7], [sflag:s22] =	dma.local [hbm:s5], s20  }
0xa4: {  	_ =	swait.ge [sflag:s22], s20  }
0xa5: {  	s4 =	ssub.s32 $0x0, s20;
	[sflag:s22] =	ssyncset.done $0x0  }
0xa6: {  	[sflag:s22] =	ssyncadd.s32 s4;
	_ =	sdelay $0x1  }
0xa7: {  	s23 =	simm.s32 $0x1B8B  }
0xa8: {  	_ =	swait.ge [sflag:s23], $0x1  }
0xa9: {  	[sflag:s23] =	ssyncset.done $0x0  }
0xaa: {  	s25 =	simm.s32 $0x1B8E;
	s24 =	sld [smem:$0x3FFE];
	[sflag:s23] =	ssyncadd.s32 $0xFFFFFFFF  }
0xab: {  	s26 =	simm.s32 $execute0_lowered;
	[smem:$0x3FD2] =	sst s25  }
0xac: {  	s5 =	sshll.u32 s26, $0x1;
	_ =	strace $0x80000049;
	[dreg:$0x1] =	wrdreg $0xFFFFFFFF  }
0xad: {  	s28 =	simm.s32 $_size_execute0_lowered;
	s3 =	sadd.s32 s3, s5;
	[dreg:$0x0] =	wrdreg $0x0  }
0xae: {  	s5 =	sshll.u32 s28, $0x1;
	[dreg:$0x2] =	wrdreg s3  }
0xaf: {  	[dreg:$0x3] =	wrdreg s5  }
0xb0: {  	[dreg:$0x4] =	wrdreg $0xC0  }
0xb1: {  	_ =	task [dreg:s7], $0x5FFFF  }
0xb2: {  	[dreg:$0x1] =	wrdreg $0xFFFFFFFF  }
0xb3: {  	[dreg:$0x0] =	wrdreg $0x60  }
0xb4: {  	[dreg:$0x2] =	wrdreg s24  }
0xb5: {  	[dreg:$0x3] =	wrdreg s16  }
0xb6: {  	[dreg:$0x4] =	wrdreg $0x9  }
0xb7: {  	_ =	task.clear_ibuf [dreg:s7], $0x5FFFF;
	_ =	strace $0x90000049  }
0xb8: {  	s29 =	simm.s32 $0x9;
	_ =	strace $0x8000004B  }
0xb9: {  	_ =	swait.ge [sflag:s29], $0x1  }
0xba: {  	[sflag:s29] =	ssyncadd.s32 $0xFFFFFFFF  }
0xbb: {  	_ =	strace $0x9000004B  }
0xbc: {  	_ =	sfence  }
0xbd: {  	s30 =	sld [smem:$0x0];
	_ =	sdelay $0x2  }
0xbe: {  	s31 =	sshll.u32 s1, $0xD;
	s1 =	sshrl.u32 s1, $0x2  }
0xbf: {  	s3 =	sand.u32 $0x4000, s31;
	s1 =	sadd.s32 s1, s30  }
0xc0: {  	s0 =	sor.u32 s3, s0;
	s1 =	sshll.u32 s1, $0x11  }
0xc1: {  	s0 =	sor.u32 s1, s0  }
0xc2: {  	s0 =	sadd.s32 $0x8F2B, s0  }
0xc3: {  	[sflag:s0] =	ssyncadd.remote.s32 $0x1  }
0xc4: {  	_ =	sfence.sel $0xFFFF  }
0xc5: {  	[dreg:$0x0] =	wrdreg $0xFFFFFFFF;
	(pc) =	sbr.abs _section_cstart, $3  }
0xc6: {  	[dreg:$0x1] =	wrdreg $0xFFFFFFFF  }
0xc7: {  	_ =	task.clear_ibuf [dreg:s7], $0x2FFFF;
	_ =	strace $0x9FFFFFFF  }
0xc8: {  	(tm) =	ssettm $0x7FFFFFFF  }
0xc9: {  	_ =	shalt  }
tec
execute0_lowered:
.L_overlay_start_1:
0x0: {  	(tag) =	ssettag $0x1  }
0x1: {  	v0 =	vimm.s32 $0xFEDCBA98;
	v1 =	vimm.s32 $0x76543210  }
0x2: {  	v2 =	vimm.s32 $0xBA98FEDC;
	v4 =	vimm.s32 $0x32107654;
	v5 =	vimm.s32 $0xDCFE98BA  }
0x3: {  	v6 =	vimm.s32 $0x54761032;
	vm0 =	vcmask $0x3F30;
	vm1 =	vcmask $0x1F10  }
0x4: {  	vm2 =	vcmask $0xF08;
	vm3 =	vcmask $0x704;
	v0 =	vunpack.c.l.s4.s8 v0  }
0x5: {  	v1 =	vunpack.c.l.s4.s8 v1;
	vm0 =	vmor vm1, vm0;
	vm1 =	vcmask $0x1F18  }
0x6: {  	s1 =	srdreg.scid;
	v2 =	vunpack.c.l.s4.s8 v2;
	v4 =	vunpack.c.l.s4.s8 v4;
	vm1 =	vmor vm2, vm1  }
0x7: {  	s0 =	stileid.u32;
	s4 =	rddreg [dreg:$0x0];
	s6 =	simm.s32 $0x1;
	vm2 =	vcmask $0x2F28;
	v3 =	vunpack.c.0.s8.s32 v0;
	v1 =	vunpack.c.0.s8.s32 v1  }
0x8: {  	s8 =	rddreg [dreg:$0x1];
	s3 =	sand.u32 $0x1, s1;
	s28 =	sshll.u32 s0, $0x1;
	v2 =	vunpack.c.0.s8.s32 v2;
	vm1 =	vmor vm1, vm2;
	vm2 =	vcmask $0x3F38  }
0x9: {  	s2 =	simm.s32 $0x0;
	s9 =	simm.s32 $0x300;
	s5 =	sor.u32 s3, s28;
	v4 =	vunpack.c.0.s8.s32 v4;
	vm1 =	vmor vm1, vm2;
	vm2 =	vcmask $0xF0C  }
0xa: {  	s13 =	simm.s32 $0xA000;
	p0 =	seq.s32 s3, $0x1;
	p1 =	seq.s32 s5, $0x0;
	v3 =	vand.u32 $0xF, v3;
	vm2 =	vmor vm3, vm2;
	vm3 =	vcmask $0x1714  }
0xb: {  	s14 =	simm.s32 $0x8000;
	s15 =	simm.s32 $0xC380;
	p1 =	por !p1, !p0;
	v1 =	vcombine.low v3, v1;
	v3 =	vunpack.c.l.s4.s8 v5;
	v5 =	vunpack.c.l.s4.s8 v6  }
0xc: {  	vm4 =	vcmask $0x2F2C;
	s16 =	simm.s32 $0x0;
	[smem:$0x7FF] =	sst s2;
	p1 =	por !p1, !p1;
	v4 =	vcombine.low v4, v2;
	vm2 =	vmor vm2, vm3  }
0xd: {  	s10 =	sadd.s32 $0xA00, s4;
	_ =	strace $0x8000004A;
	s6 =	simm.s32 @!p1 $0x0;
	vm3 =	vcmask $0x1F1C;
	v2 =	vunpack.c.0.s8.s32 v3;
	v3 =	vunpack.c.0.s8.s32 v5  }
0xe: {  	s29 =	ssub.s32 $0x2, s3;
	v0 =	vlaneseq.u32;
	s12 =	smul.u32 $0xC00, s5;
	s6 =	ssub.s32 s0, s6;
	vm2 =	vmor vm2, vm3;
	vm3 =	vcmask $0x2724  }
0xf: {  	s3 =	simm.s32 $0x1;
	s9 =	simm.s32 @!p0 $0x0;
	s7 =	smul.u32 $0x600, s6;
	v5 =	vcombine.low v3, v2;
	v2 =	vimm.s32 $0xEFCDAB89;
	v3 =	vimm.s32 $0x67452301  }
0x10: {  	s11 =	sshrl.u32 s29, $0x1;
	s8 =	sadd.s32 s8, s12;
	s6 =	smul.u32 $0x6000, s6;
	vm3 =	vmor vm2, vm3;
	v2 =	vunpack.c.l.s4.s8 v2;
	v3 =	vunpack.c.l.s4.s8 v3  }
0x11: {  	s12 =	simm.s32 $0xC080;
	v6 =	vmul.u32 $0xFFFFFFFF, v0;
	vm3 =	vmor vm3, vm4;
	s7 =	sadd.s32 s9, s7;
	s9 =	ssub.s32 s29, s11  }
.Ltmp0:
0x12: {  	vm4 =	vcmask $0x3734;
	s30 =	sshrl.u32 s6, $0x3;
	s31 =	sadd.s32 $0x2000, s6;
	v7 =	vunpack.c.0.s8.s32 v2;
	v3 =	vunpack.c.0.s8.s32 v3;
	(pc) =	sbr.rel .LBB2_1-.Ltmp0, $4  }
0x13: {  	s6 =	sadd.s32 $0x4000, s6;
	vm3 =	vmor vm3, vm4;
	s7 =	sshrl.u32 s7, $0x3;
	s11 =	sshrl.u32 s31, $0x3  }
0x14: {  	vm4 =	vcmask $0x3F3C;
	s6 =	sshrl.u32 s6, $0x3;
	s9 =	smax.u32 s9, $0x1;
	s7 =	sadd.s32 s7, s4;
	v2 =	vadd.s32 $0xF, v6;
	v6 =	vcombine.low v3, v7  }
0x15: {  	vm2 =	vcmask $0x3F20;
	vm3 =	vmor vm3, vm4;
	s4 =	sadd.s32 s10, s30;
	s5 =	sadd.s32 s10, s11;
	s6 =	sadd.s32 s10, s6  }
0x16: {  	s10 =	simm.s32 $0x2000;
	s11 =	simm.s32 $0x4000;
	s7 =	sadd.s32 $0xCA00, s7;
	v3 =	vand.u32 $0xF, v4;
	v4 =	vand.u32 $0xF, v5;
	v5 =	vand.u32 $0xF, v6  }
.LBB2_13:
0x17: {  	s16 =	sadd.s32 $0x1, s16  }
0x18: {  	p0 =	sne.s32 s16, s9  }
.Ltmp1:
0x19: {  	_ = 	snop;
	(pc) =	sbr.rel @!p0 .LBB2_14-.Ltmp1, $4  }
0x1a: {  	[hbm4b:s8+s2] =	stream.linear.scatter [tilespmem:s15], [sflag:$0x1], $0x6000, $0x38;
	[tilespmem:$0x18380] =	vst v63  }
0x1b: {  	_ =	swait.ge [sflag:s3], $0x6000  }
0x1c: {  	[sflag:s3] =	ssyncset.done $0x0  }
0x1d: {  	[sflag:s3] =	ssyncadd.s32 $0xFFFFA000  }
.LBB2_1:
0x1e: {  	[tilespmem:s2], [sflag:$0x1] =	stream.linear.gather [hbm4b:s4+s2], $0x2000, $0x38;
	[tilespmem:$0x18380] =	vst v63  }
0x1f: {  	_ =	swait.ge [sflag:s3], $0x2000  }
0x20: {  	[sflag:s3] =	ssyncset.done $0x0  }
0x21: {  	[sflag:s3] =	ssyncadd.s32 $0xFFFFE000  }
0x22: {  	[tilespmem:s10], [sflag:$0x1] =	stream.linear.gather [hbm4b:s5+s2], $0x2000, $0x38;
	[tilespmem:$0x18380] =	vst v63  }
0x23: {  	_ =	swait.ge [sflag:s3], $0x2000  }
0x24: {  	[sflag:s3] =	ssyncset.done $0x0  }
0x25: {  	[sflag:s3] =	ssyncadd.s32 $0xFFFFE000  }
0x26: {  	[tilespmem:s11], [sflag:$0x1] =	stream.linear.gather [hbm4b:s6+s2], $0x2000, $0x38;
	[tilespmem:$0x18380] =	vst v63  }
0x27: {  	_ =	swait.ge [sflag:s3], $0x2000  }
0x28: {  	[sflag:s3] =	ssyncset.done $0x0  }
0x29: {  	[sflag:s3] =	ssyncadd.s32 $0xFFFFE000  }
0x2a: {  	[tilespmem:s12], [sflag:$0x1] =	stream.linear.gather [hbm4b:s7+s2], $0x300, $0x38;
	[tilespmem:$0x18380] =	vst v63  }
0x2b: {  	_ =	swait.ge [sflag:s3], $0x300  }
0x2c: {  	[sflag:s3] =	ssyncset.done $0x0  }
0x2d: {  	s17 =	simm.s32 $0x20;
	[sflag:s3] =	ssyncadd.s32 $0xFFFFFD00  }
0x2e: {  	s18 =	simm.s32 $0x2020;
	v6 =	vld [tilespmem:s17+$0x10]  }
0x2f: {  	v7 =	vld [tilespmem:s18+$0x10]  }
0x30: {  	s19 =	simm.s32 $0x4020;
	v8 =	vld [tilespmem:s18+$0xFFFFFFE0]  }
0x31: {  	v9 =	vld [tilespmem:s19+$0x10]  }
0x32: {  	v10 =	vld [tilespmem:s17+$0xFFFFFFF0]  }
0x33: {  	v18 =	vld [tilespmem:s17+$0x0]  }
0x34: {  	v21 =	vld [tilespmem:s18+$0x0]  }
0x35: {  	v13 =	vld [tilespmem:s18+$0xFFFFFFF0]  }
0x36: {  	v11 =	vmul.f32 v6, v6  }
0x37: {  	v12 =	vmul.f32 v7, v7;
	v14 =	vmul.f32 v8, v8;
	v15 =	vshrl.u32 v8, $0x10  }
0x38: {  	v17 =	vshrl.u32 v6, $0x10;
	v19 =	vshrl.u32 v7, $0x10;
	v20 =	vshrl.u32 v9, $0x10  }
0x39: {  	v25 =	vmul.f32 v18, v18;
	v26 =	vmul.f32 v21, v21;
	v28 =	vshrl.u32 v10, $0x10  }
0x3a: {  	v16 =	vld [tilespmem:s17+$0xFFFFFFE0];
	v29 =	vshrl.u32 v13, $0x10;
	v11 =	vadd.f32 v12, v11;
	v12 =	vmul.f32 v9, v9  }
0x3b: {  	v17 =	vand.u32 $0x1, v17;
	v15 =	vand.u32 $0x1, v15;
	v59 =	vand.u32 $0x1, v28  }
0x3c: {  	v6 =	vadd.s32 v17, v6;
	v17 =	vld [tilespmem:s19+$0xFFFFFFE0];
	v11 =	vadd.f32 v12, v11;
	v12 =	vand.u32 $0x1, v19  }
0x3d: {  	v60 =	vand.u32 $0x1, v29;
	v6 =	vadd.s32 $0x7FFF, v6;
	v7 =	vadd.s32 v12, v7  }
0x3e: {  	v19 =	vld [tilespmem:s19+$0xFFFFFFF0];
	v12 =	vand.u32 $0x1, v20;
	v20 =	vand.u32 $0xFFFF0000, v6;
	v6 =	vadd.s32 $0x7FFF, v7  }
0x3f: {  	v7 =	vadd.s32 v12, v9;
	v9 =	vmul.f32 v16, v16;
	v12 =	vmul.f32 v13, v13  }
0x40: {  	v13 =	vadd.s32 v60, v13;
	v22 =	vand.u32 $0xFFFF0000, v6;
	v6 =	vadd.s32 $0x7FFF, v7  }
0x41: {  	v23 =	vld [tilespmem:s19+$0x0];
	v7 =	vmul.f32 v10, v10;
	v27 =	vshrl.u32 v17, $0x10;
	v24 =	vand.u32 $0xFFFF0000, v6  }
0x42: {  	v6 =	vshrl.u32 v16, $0x10;
	v30 =	vadd.f32 v14, v9;
	v14 =	vshrl.u32 v21, $0x10  }
0x43: {  	v58 =	vand.u32 $0x1, v27;
	v9 =	vshrl.u32 v19, $0x10;
	v31 =	vadd.f32 v12, v7  }
0x44: {  	v12 =	vshrl.u32 v18, $0x10;
	v7 =	vand.u32 $0x1, v6;
	v6 =	vadd.f32 v26, v25  }
0x45: {  	v62 =	vand.u32 $0x1, v14;
	v14 =	vadd.s32 v15, v8;
	v8 =	vmul.f32 v17, v17  }
0x46: {  	s23 =	simm.s32 $0x6020;
	v15 =	vadd.s32 v59, v10;
	v7 =	vadd.s32 v7, v16;
	v16 =	vshrl.u32 v23, $0x10  }
0x47: {  	s20 =	simm.s32 $0x123A0;
	[tilespmem:s23+$0x10] =	vst v11;
	v9 =	vand.u32 $0x1, v9;
	v61 =	vand.u32 $0x1, v12;
	v12 =	vadd.s32 v58, v17  }
0x48: {  	s21 =	simm.s32 $0x143A0;
	[tilespmem:s20+$0x10] =	vst v20;
	v17 =	vmul.f32 v19, v19;
	v63 =	vand.u32 $0x1, v16;
	v16 =	vmul.f32 v23, v23  }
0x49: {  	s22 =	simm.s32 $0x163A0;
	[tilespmem:s21+$0x10] =	vst v22;
	v11 =	vadd.s32 v9, v19;
	v10 =	vadd.s32 v61, v18;
	v9 =	vadd.s32 v62, v21  }
0x4a: {  	s25 =	simm.s32 $0x0;
	s26 =	simm.s32 $0x60;
	s24 =	simm.s32 $0x163A0;
	[tilespmem:s22+$0x10] =	vst v24;
	v18 =	vadd.f32 v8, v30;
	v17 =	vadd.f32 v17, v31;
	v8 =	vadd.s32 v63, v23  }
.LBB2_2:
0x4b: {  	v19 =	vld [tilespmem:s26+$0x10];
	v7 =	vadd.s32 $0x7FFF, v7;
	v14 =	vadd.s32 $0x7FFF, v14;
	v6 =	vadd.f32 v16, v6;
	s18 =	sadd.s32 $0x40, s18  }
0x4c: {  	v12 =	vadd.s32 $0x7FFF, v12;
	v15 =	vadd.s32 $0x7FFF, v15;
	v13 =	vadd.s32 $0x7FFF, v13;
	v16 =	vld [tilespmem:s18+$0x10];
	[tilespmem:s23+$0xFFFFFFE0] =	vst v18  }
0x4d: {  	v11 =	vadd.s32 $0x7FFF, v11;
	v10 =	vadd.s32 $0x7FFF, v10;
	v9 =	vadd.s32 $0x7FFF, v9;
	s19 =	sadd.s32 $0x40, s19;
	v18 =	vld [tilespmem:s18+$0xFFFFFFE0];
	[tilespmem:s23+$0xFFFFFFF0] =	vst v17  }
0x4e: {  	v7 =	vand.u32 $0xFFFF0000, v7;
	v14 =	vand.u32 $0xFFFF0000, v14;
	v17 =	vld [tilespmem:s19+$0x10];
	[tilespmem:s23+$0x0] =	vst v6;
	v6 =	vadd.s32 $0x7FFF, v8  }
0x4f: {  	s25 =	sadd.s32 $0x4, s25;
	v13 =	vand.u32 $0xFFFF0000, v13;
	v8 =	vld [tilespmem:s26+$0xFFFFFFF0];
	[tilespmem:s20+$0xFFFFFFE0] =	vst v7;
	v7 =	vand.u32 $0xFFFF0000, v12;
	v12 =	vand.u32 $0xFFFF0000, v15  }
0x50: {  	p0 =	slt.u32 s25, $0x1FC;
	v11 =	vand.u32 $0xFFFF0000, v11;
	v10 =	vand.u32 $0xFFFF0000, v10;
	v9 =	vand.u32 $0xFFFF0000, v9;
	v20 =	vld [tilespmem:s18+$0xFFFFFFF0];
	[tilespmem:s21+$0xFFFFFFE0] =	vst v14  }
0x51: {  	v6 =	vand.u32 $0xFFFF0000, v6;
	v14 =	vmul.f32 v19, v19;
	v21 =	vld [tilespmem:s26+$0x0];
	v15 =	vmul.f32 v16, v16;
	[tilespmem:s22+$0xFFFFFFE0] =	vst v7  }
0x52: {  	v7 =	vmul.f32 v18, v18;
	v22 =	vshrl.u32 v18, $0x10;
	v23 =	vld [tilespmem:s18+$0x0];
	[tilespmem:s20+$0xFFFFFFF0] =	vst v12  }
0x53: {  	v24 =	vshrl.u32 v19, $0x10;
	v12 =	vld [tilespmem:s26+$0xFFFFFFE0];
	v14 =	vadd.f32 v15, v14;
	v15 =	vmul.f32 v17, v17;
	[tilespmem:s21+$0xFFFFFFF0] =	vst v13  }
0x54: {  	v24 =	vand.u32 $0x1, v24;
	v25 =	vshrl.u32 v16, $0x10;
	v26 =	vshrl.u32 v17, $0x10;
	v13 =	vld [tilespmem:s19+$0xFFFFFFE0];
	[tilespmem:s22+$0xFFFFFFF0] =	vst v11  }
0x55: {  	v11 =	vld [tilespmem:s19+$0xFFFFFFF0];
	v14 =	vadd.f32 v15, v14;
	v15 =	vadd.s32 v24, v19;
	v19 =	vand.u32 $0x1, v25;
	[tilespmem:s20+$0x0] =	vst v10  }
0x56: {  	s23 =	sadd.s32 $0x40, s23;
	v24 =	vld [tilespmem:s19+$0x0];
	v10 =	vadd.s32 $0x7FFF, v15;
	v15 =	vadd.s32 v19, v16;
	v16 =	vand.u32 $0x1, v26;
	[tilespmem:s21+$0x0] =	vst v9  }
0x57: {  	s20 =	sadd.s32 $0x40, s20;
	[tilespmem:s23+$0x10] =	vst v14;
	v9 =	vand.u32 $0xFFFF0000, v10;
	v10 =	vadd.s32 $0x7FFF, v15;
	v14 =	vadd.s32 v16, v17  }
0x58: {  	s21 =	sadd.s32 $0x40, s21;
	v15 =	vmul.f32 v12, v12;
	[tilespmem:s20+$0x10] =	vst v9;
	v9 =	vand.u32 $0xFFFF0000, v10;
	v10 =	vadd.s32 $0x7FFF, v14  }
0x59: {  	s22 =	sadd.s32 $0x40, s22;
	v16 =	vmul.f32 v20, v20;
	v14 =	vmul.f32 v8, v8;
	[tilespmem:s21+$0x10] =	vst v9;
	v9 =	vand.u32 $0xFFFF0000, v10  }
0x5a: {  	s17 =	simm.s32 $0x0;
	v17 =	vmul.f32 v21, v21;
	v19 =	vmul.f32 v23, v23;
	v10 =	vshrl.u32 v12, $0x10;
	[tilespmem:s22+$0x10] =	vst v9  }
0x5b: {  	v25 =	vshrl.u32 v8, $0x10;
	v26 =	vshrl.u32 v20, $0x10;
	v9 =	vshrl.u32 v13, $0x10;
	[tilespmem:s24+$0x0] =	vst v6;
	s24 =	smov.u32 s22  }
0x5c: {  	v28 =	vshrl.u32 v21, $0x10;
	v29 =	vshrl.u32 v23, $0x10;
	v27 =	vshrl.u32 v11, $0x10  }
0x5d: {  	v30 =	vadd.f32 v7, v15;
	v31 =	vadd.f32 v16, v14;
	v7 =	vshrl.u32 v24, $0x10  }
0x5e: {  	v10 =	vand.u32 $0x1, v10;
	v14 =	vand.u32 $0x1, v22;
	v6 =	vadd.f32 v19, v17  }
0x5f: {  	v15 =	vand.u32 $0x1, v25;
	v9 =	vand.u32 $0x1, v9;
	v17 =	vand.u32 $0x1, v26  }
0x60: {  	v22 =	vand.u32 $0x1, v28;
	v25 =	vand.u32 $0x1, v29;
	v19 =	vand.u32 $0x1, v27  }
.Ltmp2:
0x61: {  	v26 =	vmul.f32 v13, v13;
	v27 =	vmul.f32 v11, v11;
	v28 =	vand.u32 $0x1, v7;
	(pc) =	sbr.rel @p0 .LBB2_2-.Ltmp2, $4  }
0x62: {  	v14 =	vadd.s32 v14, v18;
	v16 =	vmul.f32 v24, v24;
	v7 =	vadd.s32 v10, v12  }
0x63: {  	v15 =	vadd.s32 v15, v8;
	v12 =	vadd.s32 v9, v13;
	v13 =	vadd.s32 v17, v20  }
0x64: {  	v11 =	vadd.s32 v19, v11;
	v10 =	vadd.s32 v22, v21;
	v9 =	vadd.s32 v25, v23  }
0x65: {  	s26 =	sadd.s32 $0x40, s26;
	v18 =	vadd.f32 v26, v30;
	v17 =	vadd.f32 v27, v31;
	v8 =	vadd.s32 v28, v24  }
0x66: {  	_ = 	snop  }
0x67: {  	v6 =	vadd.f32 v16, v6;
	[tilespmem:s23+$0xFFFFFFE0] =	vst v18  }
0x68: {  	v7 =	vadd.s32 $0x7FFF, v7;
	[tilespmem:s23+$0xFFFFFFF0] =	vst v17  }
0x69: {  	v14 =	vadd.s32 $0x7FFF, v14;
	v7 =	vand.u32 $0xFFFF0000, v7;
	[tilespmem:s23+$0x0] =	vst v6  }
0x6a: {  	v60 =	vand.u32 $0xFFFF0000, v14;
	v6 =	vadd.s32 $0x7FFF, v12;
	[tilespmem:s20+$0xFFFFFFE0] =	vst v7  }
0x6b: {  	v7 =	vadd.s32 $0x7FFF, v15;
	v6 =	vand.u32 $0xFFFF0000, v6;
	[tilespmem:s21+$0xFFFFFFE0] =	vst v60  }
0x6c: {  	v61 =	vadd.s32 $0x7FFF, v13;
	v7 =	vand.u32 $0xFFFF0000, v7;
	[tilespmem:s22+$0xFFFFFFE0] =	vst v6  }
0x6d: {  	v62 =	vand.u32 $0xFFFF0000, v61;
	v6 =	vadd.s32 $0x7FFF, v11;
	[tilespmem:s20+$0xFFFFFFF0] =	vst v7  }
.Ltmp3:
0x6e: {  	v7 =	vadd.s32 $0x7FFF, v10;
	v6 =	vand.u32 $0xFFFF0000, v6;
	[tilespmem:s21+$0xFFFFFFF0] =	vst v62;
	(pc) =	sbr.rel .LBB2_4-.Ltmp3, $4  }
0x6f: {  	v9 =	vadd.s32 $0x7FFF, v9;
	v7 =	vand.u32 $0xFFFF0000, v7;
	[tilespmem:s22+$0xFFFFFFF0] =	vst v6  }
0x70: {  	v63 =	vand.u32 $0xFFFF0000, v9;
	v6 =	vadd.s32 $0x7FFF, v8;
	[tilespmem:s20+$0x0] =	vst v7  }
0x71: {  	v6 =	vand.u32 $0xFFFF0000, v6;
	[tilespmem:s21+$0x0] =	vst v63  }
0x72: {  	[tilespmem:s24+$0x0] =	vst v6  }
.LBB2_12:
0x73: {  	_ =	sdelay $0x3  }
0x74: {  	s0 =	smul.u32 $0x60, s17;
	v9 =	vld.idx.msk [tilespmem:v10+s2+$0x0], $0xffff;
	v11 =	vmul.u32 $0x3, v0  }
0x75: {  	v13 =	vld.idx.msk [tilespmem:v10+s10+$0x0], $0xffff  }
0x76: {  	v57 =	vld.idx.msk [tilespmem:v10+s11+$0x0], $0xffff;
	v14 =	vadd.s32 s0, v11;
	v15 =	vadd.s32 $0x1, v11  }
0x77: {  	v16 =	vadd.s32 $0x2, v11;
	v15 =	vadd.s32 s0, v15  }
0x78: {  	v16 =	vadd.s32 s0, v16  }
0x79: {  	v9 =	vsub.f32 v9, v6  }
0x7a: {  	v13 =	vsub.f32 v13, v7  }
0x7b: {  	v58 =	vsub.f32 v57, v8;
	[tilespmem:v14+s15+$0x0] =	vst.idx.msk $0xffff, v9  }
0x7c: {  	[tilespmem:v15+s15+$0x0] =	vst.idx.msk $0xffff, v13  }
0x7d: {  	[tilespmem:v16+s15+$0x0] =	vst.idx.msk $0xffff, v58  }
0x7e: {  	v9 =	vld.idx.msk [tilespmem:v12+s2+$0x0], $0xffff  }
0x7f: {  	v60 =	vadd.s32 $0x30, v11;
	v59 =	vld.idx.msk [tilespmem:v12+s10+$0x0], $0xffff  }
0x80: {  	v62 =	vadd.s32 $0x31, v11;
	v13 =	vadd.s32 s0, v60;
	v61 =	vld.idx.msk [tilespmem:v12+s11+$0x0], $0xffff  }
0x81: {  	s17 =	sadd.s32 $0x1, s17;
	v11 =	vadd.s32 $0x32, v11;
	v14 =	vadd.s32 s0, v62  }
0x82: {  	p0 =	sne.s32 s17, $0x100;
	v11 =	vadd.s32 s0, v11  }
.Ltmp4:
0x83: {  	v6 =	vsub.f32 v9, v6;
	(pc) =	sbr.rel @!p0 .LBB2_13-.Ltmp4, $4  }
0x84: {  	v7 =	vsub.f32 v59, v7  }
0x85: {  	v63 =	vsub.f32 v61, v8;
	[tilespmem:v13+s15+$0x0] =	vst.idx.msk $0xffff, v6  }
0x86: {  	[tilespmem:v14+s15+$0x0] =	vst.idx.msk $0xffff, v7  }
0x87: {  	[tilespmem:v11+s15+$0x0] =	vst.idx.msk $0xffff, v63  }
.LBB2_4:
0x88: {  	s18 =	smul.u32 $0x3, s17;
	_ =	sdelay $0x1  }
0x89: {  	v6 =	vmov s18;
	s19 =	sadd.s32 $0x1, s18  }
0x8a: {  	v7 =	vmov s19  }
0x8b: {  	s18 =	sadd.s32 $0x2, s18  }
0x8c: {  	s29 =	simm.s32 $0x143A0;
	v8 =	vmov s18  }
0x8d: {  	v14 =	vld [tilespmem:s29+$0x10]  }
0x8e: {  	v6 =	vld.idx.msk [tilespmem:v6+s12+$0x0], $0xffff  }
0x8f: {  	v7 =	vld.idx.msk [tilespmem:v7+s12+$0x0], $0xffff  }
0x90: {  	v12 =	vld [tilespmem:s29+$0x0]  }
0x91: {  	v8 =	vld.idx.msk [tilespmem:v8+s12+$0x0], $0xffff  }
0x92: {  	s30 =	simm.s32 $0x123A0;
	v13 =	vld [tilespmem:s29+$0xFFFFFFF0]  }
0x93: {  	v11 =	vld [tilespmem:s30+$0xFFFFFFE0]  }
0x94: {  	v16 =	vld [tilespmem:s29+$0xFFFFFFE0];
	v15 =	vmul.f32 v6, v6;
	v9 =	vshrl.u32 v6, $0x10;
	v10 =	vshrl.u32 v7, $0x10  }
0x95: {  	s31 =	simm.s32 $0x163A0;
	v18 =	vld [tilespmem:s30+$0xFFFFFFF0];
	v17 =	vmul.f32 v7, v7;
	v9 =	vand.u32 $0x1, v9;
	v10 =	vand.u32 $0x1, v10  }
0x96: {  	v20 =	vld [tilespmem:s31+$0xFFFFFFE0];
	v19 =	vshrl.u32 v8, $0x10;
	v9 =	vadd.s32 v9, v6;
	v10 =	vadd.s32 v10, v7  }
0x97: {  	v21 =	vld [tilespmem:s31+$0xFFFFFFF0];
	v19 =	vand.u32 $0x1, v19;
	v9 =	vadd.s32 $0x7FFF, v9;
	v10 =	vadd.s32 $0x7FFF, v10  }
0x98: {  	v22 =	vld [tilespmem:s30+$0x0];
	v19 =	vadd.s32 v19, v8;
	v9 =	vand.u32 $0xFFFF0000, v9;
	v10 =	vand.u32 $0xFFFF0000, v10  }
0x99: {  	s20 =	simm.s32 $0x6020;
	v24 =	vld [tilespmem:s31+$0x0];
	v19 =	vadd.s32 $0x7FFF, v19;
	v23 =	vmul.f32 v9, v11;
	v16 =	vmul.f32 v10, v16  }
0x9a: {  	v11 =	vand.u32 $0xFFFF0000, v19;
	v19 =	vld [tilespmem:s20+$0xFFFFFFE0];
	v18 =	vmul.f32 v9, v18;
	v13 =	vmul.f32 v10, v13  }
0x9b: {  	v15 =	vadd.f32 v17, v15;
	v17 =	vmul.f32 v11, v20;
	v20 =	vld [tilespmem:s30+$0x10];
	v16 =	vadd.f32 v16, v23  }
0x9c: {  	v23 =	vmul.f32 v8, v8;
	v13 =	vadd.f32 v13, v18;
	v18 =	vmul.f32 v11, v21;
	v21 =	vld [tilespmem:s20+$0xFFFFFFF0]  }
0x9d: {  	v26 =	vld [tilespmem:s20+$0x10];
	v25 =	vmul.f32 v10, v12;
	v16 =	vadd.f32 v17, v16  }
0x9e: {  	v17 =	vmul.f32 v9, v22;
	v12 =	vadd.f32 v23, v15;
	v15 =	vadd.f32 v18, v13;
	v18 =	vld [tilespmem:s20+$0x0]  }
0x9f: {  	v14 =	vmul.f32 v10, v14;
	v22 =	vmul.f32 v11, v24;
	v23 =	vld [tilespmem:s31+$0x10];
	s20 =	simm.s32 $0x143E0;
	v16 =	vadd.f32 v16, v16  }
0xa0: {  	s21 =	simm.s32 $0x123E0;
	v24 =	vld [tilespmem:s20+$0x0];
	v20 =	vmul.f32 v9, v20;
	v17 =	vadd.f32 v25, v17;
	v19 =	vadd.f32 v19, v12  }
0xa1: {  	v27 =	vld [tilespmem:s21+$0xFFFFFFE0];
	v15 =	vadd.f32 v15, v15;
	v21 =	vadd.f32 v21, v12  }
0xa2: {  	v30 =	vld [tilespmem:s21+$0xFFFFFFF0];
	v29 =	vadd.f32 v14, v20;
	v25 =	vsub.f32 v19, v16  }
0xa3: {  	v28 =	vld [tilespmem:s20+$0xFFFFFFE0];
	v17 =	vadd.f32 v22, v17;
	v16 =	vimm.f32 $+Inf;
	v15 =	vsub.f32 v21, v15  }
0xa4: {  	v22 =	vld [tilespmem:s20+$0xFFFFFFF0];
	v18 =	vadd.f32 v18, v12;
	v31 =	vmul.f32 v11, v23;
	vm4 =	vlt.f32 v25, v16  }
0xa5: {  	s22 =	simm.s32 $0x163E0;
	s18 =	simm.s32 $0x8020;
	v13 =	vld [tilespmem:s20+$0x10];
	v21 =	vadd.f32 v17, v17;
	v14 =	vmul.f32 v10, v24;
	v20 =	vsel vm4, v25, v16  }
0xa6: {  	v17 =	vld [tilespmem:s22+$0xFFFFFFE0];
	[tilespmem:s18+$0xFFFFFFE0] =	vst v25;
	v19 =	vsel vm4, v16, v25;
	v25 =	vmul.f32 v9, v27;
	vm4 =	vlt.f32 v15, v20  }
0xa7: {  	v24 =	vmin.f32 v16, v19;
	v16 =	vsel vm4, v15, v20;
	v32 =	vsel vm4, v20, v15;
	v20 =	vld [tilespmem:s22+$0xFFFFFFF0]  }
0xa8: {  	v29 =	vadd.f32 v31, v29;
	v27 =	vmul.f32 v10, v28;
	v23 =	vsub.f32 v18, v21;
	v21 =	vld [tilespmem:s21+$0x0]  }
0xa9: {  	s23 =	simm.s32 $0x6060;
	[tilespmem:s18+$0xFFFFFFF0] =	vst v15;
	v28 =	vmul.f32 v9, v30;
	v19 =	vmul.f32 v10, v22;
	v22 =	vld [tilespmem:s22+$0x0];
	v18 =	vmin.f32 v24, v32  }
0xaa: {  	s24 =	simm.s32 $0x4;
	s19 =	simm.s32 $0x8020;
	v15 =	vld [tilespmem:s23+$0xFFFFFFE0];
	v24 =	vadd.f32 v26, v12;
	[tilespmem:s18+$0x0] =	vst v23;
	vm4 =	vlt.f32 v23, v16;
	v26 =	vadd.f32 v29, v29  }
.LBB2_5:
0xab: {  	s24 =	sadd.s32 $0x4, s24;
	v25 =	vadd.f32 v27, v25;
	v17 =	vmul.f32 v11, v17;
	v27 =	vld [tilespmem:s21+$0x10];
	v29 =	vsel vm4, v16, v23;
	s18 =	sadd.s32 $0x40, s18  }
0xac: {  	v16 =	vsel vm4, v23, v16;
	p0 =	slt.u32 s24, $0x1FC;
	v19 =	vadd.f32 v19, v28;
	v20 =	vmul.f32 v11, v20;
	v28 =	vld [tilespmem:s23+$0xFFFFFFF0]  }
0xad: {  	v23 =	vsub.f32 v24, v26;
	v17 =	vadd.f32 v17, v25;
	v21 =	vmul.f32 v9, v21;
	v30 =	vld [tilespmem:s23+$0x10]  }
0xae: {  	v18 =	vmin.f32 v18, v29;
	v19 =	vadd.f32 v20, v19;
	v20 =	vmul.f32 v11, v22;
	v22 =	vld [tilespmem:s23+$0x0]  }
0xaf: {  	s20 =	sadd.s32 $0x40, s20;
	vm4 =	vlt.f32 v23, v16;
	v17 =	vadd.f32 v17, v17;
	v14 =	vadd.f32 v14, v21;
	v21 =	vld [tilespmem:s22+$0x10];
	[tilespmem:s19+$0x10] =	vst v23;
	s19 =	smov.u32 s18  }
0xb0: {  	v15 =	vadd.f32 v15, v12;
	v25 =	vsel vm4, v16, v23;
	v24 =	vld [tilespmem:s20+$0x10];
	v19 =	vadd.f32 v19, v19  }
0xb1: {  	v26 =	vld [tilespmem:s20+$0x0];
	v28 =	vadd.f32 v28, v12;
	v14 =	vadd.f32 v20, v14;
	v20 =	vmul.f32 v9, v27  }
0xb2: {  	v13 =	vmul.f32 v10, v13;
	s21 =	sadd.s32 $0x40, s21;
	v18 =	vmin.f32 v18, v25;
	v15 =	vsub.f32 v15, v17;
	v27 =	vld [tilespmem:s20+$0xFFFFFFF0]  }
0xb3: {  	v25 =	vld [tilespmem:s21+$0xFFFFFFE0];
	v28 =	vsub.f32 v28, v19;
	v29 =	vadd.f32 v14, v14;
	v14 =	vsel vm4, v23, v16  }
0xb4: {  	v22 =	vadd.f32 v22, v12;
	v32 =	vadd.f32 v13, v20;
	v31 =	vld [tilespmem:s20+$0xFFFFFFE0];
	[tilespmem:s18+$0xFFFFFFE0] =	vst v15;
	vm4 =	vlt.f32 v15, v14  }
0xb5: {  	s22 =	sadd.s32 $0x40, s22;
	v33 =	vld [tilespmem:s21+$0xFFFFFFF0];
	v23 =	vsel vm4, v15, v14;
	v16 =	vsel vm4, v14, v15;
	[tilespmem:s18+$0xFFFFFFF0] =	vst v28;
	v15 =	vmul.f32 v11, v21  }
.Ltmp5:
0xb6: {  	v13 =	vmovc v24;
	v17 =	vld [tilespmem:s22+$0xFFFFFFE0];
	v14 =	vmul.f32 v10, v26;
	v18 =	vmin.f32 v18, v16;
	vm4 =	vlt.f32 v28, v23;
	(pc) =	sbr.rel @p0 .LBB2_5-.Ltmp5, $4  }
0xb7: {  	v19 =	vmul.f32 v10, v27;
	v20 =	vld [tilespmem:s22+$0xFFFFFFF0];
	v16 =	vsel vm4, v28, v23;
	v24 =	vsel vm4, v23, v28  }
0xb8: {  	v23 =	vsub.f32 v22, v29;
	v26 =	vadd.f32 v15, v32;
	v25 =	vmul.f32 v9, v25;
	v21 =	vld [tilespmem:s21+$0x0]  }
0xb9: {  	s23 =	sadd.s32 $0x40, s23;
	v18 =	vmin.f32 v18, v24;
	v24 =	vadd.f32 v30, v12;
	v27 =	vmul.f32 v10, v31;
	v22 =	vld [tilespmem:s22+$0x0]  }
0xba: {  	vm4 =	vlt.f32 v23, v16;
	v26 =	vadd.f32 v26, v26;
	v15 =	vld [tilespmem:s23+$0xFFFFFFE0];
	v28 =	vmul.f32 v9, v33;
	[tilespmem:s18+$0x0] =	vst v23  }
0xbb: {  	v25 =	vadd.f32 v27, v25;
	v17 =	vmul.f32 v11, v17;
	v53 =	vld [tilespmem:s21+$0x10];
	v29 =	vsel vm4, v16, v23  }
0xbc: {  	v54 =	vld [tilespmem:s23+$0xFFFFFFF0];
	v55 =	vsel vm4, v23, v16;
	v19 =	vadd.f32 v19, v28;
	v20 =	vmul.f32 v11, v20  }
0xbd: {  	v57 =	vld [tilespmem:s22+$0x10];
	v10 =	vmul.f32 v10, v13;
	v17 =	vadd.f32 v17, v25;
	v21 =	vmul.f32 v9, v21  }
0xbe: {  	v59 =	vld [tilespmem:s23+$0x0];
	v56 =	vsub.f32 v24, v26;
	v18 =	vmin.f32 v18, v29;
	v19 =	vadd.f32 v20, v19  }
0xbf: {  	v58 =	vmul.f32 v11, v22;
	v17 =	vadd.f32 v17, v17;
	v14 =	vadd.f32 v14, v21  }
0xc0: {  	v13 =	vld [tilespmem:s23+$0x10];
	v15 =	vadd.f32 v15, v12;
	v19 =	vadd.f32 v19, v19;
	v9 =	vmul.f32 v9, v53  }
0xc1: {  	vm4 =	vlt.f32 v56, v55;
	v60 =	vadd.f32 v54, v12;
	v14 =	vadd.f32 v58, v14  }
0xc2: {  	v15 =	vsub.f32 v15, v17;
	v9 =	vadd.f32 v10, v9;
	v10 =	vmul.f32 v11, v57  }
0xc3: {  	v61 =	vadd.f32 v59, v12;
	v11 =	vadd.f32 v14, v14;
	v14 =	vsel vm4, v56, v55  }
0xc4: {  	v19 =	vsub.f32 v60, v19;
	vm5 =	vlt.f32 v15, v14;
	v9 =	vadd.f32 v10, v9  }
0xc5: {  	v12 =	vadd.f32 v13, v12;
	v10 =	vsel vm4, v55, v56;
	v62 =	vsel vm5, v15, v14  }
0xc6: {  	v11 =	vsub.f32 v61, v11;
	vm4 =	vlt.f32 v19, v62;
	v9 =	vadd.f32 v9, v9  }
0xc7: {  	v10 =	vmin.f32 v18, v10;
	v13 =	vsel vm4, v19, v62  }
0xc8: {  	v14 =	vsel vm5, v14, v15;
	vm5 =	vlt.f32 v11, v13;
	v9 =	vsub.f32 v12, v9  }
0xc9: {  	v10 =	vmin.f32 v10, v14;
	v12 =	vsel vm4, v62, v19;
	v14 =	vsel vm5, v11, v13  }
0xca: {  	v10 =	vmin.f32 v10, v12;
	v12 =	vsel vm5, v13, v11;
	vm4 =	vlt.f32 v9, v14  }
0xcb: {  	v10 =	vmin.f32 v10, v12;
	v12 =	vsel vm4, v14, v9  }
0xcc: {  	s18 =	sadd.s32 $0x40, s18;
	[tilespmem:s19+$0x10] =	vst v56;
	v10 =	vmin.f32 v10, v12  }
0xcd: {  	[tilespmem:s18+$0xFFFFFFE0] =	vst v15;
	(xrf0) =	vmax.scan.msk.f32 $0xffff, v10  }
0xce: {  	[tilespmem:s18+$0xFFFFFFF0] =	vst v19  }
0xcf: {  	[tilespmem:s18+$0x0] =	vst v11  }
0xd0: {  	s28 =	simm.s32 $0x8020;
	[tilespmem:s18+$0x10] =	vst v9  }
0xd1: {  	v10 =	vld [tilespmem:s28+$0xFFFFFFE0];
	_ =	sdelay $0x1  }
0xd2: {  	v9, _, _ =	vpop (xrf0)  }
0xd3: {  	v11 =	vld [tilespmem:s28+$0xFFFFFFF0];
	v9 =	vbroadcast v9, $0xF  }
0xd4: {  	v12 =	vld [tilespmem:s28+$0x0]  }
0xd5: {  	vm4 =	vle.f32 v10, v9;
	v10 =	vld [tilespmem:s28+$0x10]  }
0xd6: {  	s29 =	simm.s32 $0x8060  }
0xd7: {  	v14 =	vld [tilespmem:s29+$0xFFFFFFE0];
	v13 =	vmpcnt.ones.xlane vm4  }
0xd8: {  	vm5 =	vle.f32 v11, v9;
	v11 =	vld [tilespmem:s29+$0xFFFFFFF0]  }
0xd9: {  	vm6 =	vle.f32 v12, v9;
	v12 =	vld [tilespmem:s29+$0x0];
	(v2sf) =	vpush v13, $0x0;
	v13 =	vmpcnt.ones.xlane vm5  }
0xda: {  	v15 =	vmpcnt.ones.xlane vm6;
	vm7 =	vle.f32 v10, v9;
	v10 =	vld [tilespmem:s29+$0x10]  }
0xdb: {  	(v2sf) =	vpush v13, $0x0;
	v63 =	vmpcnt.ones.xlane vm7  }
0xdc: {  	vm8 =	vle.f32 v14, v9;
	(v2sf) =	vpush v15, $0x0  }
0xdd: {  	v13 =	vmpcnt.ones.xlane vm8;
	vm11 =	vle.f32 v11, v9;
	(v2sf) =	vpush v63, $0x0  }
0xde: {  	vm14 =	vle.f32 v12, v9;
	v11 =	vmpcnt.ones.xlane vm11  }
0xdf: {  	v14 =	vmpcnt.ones.xlane vm14;
	(v2sf) =	vpush v13, $0x0;
	vm9 =	vle.f32 v10, v9  }
0xe0: {  	s30 =	simm.s32 $0x80A0;
	(v2sf) =	vpush v11, $0x0;
	v13 =	vmpcnt.ones.xlane vm9  }
0xe1: {  	v12 =	vld [tilespmem:s30+$0xFFFFFFE0];
	(v2sf) =	vpush v14, $0x0  }
0xe2: {  	(v2sf) =	vpush v13, $0x0  }
0xe3: {  	v10 =	vld [tilespmem:s30+$0xFFFFFFF0]  }
0xe4: {  	vm15 =	vmmov vm4;
	vm4 =	vmmov vm5;
	vm6 =	vmmov vm6;
	v15 =	vld [tilespmem:s30+$0x0]  }
0xe5: {  	vm12 =	vmmov vm4;
	vm13 =	vmmov vm6;
	vm7 =	vmmov vm7;
	v11 =	vld [tilespmem:s30+$0x10]  }
0xe6: {  	vm11 =	vmmov vm11;
	vm10 =	vmmov vm7;
	vm5 =	vle.f32 v12, v9  }
0xe7: {  	s20 =	simm.s32 $0x0;
	s31 =	simm.s32 $0x10;
	vm4 =	vmmov vm9;
	vm9 =	vmmov vm8;
	vm8 =	vmmov vm14  }
0xe8: {  	s21 =	simm.s32 $0x20;
	s23 =	simm.s32 $0x80E0;
	s22 =	simm.s32 $0x30;
	v12 =	vmpcnt.ones.xlane vm5;
	v13 =	vor.u32 s20, v0;
	vm6 =	vle.f32 v10, v9  }
0xe9: {  	s19 =	simm.s32 $0x8;
	s18 =	simm.s32 $0x0;
	vm7 =	vle.f32 v15, v9;
	[tilespmem:s20+$0xA000] =	vst.msk vm15, v13;
	v10 =	vor.u32 s31, v0;
	v13 =	vmpcnt.ones.xlane vm6;
	s24 =	spop (v2sf)  }
.LBB2_7:
0xea: {  	v14 =	vld [tilespmem:s23+$0xFFFFFFE0];
	s19 =	sadd.s32 $0x4, s19;
	v15 =	vmpcnt.ones.xlane vm7;
	vm14 =	vle.f32 v11, v9;
	(v2sf) =	vpush v12, $0x0;
	s20 =	sadd.s32 s20, s24;
	s24 =	spop (v2sf)  }
0xeb: {  	v16 =	vld [tilespmem:s23+$0xFFFFFFF0];
	p0 =	slt.u32 s19, $0x1FC;
	v12 =	vmpcnt.ones.xlane vm14;
	(v2sf) =	vpush v13, $0x0;
	[tilespmem:s20+$0xA000] =	vst.msk vm12, v10;
	s20 =	sadd.s32 s20, s24;
	v10 =	vor.u32 s21, v0;
	s21 =	spop (v2sf)  }
0xec: {  	s18 =	sadd.s32 $0x40, s18;
	vm12 =	vmmov vm11;
	v17 =	vld [tilespmem:s23+$0x0];
	(v2sf) =	vpush v15, $0x0;
	[tilespmem:s20+$0xA000] =	vst.msk vm13, v10;
	s20 =	sadd.s32 s20, s21;
	v10 =	vor.u32 s22, v0;
	s21 =	spop (v2sf)  }
.Ltmp6:
0xed: {  	v11 =	vld [tilespmem:s23+$0x10];
	(v2sf) =	vpush v12, $0x0;
	v12 =	vor.u32 s18, v0;
	[tilespmem:s20+$0xA000] =	vst.msk vm10, v10;
	s20 =	sadd.s32 s20, s21;
	vm10 =	vmmov vm4;
	(pc) =	sbr.rel @p0 .LBB2_7-.Ltmp6, $4  }
0xee: {  	vm11 =	vmmov vm6;
	vm4 =	vmmov vm14;
	[tilespmem:s20+$0xA000] =	vst.msk vm9, v12;
	vm9 =	vmmov vm5  }
0xef: {  	vm13 =	vmmov vm8;
	vm8 =	vmmov vm7;
	vm5 =	vle.f32 v14, v9  }
0xf0: {  	s22 =	sadd.s32 $0x10, s18;
	s21 =	sadd.s32 $0x20, s18;
	v12 =	vmpcnt.ones.xlane vm5;
	vm6 =	vle.f32 v16, v9  }
0xf1: {  	s23 =	sadd.s32 $0x40, s23;
	v10 =	vor.u32 s22, v0;
	s22 =	sadd.s32 $0x30, s18;
	v13 =	vmpcnt.ones.xlane vm6;
	vm7 =	vle.f32 v17, v9;
	s24 =	spop (v2sf)  }
0xf2: {  	v14 =	vmpcnt.ones.xlane vm7;
	vm14 =	vle.f32 v11, v9;
	(v2sf) =	vpush v12, $0x0  }
0xf3: {  	v9 =	vmpcnt.ones.xlane vm14;
	(v2sf) =	vpush v13, $0x0  }
0xf4: {  	(v2sf) =	vpush v14, $0x0  }
0xf5: {  	(v2sf) =	vpush v9, $0x0;
	_ =	sdelay $0x4  }
0xf6: {  	s19 =	spop (v2sf);
	s20 =	sadd.s32 s20, s24  }
0xf7: {  	s23 =	spop (v2sf);
	s19 =	sadd.s32 s20, s19  }
0xf8: {  	s1 =	spop (v2sf);
	s23 =	sadd.s32 s19, s23  }
0xf9: {  	s24 =	sadd.s32 s23, s1;
	s25 =	spop (v2sf)  }
0xfa: {  	s25 =	sadd.s32 s24, s25;
	s26 =	spop (v2sf)  }
0xfb: {  	s26 =	sadd.s32 s25, s26;
	s28 =	spop (v2sf)  }
0xfc: {  	s28 =	sadd.s32 s26, s28;
	s29 =	spop (v2sf)  }
0xfd: {  	s29 =	sadd.s32 s28, s29;
	s30 =	spop (v2sf)  }
0xfe: {  	s30 =	sadd.s32 s29, s30;
	s31 =	spop (v2sf)  }
0xff: {  	s31 =	sadd.s32 s30, s31;
	s1 =	spop (v2sf)  }
0x100: {  	s1 =	sadd.s32 s31, s1;
	s0 =	spop (v2sf)  }
0x101: {  	s0 =	sadd.s32 s1, s0  }
0x102: {  	s18 =	sadd.s32 $0x40, s18;
	[tilespmem:s20+$0xA000] =	vst.msk vm12, v10;
	v9 =	vor.u32 s21, v0;
	s20 =	sadd.s32 $0xF, s0  }
0x103: {  	s21 =	sadd.s32 $0x20, s18;
	[tilespmem:s19+$0xA000] =	vst.msk vm13, v9;
	v9 =	vor.u32 s22, v0;
	s19 =	sadd.s32 $0x10, s18;
	s22 =	sand.u32 $0xF, s20  }
0x104: {  	[tilespmem:s23+$0xA000] =	vst.msk vm10, v9;
	v9 =	vor.u32 s18, v0;
	p1 =	slt.s32 s20, $0x1;
	p0 =	sne.s32 s22, $0x0;
	s22 =	sshra.s32 s20, $0x1F  }
0x105: {  	vm13 =	vmmov vm11;
	s23 =	sadd.s32 $0x30, s18;
	[tilespmem:s24+$0xA000] =	vst.msk vm9, v9;
	v9 =	vor.u32 s19, v0;
	s22 =	sshrl.u32 s22, $0x1C;
	p0 =	por !p1, !p0  }
0x106: {  	vm8 =	vmmov vm8;
	[tilespmem:s25+$0xA000] =	vst.msk vm13, v9;
	v9 =	vor.u32 s21, v0;
	s21 =	simm.s32 $0x1;
	s20 =	sadd.s32 s22, s20;
	p0 =	por !p0, !p0  }
0x107: {  	vm4 =	vmmov vm4;
	s24 =	sadd.s32 $0x40, s18;
	[tilespmem:s26+$0xA000] =	vst.msk vm8, v9;
	v9 =	vor.u32 s23, v0;
	s25 =	sshra.s32 s20, $0x4;
	s21 =	simm.s32 @!p0 $0x0  }
0x108: {  	vm5 =	vmmov vm5;
	s26 =	sadd.s32 $0x10, s24;
	[tilespmem:s28+$0xA000] =	vst.msk vm4, v9;
	vm4 =	vmmov vm6;
	v9 =	vor.u32 s24, v0;
	s18 =	ssub.s32 s25, s21  }
0x109: {  	vm15 =	vmmov vm7;
	s28 =	sadd.s32 $0x20, s24;
	vm4 =	vmmov vm4;
	[tilespmem:s29+$0xA000] =	vst.msk vm5, v9;
	v9 =	vor.u32 s26, v0;
	s29 =	sshrl.u32 s18, $0x1F  }
0x10a: {  	s19 =	sadd.s32 $0x30, s24;
	vm5 =	vmmov vm15;
	[tilespmem:s30+$0xA000] =	vst.msk vm4, v9;
	v9 =	vor.u32 s28, v0;
	s20 =	sadd.s32 s29, s18  }
0x10b: {  	[tilespmem:s31+$0xA000] =	vst.msk vm5, v9;
	v9 =	vor.u32 s19, v0;
	s19 =	sand.u32 $0xFFFFFFFE, s20  }
0x10c: {  	v10 =	vadd.s32 s0, v0;
	p0 =	slt.s32 s19, $0x1  }
.Ltmp7:
0x10d: {  	_ = 	snop;
	(pc) =	sbr.rel @p0 .LBB2_9-.Ltmp7, $4  }
0x10e: {  	vm4 =	vmmov vm14  }
0x10f: {  	vm4 =	vmmov vm4  }
0x110: {  	[tilespmem:s1+$0xA000] =	vst.msk vm4, v9  }
0x111: {  	v9 =	vmov s0;
	[tilespmem:v10+s13+$0x0] =	vst.idx.msk $0xffff, v0  }
0x112: {  	s20 =	simm.s32 $0xA010  }
0x113: {  	v12 =	vld [tilespmem:s20+$0xFFFFFFF0];
	_ =	sdelay $0x7  }
0x114: {  	v13 =	vld.idx.msk [tilespmem:v12+s14+$0x0], $0xffff;
	_ =	sdelay $0x1  }
0x115: {  	s0 =	simm.s32 $0x0  }
0x116: {  	v14 =	vor.u32 s0, v0  }
0x117: {  	vm4 =	vlt.s32 v14, v9  }
0x118: {  	v13 =	vnsel vm4, $0x7F800000, v13  }
0x119: {  	(xrf1) =	vsort.ascd.msk.f32 $0xffff, v13, v12;
	_ =	sdelay $0x8  }
0x11a: {  	p1 =	sgt.s32 s19, $0x2  }
.Ltmp8:
0x11b: {  	_ = 	snop;
	(pc) =	sbr.rel @!p1 .LBB2_16-.Ltmp8, $2  }
0x11c: {  	_ =	sdelay $0x2  }
0x11d: {  	v11 =	vimm.f32 $+Inf;
	v10 =	vimm.s32 $0x40000000;
	s21 =	simm.s32 $0x10;
	p0 =	por $0x0, $0x0;
	v19, v18, _ =	vpop (xrf1)  }
0x11e: {  	v12 =	vperm.xlane v19, v2;
	v13 =	vperm.xlane v18, v2;
	_ =	sdelay $0x1  }
0x11f: {  	vm4 =	veq.f32 v11, v12;
	vm5 =	vlt.s32 v10, v13  }
0x120: {  	vm6 =	vlt.f32 v11, v12;
	vm4 =	vmand vm4, vm5  }
0x121: {  	vm4 =	vmor vm6, vm4  }
0x122: {  	v12 =	vsel vm4, v11, v12;
	v13 =	vsel vm4, v10, v13  }
0x123: {  	v14 =	vperm.xlane v12, v1;
	v15 =	vperm.xlane v13, v1;
	_ =	sdelay $0x1  }
0x124: {  	vm4 =	veq.f32 v12, v14;
	vm5 =	vlt.s32 v13, v15  }
0x125: {  	vm6 =	vlt.f32 v12, v14;
	vm4 =	vmand vm4, vm5  }
0x126: {  	vm4 =	vmor vm6, vm4  }
0x127: {  	vm4 =	vmxor vm4, vm2  }
0x128: {  	v12 =	vsel vm4, v12, v14;
	v13 =	vsel vm4, v13, v15  }
0x129: {  	v14 =	vperm.xlane v12, v3;
	v15 =	vperm.xlane v13, v3;
	_ =	sdelay $0x1  }
0x12a: {  	vm4 =	veq.f32 v12, v14;
	vm5 =	vlt.s32 v13, v15  }
0x12b: {  	vm6 =	vlt.f32 v12, v14;
	vm4 =	vmand vm4, vm5  }
0x12c: {  	vm4 =	vmor vm6, vm4  }
0x12d: {  	vm4 =	vmxor vm4, vm0  }
0x12e: {  	v12 =	vsel vm4, v12, v14;
	v13 =	vsel vm4, v13, v15  }
0x12f: {  	v14 =	vperm.xlane v12, v4;
	v15 =	vperm.xlane v13, v4;
	_ =	sdelay $0x1  }
0x130: {  	vm4 =	veq.f32 v12, v14;
	vm5 =	vlt.s32 v13, v15  }
0x131: {  	vm6 =	vlt.f32 v12, v14;
	vm4 =	vmand vm4, vm5  }
0x132: {  	vm4 =	vmor vm6, vm4  }
0x133: {  	vm4 =	vmxor vm4, vm1  }
0x134: {  	v12 =	vsel vm4, v12, v14;
	v13 =	vsel vm4, v13, v15  }
0x135: {  	v14 =	vperm.xlane v12, v5;
	v15 =	vperm.xlane v13, v5;
	_ =	sdelay $0x1  }
0x136: {  	vm4 =	veq.f32 v12, v14;
	vm5 =	vlt.s32 v13, v15  }
0x137: {  	vm6 =	vlt.f32 v12, v14;
	vm4 =	vmand vm4, vm5  }
0x138: {  	vm4 =	vmor vm6, vm4  }
0x139: {  	vm4 =	vmxor vm4, vm3  }
0x13a: {  	v12 =	vsel vm4, v12, v14;
	v13 =	vsel vm4, v13, v15  }
0x13b: {  	v12 =	vperm.xlane v12, v2;
	v13 =	vperm.xlane v13, v2;
	_ =	sdelay $0x1  }
0x13c: {  	vm4 =	veq.f32 v11, v12;
	vm5 =	vlt.s32 v10, v13  }
0x13d: {  	v14 =	vld [tilespmem:s20+$0x0];
	vm6 =	vlt.f32 v11, v12;
	vm4 =	vmand vm4, vm5  }
0x13e: {  	vm4 =	vmor vm6, vm4  }
0x13f: {  	v15 =	vsel vm4, v12, v11;
	v16 =	vsel vm4, v13, v10  }
0x140: {  	v17 =	vperm.xlane v15, v1;
	v18 =	vperm.xlane v16, v1;
	_ =	sdelay $0x1  }
0x141: {  	vm5 =	veq.f32 v15, v17;
	vm6 =	vlt.s32 v16, v18  }
0x142: {  	vm7 =	vlt.f32 v15, v17;
	vm5 =	vmand vm5, vm6  }
0x143: {  	vm5 =	vmor vm7, vm5  }
0x144: {  	v19 =	vld.idx.msk [tilespmem:v14+s14+$0x0], $0xffff;
	vm5 =	vmxor vm5, vm2  }
0x145: {  	v15 =	vsel vm5, v15, v17;
	v16 =	vsel vm5, v16, v18  }
0x146: {  	v17 =	vperm.xlane v15, v3;
	v18 =	vperm.xlane v16, v3  }
0x147: {  	v20 =	vor.u32 s21, v0  }
0x148: {  	vm5 =	vlt.s32 v20, v9;
	vm6 =	veq.f32 v15, v17;
	vm7 =	vlt.s32 v16, v18  }
0x149: {  	v19 =	vnsel vm5, $0x7F800000, v19;
	vm5 =	vlt.f32 v15, v17;
	vm6 =	vmand vm6, vm7  }
0x14a: {  	(xrf1) =	vsort.ascd.msk.f32 $0xffff, v19, v14;
	vm5 =	vmor vm5, vm6  }
0x14b: {  	vm5 =	vmxor vm5, vm0  }
0x14c: {  	v14 =	vsel vm5, v15, v17;
	v15 =	vsel vm5, v16, v18  }
0x14d: {  	v16 =	vperm.xlane v14, v4;
	v17 =	vperm.xlane v15, v4;
	_ =	sdelay $0x1  }
0x14e: {  	vm5 =	veq.f32 v14, v16;
	vm6 =	vlt.s32 v15, v17  }
0x14f: {  	vm7 =	vlt.f32 v14, v16;
	vm5 =	vmand vm5, vm6  }
0x150: {  	vm5 =	vmor vm7, vm5  }
0x151: {  	vm5 =	vmxor vm5, vm1  }
0x152: {  	v14 =	vsel vm5, v14, v16;
	v15 =	vsel vm5, v15, v17  }
0x153: {  	v16 =	vperm.xlane v14, v5;
	v17 =	vperm.xlane v15, v5;
	_ =	sdelay $0x1  }
0x154: {  	vm5 =	veq.f32 v14, v16;
	vm6 =	vlt.s32 v15, v17  }
0x155: {  	vm7 =	vlt.f32 v14, v16;
	vm5 =	vmand vm5, vm6  }
0x156: {  	v18, v19, _ =	vpop (xrf1);
	vm5 =	vmor vm7, vm5  }
0x157: {  	v18 =	vperm.xlane v18, v2;
	v19 =	vperm.xlane v19, v2;
	vm5 =	vmxor vm5, vm3  }
0x158: {  	v13 =	vsel vm4, v10, v13;
	v14 =	vsel vm5, v14, v16;
	v15 =	vsel vm5, v15, v17  }
0x159: {  	v12 =	vsel vm4, v11, v12;
	vm4 =	veq.f32 v14, v18;
	vm5 =	vlt.s32 v15, v19  }
0x15a: {  	v16 =	vperm.xlane v12, v1;
	vm6 =	vlt.f32 v14, v18;
	vm4 =	vmand vm4, vm5  }
0x15b: {  	v17 =	vperm.xlane v13, v1;
	vm4 =	vmor vm6, vm4  }
0x15c: {  	vm5 =	veq.f32 v12, v16;
	v14 =	vsel vm4, v14, v18;
	v15 =	vsel vm4, v15, v19  }
0x15d: {  	vm4 =	vlt.s32 v13, v17;
	v18 =	vperm.xlane v14, v1;
	v19 =	vperm.xlane v15, v1  }
0x15e: {  	vm6 =	vlt.f32 v12, v16;
	vm4 =	vmand vm5, vm4  }
0x15f: {  	vm4 =	vmor vm6, vm4;
	vm5 =	veq.f32 v14, v18;
	vm6 =	vlt.s32 v15, v19  }
0x160: {  	vm4 =	vmxor vm4, vm2;
	vm7 =	vlt.f32 v14, v18;
	vm5 =	vmand vm5, vm6  }
0x161: {  	v12 =	vsel vm4, v12, v16;
	vm5 =	vmor vm7, vm5  }
0x162: {  	v13 =	vsel vm4, v13, v17;
	v16 =	vperm.xlane v12, v3;
	vm4 =	vmxor vm5, vm2  }
0x163: {  	v17 =	vperm.xlane v13, v3;
	v14 =	vsel vm4, v14, v18;
	v15 =	vsel vm4, v15, v19  }
0x164: {  	v18 =	vperm.xlane v14, v3;
	v19 =	vperm.xlane v15, v3  }
0x165: {  	vm4 =	vlt.f32 v12, v16;
	vm5 =	veq.f32 v12, v16;
	vm6 =	vlt.s32 v13, v17  }
0x166: {  	vm5 =	vmand vm5, vm6;
	vm6 =	veq.f32 v14, v18;
	vm7 =	vlt.s32 v15, v19  }
0x167: {  	vm4 =	vmor vm4, vm5;
	vm5 =	vlt.f32 v14, v18;
	vm6 =	vmand vm6, vm7  }
0x168: {  	vm4 =	vmxor vm4, vm0;
	vm5 =	vmor vm5, vm6  }
0x169: {  	v12 =	vsel vm4, v12, v16;
	vm5 =	vmxor vm5, vm0  }
0x16a: {  	v16 =	vperm.xlane v12, v4;
	v14 =	vsel vm5, v14, v18;
	v15 =	vsel vm5, v15, v19  }
0x16b: {  	v13 =	vsel vm4, v13, v17;
	v17 =	vperm.xlane v14, v4;
	v18 =	vperm.xlane v15, v4  }
0x16c: {  	v19 =	vperm.xlane v13, v4  }
0x16d: {  	vm4 =	veq.f32 v12, v16;
	vm5 =	veq.f32 v14, v17;
	vm6 =	vlt.s32 v15, v18  }
0x16e: {  	vm7 =	vlt.s32 v13, v19;
	vm8 =	vlt.f32 v14, v17;
	vm5 =	vmand vm5, vm6  }
0x16f: {  	vm4 =	vmand vm4, vm7;
	vm6 =	vlt.f32 v12, v16;
	vm5 =	vmor vm8, vm5  }
0x170: {  	vm4 =	vmor vm6, vm4;
	vm5 =	vmxor vm5, vm1  }
0x171: {  	vm4 =	vmxor vm4, vm1;
	v14 =	vsel vm5, v14, v17;
	v15 =	vsel vm5, v15, v18  }
0x172: {  	v12 =	vsel vm4, v12, v16;
	v16 =	vperm.xlane v14, v5;
	v17 =	vperm.xlane v15, v5  }
0x173: {  	v13 =	vsel vm4, v13, v19;
	v18 =	vperm.xlane v12, v5  }
0x174: {  	v19 =	vperm.xlane v13, v5;
	vm4 =	veq.f32 v14, v16;
	vm5 =	vlt.s32 v15, v17  }
0x175: {  	vm6 =	vlt.f32 v14, v16;
	vm4 =	vmand vm4, vm5  }
0x176: {  	s20 =	simm.s32 $0xA030;
	vm7 =	vlt.s32 v13, v19;
	vm5 =	veq.f32 v12, v18;
	vm4 =	vmor vm6, vm4  }
0x177: {  	v20 =	vld [tilespmem:s20+$0xFFFFFFF0];
	vm6 =	vlt.f32 v12, v18;
	vm5 =	vmand vm5, vm7;
	vm4 =	vmxor vm4, vm3  }
0x178: {  	vm5 =	vmor vm6, vm5;
	v14 =	vsel vm4, v14, v16;
	v15 =	vsel vm4, v15, v17  }
0x179: {  	vm4 =	vmxor vm5, vm3;
	v14 =	vperm.xlane v14, v2;
	v15 =	vperm.xlane v15, v2  }
0x17a: {  	v12 =	vsel vm4, v12, v18;
	v13 =	vsel vm4, v13, v19  }
0x17b: {  	vm4 =	veq.f32 v12, v14;
	vm5 =	vlt.s32 v13, v15  }
0x17c: {  	vm6 =	vlt.f32 v12, v14;
	vm4 =	vmand vm4, vm5  }
0x17d: {  	vm4 =	vmor vm6, vm4  }
0x17e: {  	v16 =	vsel vm4, v14, v12;
	v17 =	vsel vm4, v15, v13  }
0x17f: {  	v18 =	vld.idx.msk [tilespmem:v20+s14+$0x0], $0xffff;
	v19 =	vperm.xlane v16, v1;
	v21 =	vperm.xlane v17, v1  }
0x180: {  	v12 =	vsel vm4, v12, v14  }
0x181: {  	s0 =	simm.s32 $0x20;
	v13 =	vsel vm4, v13, v15;
	vm4 =	veq.f32 v16, v19;
	vm5 =	vlt.s32 v17, v21  }
0x182: {  	v14 =	vor.u32 s0, v0;
	vm6 =	vlt.f32 v16, v19;
	vm4 =	vmand vm4, vm5  }
0x183: {  	v15 =	vperm.xlane v12, v1;
	vm5 =	vlt.s32 v14, v9;
	vm4 =	vmor vm6, vm4  }
0x184: {  	v14 =	vperm.xlane v13, v1;
	v18 =	vnsel vm5, $0x7F800000, v18;
	vm4 =	vmxor vm4, vm2  }
0x185: {  	(xrf1) =	vsort.ascd.msk.f32 $0xffff, v18, v20;
	v16 =	vsel vm4, v16, v19;
	v17 =	vsel vm4, v17, v21  }
0x186: {  	v18 =	vperm.xlane v16, v3;
	v19 =	vperm.xlane v17, v3  }
0x187: {  	vm5 =	vlt.f32 v12, v15;
	vm6 =	vlt.s32 v13, v14;
	vm4 =	veq.f32 v12, v15  }
0x188: {  	vm4 =	vmand vm4, vm6;
	vm7 =	veq.f32 v16, v18;
	vm14 =	vlt.s32 v17, v19  }
0x189: {  	vm4 =	vmor vm5, vm4;
	vm9 =	vlt.f32 v16, v18;
	vm6 =	vmand vm7, vm14  }
0x18a: {  	vm4 =	vmxor vm4, vm2;
	vm5 =	vmor vm9, vm6  }
0x18b: {  	v12 =	vsel vm4, v12, v15;
	v13 =	vsel vm4, v13, v14;
	vm5 =	vmxor vm5, vm0  }
0x18c: {  	v14 =	vperm.xlane v12, v3;
	v16 =	vsel vm5, v16, v18;
	v17 =	vsel vm5, v17, v19  }
0x18d: {  	v20 =	vperm.xlane v16, v4;
	v63 =	vperm.xlane v17, v4  }
0x18e: {  	p1 =	sgt.s32 s19, $0x4;
	v15 =	vperm.xlane v13, v3  }
.Ltmp9:
0x18f: {  	vm7 =	veq.f32 v12, v14;
	vm5 =	veq.f32 v16, v20;
	vm6 =	vlt.s32 v17, v63;
	(pc) =	sbr.rel @!p1 .LBB2_19-.Ltmp9, $4  }
0x190: {  	vm15 =	vlt.s32 v13, v15;
	vm4 =	vlt.f32 v16, v20;
	vm5 =	vmand vm5, vm6  }
0x191: {  	vm7 =	vmand vm7, vm15;
	vm6 =	vlt.f32 v12, v14;
	vm4 =	vmor vm4, vm5  }
0x192: {  	vm5 =	vmor vm6, vm7;
	vm6 =	vmxor vm4, vm1  }
0x193: {  	s22 =	simm.s32 $0x4;
	s21 =	simm.s32 $0x30;
	p0 =	por $0x1, $0x1;
	v19, v18, _ =	vpop (xrf1);
	vm4 =	vmxor vm5, vm0;
	v16 =	vsel vm6, v16, v20;
	v17 =	vsel vm6, v17, v63  }
.LBB2_18:
0x194: {  	s22 =	sadd.s32 $0x2, s22;
	v19 =	vperm.xlane v19, v2  }
0x195: {  	v20 =	vperm.xlane v16, v5;
	v21 =	vperm.xlane v17, v5;
	p1 =	slt.s32 s22, s19  }
0x196: {  	v18 =	vperm.xlane v18, v2;
	v12 =	vsel vm4, v12, v14;
	v13 =	vsel vm4, v13, v15  }
0x197: {  	v14 =	vperm.xlane v13, v4;
	vm4 =	veq.f32 v16, v20;
	vm5 =	vlt.s32 v17, v21  }
0x198: {  	v15 =	vperm.xlane v12, v4;
	vm6 =	vlt.f32 v16, v20;
	vm4 =	vmand vm4, vm5  }
0x199: {  	vm5 =	vlt.s32 v13, v14;
	vm4 =	vmor vm6, vm4  }
0x19a: {  	vm7 =	veq.f32 v12, v15;
	vm6 =	vlt.f32 v12, v15;
	vm4 =	vmxor vm4, vm3  }
0x19b: {  	vm5 =	vmand vm7, vm5;
	v16 =	vsel vm4, v16, v20;
	v17 =	vsel vm4, v17, v21  }
0x19c: {  	vm5 =	vmor vm6, vm5;
	vm4 =	veq.f32 v16, v19;
	vm7 =	vlt.s32 v17, v18  }
0x19d: {  	vm5 =	vmxor vm5, vm1;
	vm6 =	vlt.f32 v16, v19;
	vm4 =	vmand vm4, vm7  }
0x19e: {  	v12 =	vsel vm5, v12, v15;
	v13 =	vsel vm5, v13, v14;
	vm4 =	vmor vm6, vm4  }
0x19f: {  	v14 =	vsel vm4, v16, v19;
	v15 =	vsel vm4, v17, v18;
	v16 =	vperm.xlane v12, v5  }
0x1a0: {  	v17 =	vperm.xlane v14, v1;
	v18 =	vperm.xlane v15, v1  }
0x1a1: {  	v19 =	vperm.xlane v13, v5;
	vm4 =	vlt.f32 v12, v16;
	vm5 =	veq.f32 v12, v16  }
0x1a2: {  	vm6 =	veq.f32 v14, v17;
	vm7 =	vlt.s32 v15, v18  }
0x1a3: {  	vm8 =	vlt.f32 v14, v17;
	vm6 =	vmand vm6, vm7;
	vm7 =	vlt.s32 v13, v19  }
0x1a4: {  	vm6 =	vmor vm8, vm6;
	vm5 =	vmand vm5, vm7  }
0x1a5: {  	vm6 =	vmxor vm6, vm2;
	vm4 =	vmor vm4, vm5  }
0x1a6: {  	v14 =	vsel vm6, v14, v17;
	v15 =	vsel vm6, v15, v18;
	vm4 =	vmxor vm4, vm3  }
0x1a7: {  	v17 =	vperm.xlane v14, v3;
	v18 =	vperm.xlane v15, v3;
	v12 =	vsel vm4, v12, v16  }
0x1a8: {  	v13 =	vsel vm4, v13, v19  }
0x1a9: {  	vm4 =	vlt.f32 v14, v17;
	vm5 =	veq.f32 v14, v17;
	vm6 =	vlt.s32 v15, v18  }
0x1aa: {  	vm5 =	vmand vm5, vm6  }
0x1ab: {  	vm4 =	vmor vm4, vm5  }
0x1ac: {  	vm4 =	vmxor vm4, vm0  }
0x1ad: {  	v14 =	vsel vm4, v14, v17;
	v15 =	vsel vm4, v15, v18  }
0x1ae: {  	v16 =	vperm.xlane v14, v4;
	v17 =	vperm.xlane v15, v4;
	_ =	sdelay $0x1  }
0x1af: {  	vm4 =	vlt.f32 v14, v16;
	vm5 =	veq.f32 v14, v16;
	vm6 =	vlt.s32 v15, v17  }
0x1b0: {  	vm5 =	vmand vm5, vm6  }
0x1b1: {  	vm4 =	vmor vm4, vm5  }
0x1b2: {  	vm4 =	vmxor vm4, vm1  }
0x1b3: {  	v14 =	vsel vm4, v14, v16;
	v15 =	vsel vm4, v15, v17  }
0x1b4: {  	v16 =	vperm.xlane v14, v5;
	v17 =	vperm.xlane v15, v5;
	_ =	sdelay $0x1  }
0x1b5: {  	vm4 =	vlt.f32 v14, v16;
	vm5 =	veq.f32 v14, v16;
	vm6 =	vlt.s32 v15, v17  }
0x1b6: {  	vm5 =	vmand vm5, vm6  }
0x1b7: {  	vm4 =	vmor vm4, vm5  }
0x1b8: {  	vm4 =	vmxor vm4, vm3  }
0x1b9: {  	v14 =	vsel vm4, v14, v16;
	v15 =	vsel vm4, v15, v17  }
0x1ba: {  	v14 =	vperm.xlane v14, v2;
	v15 =	vperm.xlane v15, v2;
	v16 =	vld [tilespmem:s20+$0x0];
	_ =	sdelay $0x1  }
0x1bb: {  	vm4 =	veq.f32 v12, v14;
	vm5 =	vlt.s32 v13, v15  }
0x1bc: {  	vm6 =	vlt.f32 v12, v14;
	vm4 =	vmand vm4, vm5  }
0x1bd: {  	vm4 =	vmor vm6, vm4  }
0x1be: {  	v17 =	vsel vm4, v13, v15;
	v18 =	vsel vm4, v14, v12;
	v13 =	vsel vm4, v15, v13  }
0x1bf: {  	v12 =	vsel vm4, v12, v14;
	v14 =	vperm.xlane v18, v1;
	v15 =	vperm.xlane v13, v1  }
0x1c0: {  	v19 =	vperm.xlane v12, v1;
	v20 =	vperm.xlane v17, v1  }
0x1c1: {  	vm4 =	vlt.f32 v18, v14;
	vm5 =	veq.f32 v18, v14;
	vm6 =	vlt.s32 v13, v15;
	v21 =	vld.idx.msk [tilespmem:v16+s14+$0x0], $0xffff  }
0x1c2: {  	vm7 =	veq.f32 v12, v19;
	vm8 =	vlt.s32 v17, v20;
	vm5 =	vmand vm5, vm6  }
0x1c3: {  	vm6 =	vlt.f32 v12, v19;
	vm7 =	vmand vm7, vm8;
	vm4 =	vmor vm4, vm5  }
0x1c4: {  	v22 =	vor.u32 s21, v0;
	vm5 =	vmor vm6, vm7;
	vm4 =	vmxor vm4, vm2  }
0x1c5: {  	vm5 =	vmxor vm5, vm2;
	v14 =	vsel vm4, v18, v14;
	v13 =	vsel vm4, v13, v15  }
0x1c6: {  	v12 =	vsel vm5, v12, v19;
	v15 =	vperm.xlane v14, v3;
	v18 =	vperm.xlane v13, v3  }
0x1c7: {  	v17 =	vsel vm5, v17, v20;
	vm4 =	vlt.s32 v22, v9;
	v19 =	vperm.xlane v12, v3  }
0x1c8: {  	v20 =	vnsel vm4, $0x7F800000, v21;
	vm5 =	veq.f32 v14, v15;
	vm6 =	vlt.s32 v13, v18  }
0x1c9: {  	v21 =	vperm.xlane v17, v3;
	vm4 =	vlt.f32 v14, v15;
	vm5 =	vmand vm5, vm6;
	(xrf1) =	vsort.ascd.msk.f32 $0xffff, v20, v16  }
0x1ca: {  	vm7 =	veq.f32 v12, v19;
	vm6 =	vlt.f32 v12, v19;
	vm4 =	vmor vm4, vm5  }
0x1cb: {  	vm5 =	vlt.s32 v17, v21;
	vm4 =	vmxor vm4, vm0  }
0x1cc: {  	vm5 =	vmand vm7, vm5;
	v14 =	vsel vm4, v14, v15;
	v13 =	vsel vm4, v13, v18  }
0x1cd: {  	vm4 =	vmor vm6, vm5;
	v15 =	vperm.xlane v14, v4;
	v16 =	vperm.xlane v13, v4  }
0x1ce: {  	vm4 =	vmxor vm4, vm0  }
0x1cf: {  	vm5 =	vlt.f32 v14, v15;
	vm6 =	veq.f32 v14, v15;
	vm7 =	vlt.s32 v13, v16  }
0x1d0: {  	v12 =	vsel vm4, v12, v19;
	v17 =	vsel vm4, v17, v21;
	vm4 =	vmand vm6, vm7  }
0x1d1: {  	v18 =	vperm.xlane v12, v4;
	vm4 =	vmor vm5, vm4  }
0x1d2: {  	v19 =	vperm.xlane v17, v4;
	vm4 =	vmxor vm4, vm1  }
0x1d3: {  	vm5 =	veq.f32 v12, v18;
	v14 =	vsel vm4, v14, v15;
	v13 =	vsel vm4, v13, v16  }
0x1d4: {  	vm4 =	vlt.f32 v12, v18;
	v15 =	vperm.xlane v14, v5;
	v16 =	vperm.xlane v13, v5  }
0x1d5: {  	vm6 =	vlt.s32 v17, v19  }
0x1d6: {  	vm7 =	vlt.f32 v14, v15;
	vm8 =	veq.f32 v14, v15;
	vm9 =	vlt.s32 v13, v16  }
0x1d7: {  	vm5 =	vmand vm5, vm6;
	vm6 =	vmand vm8, vm9;
	v20, v21, _ =	vpop (xrf1)  }
0x1d8: {  	vm4 =	vmor vm4, vm5;
	vm5 =	vmor vm7, vm6  }
0x1d9: {  	vm5 =	vmxor vm5, vm3;
	v20 =	vperm.xlane v20, v2;
	v21 =	vperm.xlane v21, v2  }
0x1da: {  	vm4 =	vmxor vm4, vm1;
	v14 =	vsel vm5, v14, v15;
	v13 =	vsel vm5, v13, v16  }
0x1db: {  	vm5 =	vlt.f32 v14, v20;
	vm6 =	veq.f32 v14, v20;
	vm7 =	vlt.s32 v13, v21  }
0x1dc: {  	v12 =	vsel vm4, v12, v18;
	v15 =	vsel vm4, v17, v19;
	vm4 =	vmand vm6, vm7  }
0x1dd: {  	v16 =	vperm.xlane v12, v5;
	v17 =	vperm.xlane v15, v5;
	vm4 =	vmor vm5, vm4  }
0x1de: {  	v14 =	vsel vm4, v14, v20;
	v13 =	vsel vm4, v13, v21  }
0x1df: {  	vm4 =	veq.f32 v12, v16;
	v18 =	vperm.xlane v14, v1;
	v19 =	vperm.xlane v13, v1  }
0x1e0: {  	vm5 =	vlt.f32 v12, v16;
	vm6 =	vlt.s32 v15, v17  }
0x1e1: {  	vm7 =	vlt.f32 v14, v18;
	vm8 =	veq.f32 v14, v18;
	vm9 =	vlt.s32 v13, v19  }
0x1e2: {  	vm4 =	vmand vm4, vm6;
	vm6 =	vmand vm8, vm9  }
0x1e3: {  	vm4 =	vmor vm5, vm4;
	vm5 =	vmor vm7, vm6  }
0x1e4: {  	vm4 =	vmxor vm4, vm3;
	vm5 =	vmxor vm5, vm2  }
0x1e5: {  	v14 =	vsel vm5, v14, v18;
	v13 =	vsel vm5, v13, v19  }
0x1e6: {  	v18 =	vperm.xlane v14, v3;
	v19 =	vperm.xlane v13, v3;
	_ =	sdelay $0x1  }
0x1e7: {  	vm5 =	vlt.f32 v14, v18;
	vm6 =	veq.f32 v14, v18;
	vm7 =	vlt.s32 v13, v19  }
0x1e8: {  	vm6 =	vmand vm6, vm7  }
0x1e9: {  	vm5 =	vmor vm5, vm6  }
0x1ea: {  	vm5 =	vmxor vm5, vm0  }
0x1eb: {  	v14 =	vsel vm5, v14, v18;
	v13 =	vsel vm5, v13, v19  }
0x1ec: {  	v18 =	vperm.xlane v14, v4;
	v19 =	vperm.xlane v13, v4;
	_ =	sdelay $0x1  }
0x1ed: {  	vm5 =	vlt.f32 v14, v18;
	vm6 =	veq.f32 v14, v18;
	vm7 =	vlt.s32 v13, v19  }
0x1ee: {  	vm6 =	vmand vm6, vm7  }
0x1ef: {  	vm5 =	vmor vm5, vm6  }
0x1f0: {  	vm5 =	vmxor vm5, vm1  }
0x1f1: {  	v14 =	vsel vm5, v14, v18;
	v13 =	vsel vm5, v13, v19  }
0x1f2: {  	v18 =	vperm.xlane v14, v5;
	v19 =	vperm.xlane v13, v5;
	_ =	sdelay $0x1  }
0x1f3: {  	vm5 =	vlt.f32 v14, v18;
	vm6 =	veq.f32 v14, v18;
	vm7 =	vlt.s32 v13, v19  }
0x1f4: {  	s20 =	sadd.s32 $0x20, s20;
	vm6 =	vmand vm6, vm7  }
0x1f5: {  	vm5 =	vmor vm5, vm6;
	v20 =	vld [tilespmem:s20+$0xFFFFFFF0]  }
0x1f6: {  	vm5 =	vmxor vm5, vm3  }
0x1f7: {  	v14 =	vsel vm5, v14, v18;
	v13 =	vsel vm5, v13, v19  }
0x1f8: {  	v14 =	vperm.xlane v14, v2;
	v13 =	vperm.xlane v13, v2  }
0x1f9: {  	v12 =	vsel vm4, v12, v16;
	v15 =	vsel vm4, v15, v17  }
0x1fa: {  	vm4 =	veq.f32 v12, v14;
	vm5 =	vlt.s32 v15, v13  }
0x1fb: {  	vm6 =	vlt.f32 v12, v14;
	vm4 =	vmand vm4, vm5  }
0x1fc: {  	vm4 =	vmor vm6, vm4  }
0x1fd: {  	v17 =	vsel vm4, v12, v14;
	v12 =	vsel vm4, v14, v12;
	v14 =	vsel vm4, v13, v15;
	v16 =	vld.idx.msk [tilespmem:v20+s14+$0x0], $0xffff  }
0x1fe: {  	v13 =	vsel vm4, v15, v13;
	v15 =	vperm.xlane v12, v1;
	v18 =	vperm.xlane v14, v1  }
0x1ff: {  	s21 =	sadd.s32 $0x20, s21;
	v19 =	vperm.xlane v17, v1;
	v21 =	vperm.xlane v13, v1  }
0x200: {  	s0 =	sadd.s32 $0xFFFFFFF0, s21;
	vm4 =	vlt.f32 v12, v15;
	vm5 =	veq.f32 v12, v15;
	vm6 =	vlt.s32 v14, v18  }
0x201: {  	v22 =	vor.u32 s0, v0;
	vm7 =	veq.f32 v17, v19;
	vm5 =	vmand vm5, vm6  }
0x202: {  	vm8 =	vlt.f32 v17, v19;
	vm6 =	vlt.s32 v22, v9;
	vm4 =	vmor vm4, vm5  }
0x203: {  	v16 =	vnsel vm6, $0x7F800000, v16;
	vm4 =	vmxor vm4, vm2  }
0x204: {  	v15 =	vsel vm4, v12, v15;
	v14 =	vsel vm4, v14, v18;
	(xrf1) =	vsort.ascd.msk.f32 $0xffff, v16, v20  }
0x205: {  	v16 =	vperm.xlane v15, v3;
	v18 =	vperm.xlane v14, v3  }
0x206: {  	vm4 =	vlt.s32 v13, v21  }
0x207: {  	vm5 =	vlt.f32 v15, v16;
	vm6 =	veq.f32 v15, v16;
	vm9 =	vlt.s32 v14, v18  }
0x208: {  	vm4 =	vmand vm7, vm4;
	vm6 =	vmand vm6, vm9  }
0x209: {  	vm4 =	vmor vm8, vm4;
	vm5 =	vmor vm5, vm6  }
0x20a: {  	vm4 =	vmxor vm4, vm2;
	vm5 =	vmxor vm5, vm0  }
0x20b: {  	v12 =	vsel vm4, v17, v19;
	v16 =	vsel vm5, v15, v16;
	v17 =	vsel vm5, v14, v18  }
0x20c: {  	v13 =	vsel vm4, v13, v21;
	v20 =	vperm.xlane v16, v4;
	v21 =	vperm.xlane v17, v4  }
0x20d: {  	v14 =	vperm.xlane v12, v3;
	v15 =	vperm.xlane v13, v3  }
.Ltmp10:
0x20e: {  	vm4 =	vlt.f32 v16, v20;
	vm5 =	veq.f32 v16, v20;
	vm6 =	vlt.s32 v17, v21;
	(pc) =	sbr.rel @p1 .LBB2_18-.Ltmp10, $4  }
0x20f: {  	vm7 =	veq.f32 v12, v14;
	vm8 =	vlt.s32 v13, v15;
	vm5 =	vmand vm5, vm6  }
0x210: {  	vm7 =	vmand vm7, vm8;
	vm6 =	vlt.f32 v12, v14;
	vm4 =	vmor vm4, vm5  }
0x211: {  	vm5 =	vmor vm6, vm7;
	vm6 =	vmxor vm4, vm1  }
0x212: {  	vm4 =	vmxor vm5, vm0;
	v16 =	vsel vm6, v16, v20;
	v17 =	vsel vm6, v17, v21;
	v19, v18, _ =	vpop (xrf1)  }
.LBB2_19:
0x213: {  	v20 =	vperm.xlane @p0 v16, v5;
	v21 =	vperm.xlane @p0 v17, v5;
	_ =	sdelay $0x1  }
0x214: {  	vm5 =	veq.f32 @p0 v16, v20;
	vm6 =	vlt.s32 @p0 v17, v21  }
0x215: {  	vm7 =	vlt.f32 @p0 v16, v20;
	vm5 =	vmand @p0 vm5, vm6  }
0x216: {  	vm5 =	vmor @p0 vm7, vm5  }
0x217: {  	v19 =	vperm.xlane v19, v2;
	vm5 =	vmxor @p0 vm5, vm3  }
0x218: {  	v18 =	vperm.xlane v18, v2;
	v16 =	vsel @p0 vm5, v16, v20;
	v17 =	vsel @p0 vm5, v17, v21  }
0x219: {  	v16 =	vpsel p0, v16, v11;
	v17 =	vpsel p0, v17, v10  }
0x21a: {  	vm5 =	veq.f32 v16, v19;
	vm14 =	vlt.s32 v17, v18  }
0x21b: {  	vm15 =	vlt.f32 v16, v19;
	vm5 =	vmand vm5, vm14  }
0x21c: {  	vm5 =	vmor vm15, vm5  }
0x21d: {  	v16 =	vsel vm5, v16, v19;
	v17 =	vsel vm5, v17, v18  }
0x21e: {  	v45 =	vperm.xlane v16, v1;
	v46 =	vperm.xlane v17, v1;
	_ =	sdelay $0x1  }
0x21f: {  	vm5 =	veq.f32 v16, v45;
	vm9 =	vlt.s32 v17, v46  }
0x220: {  	vm10 =	vlt.f32 v16, v45;
	vm5 =	vmand vm5, vm9  }
0x221: {  	vm5 =	vmor vm10, vm5  }
0x222: {  	vm5 =	vmxor vm5, vm2  }
0x223: {  	v16 =	vsel vm5, v16, v45;
	v17 =	vsel vm5, v17, v46  }
0x224: {  	v18 =	vperm.xlane v16, v3;
	v19 =	vperm.xlane v17, v3;
	_ =	sdelay $0x1  }
0x225: {  	vm5 =	veq.f32 v16, v18;
	vm11 =	vlt.s32 v17, v19  }
0x226: {  	v13 =	vsel @p0 vm4, v13, v15;
	vm12 =	vlt.f32 v16, v18;
	vm5 =	vmand vm5, vm11  }
0x227: {  	v12 =	vsel @p0 vm4, v12, v14;
	v14 =	vperm.xlane @p0 v13, v4;
	vm4 =	vmor vm12, vm5  }
0x228: {  	v15 =	vperm.xlane @p0 v12, v4;
	vm4 =	vmxor vm4, vm0  }
0x229: {  	vm5 =	vlt.s32 @p0 v13, v14;
	v16 =	vsel vm4, v16, v18;
	v17 =	vsel vm4, v17, v19  }
0x22a: {  	vm4 =	veq.f32 @p0 v12, v15;
	v18 =	vperm.xlane v16, v4;
	v19 =	vperm.xlane v17, v4  }
0x22b: {  	vm6 =	vlt.f32 @p0 v12, v15;
	vm4 =	vmand @p0 vm4, vm5  }
0x22c: {  	vm4 =	vmor @p0 vm6, vm4;
	vm5 =	veq.f32 v16, v18;
	vm13 =	vlt.s32 v17, v19  }
0x22d: {  	vm4 =	vmxor @p0 vm4, vm1;
	vm14 =	vlt.f32 v16, v18;
	vm5 =	vmand vm5, vm13  }
0x22e: {  	v12 =	vsel @p0 vm4, v12, v15;
	vm5 =	vmor vm14, vm5  }
0x22f: {  	v13 =	vsel @p0 vm4, v13, v14;
	v14 =	vperm.xlane @p0 v12, v5;
	vm4 =	vmxor vm5, vm1  }
0x230: {  	v15 =	vperm.xlane @p0 v13, v5;
	v16 =	vsel vm4, v16, v18;
	v17 =	vsel vm4, v17, v19  }
0x231: {  	v18 =	vperm.xlane v16, v5;
	v19 =	vperm.xlane v17, v5  }
0x232: {  	vm4 =	vlt.f32 @p0 v12, v14;
	vm5 =	veq.f32 @p0 v12, v14  }
0x233: {  	vm6 =	vlt.s32 @p0 v13, v15;
	vm15 =	veq.f32 v16, v18;
	vm8 =	vlt.s32 v17, v19  }
0x234: {  	vm5 =	vmand @p0 vm5, vm6;
	vm10 =	vlt.f32 v16, v18;
	vm7 =	vmand vm15, vm8  }
0x235: {  	vm4 =	vmor @p0 vm4, vm5;
	vm5 =	vmor vm10, vm7  }
0x236: {  	vm4 =	vmxor @p0 vm4, vm3;
	vm5 =	vmxor vm5, vm3  }
0x237: {  	v12 =	vsel @p0 vm4, v12, v14;
	v14 =	vsel vm5, v16, v18;
	v47 =	vsel vm5, v17, v19  }
0x238: {  	v13 =	vsel @p0 vm4, v13, v15;
	v14 =	vperm.xlane v14, v2;
	v15 =	vperm.xlane v47, v2  }
0x239: {  	v11 =	vpsel p0, v12, v11;
	v10 =	vpsel p0, v13, v10  }
0x23a: {  	vm4 =	veq.f32 v11, v14;
	vm5 =	vlt.s32 v10, v15  }
0x23b: {  	v12 =	vld [tilespmem:s20+$0x0];
	vm11 =	vlt.f32 v11, v14;
	vm4 =	vmand vm4, vm5  }
0x23c: {  	vm4 =	vmor vm11, vm4  }
0x23d: {  	v13 =	vsel vm4, v14, v11;
	v16 =	vsel vm4, v15, v10  }
0x23e: {  	v48 =	vperm.xlane v13, v1;
	v49 =	vperm.xlane v16, v1;
	_ =	sdelay $0x1  }
0x23f: {  	vm5 =	veq.f32 v13, v48;
	vm12 =	vlt.s32 v16, v49  }
0x240: {  	vm13 =	vlt.f32 v13, v48;
	vm5 =	vmand vm5, vm12  }
0x241: {  	vm5 =	vmor vm13, vm5  }
0x242: {  	v50 =	vld.idx.msk [tilespmem:v12+s14+$0x0], $0xffff;
	vm5 =	vmxor vm5, vm2  }
0x243: {  	v13 =	vsel vm5, v13, v48;
	v16 =	vsel vm5, v16, v49  }
0x244: {  	v17 =	vperm.xlane v13, v3;
	v18 =	vperm.xlane v16, v3  }
0x245: {  	v51 =	vor.u32 s21, v0  }
0x246: {  	vm5 =	vlt.s32 v51, v9;
	vm14 =	veq.f32 v13, v17;
	vm15 =	vlt.s32 v16, v18  }
0x247: {  	v19 =	vnsel vm5, $0x7F800000, v50;
	vm5 =	vlt.f32 v13, v17;
	vm6 =	vmand vm14, vm15  }
0x248: {  	(xrf1) =	vsort.ascd.msk.f32 $0xffff, v19, v12;
	vm5 =	vmor vm5, vm6  }
0x249: {  	vm5 =	vmxor vm5, vm0  }
0x24a: {  	v12 =	vsel vm5, v13, v17;
	v13 =	vsel vm5, v16, v18  }
0x24b: {  	v52 =	vperm.xlane v12, v4;
	v53 =	vperm.xlane v13, v4;
	_ =	sdelay $0x1  }
0x24c: {  	vm5 =	veq.f32 v12, v52;
	vm9 =	vlt.s32 v13, v53  }
0x24d: {  	vm10 =	vlt.f32 v12, v52;
	vm5 =	vmand vm5, vm9  }
0x24e: {  	vm5 =	vmor vm10, vm5  }
0x24f: {  	vm5 =	vmxor vm5, vm1  }
0x250: {  	v12 =	vsel vm5, v12, v52;
	v13 =	vsel vm5, v13, v53  }
0x251: {  	v16 =	vperm.xlane v12, v5;
	v17 =	vperm.xlane v13, v5;
	_ =	sdelay $0x1  }
0x252: {  	vm5 =	veq.f32 v12, v16;
	vm11 =	vlt.s32 v13, v17  }
0x253: {  	vm12 =	vlt.f32 v12, v16;
	vm5 =	vmand vm5, vm11  }
0x254: {  	v54, v19, _ =	vpop (xrf1);
	vm5 =	vmor vm12, vm5  }
0x255: {  	v18 =	vperm.xlane v54, v2;
	v19 =	vperm.xlane v19, v2;
	vm5 =	vmxor vm5, vm3  }
0x256: {  	v10 =	vsel vm4, v10, v15;
	v12 =	vsel vm5, v12, v16;
	v13 =	vsel vm5, v13, v17  }
0x257: {  	v11 =	vsel vm4, v11, v14;
	vm4 =	veq.f32 v12, v18;
	vm5 =	vlt.s32 v13, v19  }
0x258: {  	v14 =	vperm.xlane v11, v1;
	vm13 =	vlt.f32 v12, v18;
	vm4 =	vmand vm4, vm5  }
0x259: {  	v15 =	vperm.xlane v10, v1;
	vm4 =	vmor vm13, vm4  }
0x25a: {  	vm5 =	veq.f32 v11, v14;
	v12 =	vsel vm4, v12, v18;
	v13 =	vsel vm4, v13, v19  }
0x25b: {  	vm4 =	vlt.s32 v10, v15;
	v55 =	vperm.xlane v12, v1;
	v56 =	vperm.xlane v13, v1  }
0x25c: {  	vm14 =	vlt.f32 v11, v14;
	vm4 =	vmand vm5, vm4  }
0x25d: {  	vm4 =	vmor vm14, vm4;
	vm5 =	veq.f32 v12, v55;
	vm15 =	vlt.s32 v13, v56  }
0x25e: {  	vm4 =	vmxor vm4, vm2;
	vm9 =	vlt.f32 v12, v55;
	vm5 =	vmand vm5, vm15  }
0x25f: {  	v11 =	vsel vm4, v11, v14;
	vm5 =	vmor vm9, vm5  }
0x260: {  	v10 =	vsel vm4, v10, v15;
	v14 =	vperm.xlane v11, v3;
	vm4 =	vmxor vm5, vm2  }
0x261: {  	v15 =	vperm.xlane v10, v3;
	v12 =	vsel vm4, v12, v55;
	v13 =	vsel vm4, v13, v56  }
0x262: {  	v16 =	vperm.xlane v12, v3;
	v17 =	vperm.xlane v13, v3  }
0x263: {  	vm4 =	vlt.f32 v11, v14;
	vm5 =	veq.f32 v11, v14;
	vm10 =	vlt.s32 v10, v15  }
0x264: {  	vm5 =	vmand vm5, vm10;
	vm11 =	veq.f32 v12, v16;
	vm12 =	vlt.s32 v13, v17  }
0x265: {  	vm4 =	vmor vm4, vm5;
	vm5 =	vlt.f32 v12, v16;
	vm6 =	vmand vm11, vm12  }
0x266: {  	vm4 =	vmxor vm4, vm0;
	vm5 =	vmor vm5, vm6  }
0x267: {  	v11 =	vsel vm4, v11, v14;
	vm5 =	vmxor vm5, vm0  }
0x268: {  	v14 =	vperm.xlane v11, v4;
	v12 =	vsel vm5, v12, v16;
	v13 =	vsel vm5, v13, v17  }
0x269: {  	v10 =	vsel vm4, v10, v15;
	v15 =	vperm.xlane v12, v4;
	v57 =	vperm.xlane v13, v4  }
0x26a: {  	v58 =	vperm.xlane v10, v4  }
0x26b: {  	vm4 =	veq.f32 v11, v14;
	vm5 =	veq.f32 v12, v15;
	vm13 =	vlt.s32 v13, v57  }
0x26c: {  	vm14 =	vlt.s32 v10, v58;
	vm15 =	vlt.f32 v12, v15;
	vm5 =	vmand vm5, vm13  }
0x26d: {  	vm12 =	vlt.f32 v11, v14;
	vm4 =	vmand vm4, vm14;
	vm5 =	vmor vm15, vm5  }
0x26e: {  	vm4 =	vmor vm12, vm4;
	vm5 =	vmxor vm5, vm1  }
0x26f: {  	vm4 =	vmxor vm4, vm1;
	v12 =	vsel vm5, v12, v15;
	v13 =	vsel vm5, v13, v57  }
0x270: {  	v11 =	vsel vm4, v11, v14;
	v14 =	vperm.xlane v12, v5;
	v15 =	vperm.xlane v13, v5  }
0x271: {  	v10 =	vsel vm4, v10, v58;
	v59 =	vperm.xlane v11, v5  }
0x272: {  	v17 =	vperm.xlane v10, v5;
	vm4 =	veq.f32 v12, v14;
	vm5 =	vlt.s32 v13, v15  }
0x273: {  	vm13 =	vlt.f32 v12, v14;
	vm4 =	vmand vm4, vm5  }
0x274: {  	vm14 =	vlt.s32 v10, v17;
	vm5 =	veq.f32 v11, v59;
	vm4 =	vmor vm13, vm4  }
0x275: {  	vm15 =	vlt.f32 v11, v59;
	vm5 =	vmand vm5, vm14;
	vm4 =	vmxor vm4, vm3  }
0x276: {  	vm5 =	vmor vm15, vm5;
	v12 =	vsel vm4, v12, v14;
	v13 =	vsel vm4, v13, v15  }
0x277: {  	vm4 =	vmxor vm5, vm3;
	v12 =	vperm.xlane v12, v2;
	v13 =	vperm.xlane v13, v2  }
0x278: {  	v11 =	vsel vm4, v11, v59;
	v10 =	vsel vm4, v10, v17  }
0x279: {  	vm4 =	veq.f32 v11, v12;
	vm5 =	vlt.s32 v10, v13  }
0x27a: {  	vm9 =	vlt.f32 v11, v12;
	vm4 =	vmand vm4, vm5  }
0x27b: {  	vm4 =	vmor vm9, vm4  }
0x27c: {  	v14 =	vsel vm4, v12, v11;
	v15 =	vsel vm4, v13, v10  }
0x27d: {  	v60 =	vperm.xlane v14, v1;
	v61 =	vperm.xlane v15, v1  }
0x27e: {  	v11 =	vsel vm4, v11, v12  }
0x27f: {  	v10 =	vsel vm4, v10, v13;
	vm4 =	veq.f32 v14, v60;
	vm5 =	vlt.s32 v15, v61  }
0x280: {  	v12 =	vperm.xlane v11, v1;
	vm10 =	vlt.f32 v14, v60;
	vm4 =	vmand vm4, vm5  }
0x281: {  	v13 =	vperm.xlane v10, v1;
	vm4 =	vmor vm10, vm4  }
0x282: {  	vm11 =	vlt.f32 v11, v12;
	vm4 =	vmxor vm4, vm2  }
0x283: {  	vm12 =	vlt.s32 v10, v13;
	vm5 =	veq.f32 v11, v12;
	v14 =	vsel vm4, v14, v60  }
0x284: {  	v15 =	vsel vm4, v15, v61;
	vm4 =	vmand vm5, vm12;
	v16 =	vperm.xlane v14, v3  }
0x285: {  	v17 =	vperm.xlane v15, v3;
	vm4 =	vmor vm11, vm4  }
0x286: {  	vm4 =	vmxor vm4, vm2;
	vm5 =	vlt.f32 v14, v16;
	vm13 =	veq.f32 v14, v16  }
0x287: {  	vm14 =	vlt.s32 v15, v17;
	v11 =	vsel vm4, v11, v12;
	v10 =	vsel vm4, v10, v13  }
0x288: {  	vm4 =	vmand vm13, vm14;
	v12 =	vperm.xlane v11, v3;
	v13 =	vperm.xlane v10, v3  }
0x289: {  	vm4 =	vmor vm5, vm4  }
0x28a: {  	vm4 =	vmxor vm4, vm0;
	vm5 =	veq.f32 v11, v12;
	vm15 =	vlt.s32 v10, v13  }
0x28b: {  	vm9 =	vlt.f32 v11, v12;
	v14 =	vsel vm4, v14, v16;
	vm5 =	vmand vm5, vm15  }
0x28c: {  	v15 =	vsel vm4, v15, v17;
	v16 =	vperm.xlane v14, v4;
	vm4 =	vmor vm9, vm5  }
0x28d: {  	v17 =	vperm.xlane v15, v4;
	vm4 =	vmxor vm4, vm0  }
0x28e: {  	vm5 =	veq.f32 v14, v16;
	v11 =	vsel vm4, v11, v12;
	v10 =	vsel vm4, v10, v13  }
0x28f: {  	vm4 =	vlt.s32 v15, v17;
	v12 =	vperm.xlane v10, v4;
	v13 =	vperm.xlane v11, v4  }
0x290: {  	vm10 =	vlt.f32 v14, v16;
	vm4 =	vmand vm5, vm4  }
0x291: {  	vm4 =	vmor vm10, vm4;
	vm5 =	vlt.s32 v10, v12;
	vm11 =	veq.f32 v11, v13  }
0x292: {  	vm4 =	vmxor vm4, vm1;
	vm12 =	vlt.f32 v11, v13;
	vm5 =	vmand vm11, vm5  }
0x293: {  	v14 =	vsel vm4, v14, v16;
	vm5 =	vmor vm12, vm5  }
0x294: {  	v15 =	vsel vm4, v15, v17;
	v16 =	vperm.xlane v14, v5;
	vm4 =	vmxor vm5, vm1  }
0x295: {  	v17 =	vperm.xlane v15, v5;
	v11 =	vsel vm4, v11, v13;
	v10 =	vsel vm4, v10, v12  }
0x296: {  	v62 =	vperm.xlane v11, v5;
	v63 =	vperm.xlane v10, v5  }
0x297: {  	vm4 =	veq.f32 v14, v16;
	vm5 =	vlt.s32 v15, v17;
	vm13 =	vlt.f32 v14, v16  }
.Ltmp11:
0x298: {  	vm4 =	vmand vm4, vm5;
	vm5 =	veq.f32 v11, v62;
	vm14 =	vlt.s32 v10, v63;
	(pc) =	sbr.rel .LBB2_10-.Ltmp11, $4  }
0x299: {  	vm4 =	vmor vm13, vm4;
	vm15 =	vlt.f32 v11, v62;
	vm5 =	vmand vm5, vm14  }
0x29a: {  	vm4 =	vmxor vm4, vm3;
	vm5 =	vmor vm15, vm5  }
0x29b: {  	v13 =	vsel vm4, v14, v16;
	vm5 =	vmxor vm5, vm3  }
0x29c: {  	v12 =	vsel vm4, v15, v17;
	v11 =	vsel vm5, v11, v62;
	v10 =	vsel vm5, v10, v63  }
.LBB2_9:
0x29d: {  	v10 =	vimm.s32 $0x40000000  }
0x29e: {  	v11 =	vimm.f32 $+Inf;
	v13 =	vimm.f32 $+Inf;
	v12 =	vimm.s32 $0x40000000  }
.LBB2_10:
0x29f: {  	s0 =	ssub.s32 s18, s19  }
0x2a0: {  	p0 =	slt.s32 s0, $0x1  }
.Ltmp12:
0x2a1: {  	_ = 	snop;
	(pc) =	sbr.rel @p0 .LBB2_12-.Ltmp12, $1  }
0x2a2: {  	_ =	sdelay $0x3  }
0x2a3: {  	s0 =	sshll.u32 s19, $0x4  }
0x2a4: {  	v14 =	vld [tilespmem:s0+$0xA000];
	_ =	sdelay $0x7  }
0x2a5: {  	v15 =	vld.idx.msk [tilespmem:v14+s14+$0x0], $0xffff;
	_ =	sdelay $0x2  }
0x2a6: {  	v16 =	vor.u32 s0, v0  }
0x2a7: {  	vm4 =	vlt.s32 v16, v9  }
0x2a8: {  	v9 =	vnsel vm4, $0x7F800000, v15  }
0x2a9: {  	(xrf1) =	vsort.ascd.msk.f32 $0xffff, v9, v14;
	_ =	sdelay $0xd  }
0x2aa: {  	v9, v14, _ =	vpop (xrf1)  }
0x2ab: {  	v9 =	vperm.xlane v9, v2;
	v14 =	vperm.xlane v14, v2;
	_ =	sdelay $0x1  }
0x2ac: {  	vm4 =	veq.f32 v13, v9;
	vm5 =	vlt.s32 v12, v14  }
0x2ad: {  	vm6 =	vlt.f32 v13, v9;
	vm4 =	vmand vm4, vm5  }
0x2ae: {  	vm4 =	vmor vm6, vm4  }
0x2af: {  	v9 =	vsel vm4, v13, v9;
	v12 =	vsel vm4, v12, v14  }
0x2b0: {  	v13 =	vperm.xlane v9, v1;
	v14 =	vperm.xlane v12, v1;
	_ =	sdelay $0x1  }
0x2b1: {  	vm4 =	veq.f32 v9, v13;
	vm5 =	vlt.s32 v12, v14  }
0x2b2: {  	vm14 =	vlt.f32 v9, v13;
	vm4 =	vmand vm4, vm5  }
0x2b3: {  	vm4 =	vmor vm14, vm4  }
0x2b4: {  	vm4 =	vmxor vm4, vm2  }
0x2b5: {  	v9 =	vsel vm4, v9, v13;
	v12 =	vsel vm4, v12, v14  }
0x2b6: {  	v13 =	vperm.xlane v9, v3;
	v14 =	vperm.xlane v12, v3;
	_ =	sdelay $0x1  }
0x2b7: {  	vm4 =	veq.f32 v9, v13;
	vm5 =	vlt.s32 v12, v14  }
0x2b8: {  	vm15 =	vlt.f32 v9, v13;
	vm4 =	vmand vm4, vm5  }
0x2b9: {  	vm4 =	vmor vm15, vm4  }
0x2ba: {  	vm4 =	vmxor vm4, vm0  }
0x2bb: {  	v9 =	vsel vm4, v9, v13;
	v12 =	vsel vm4, v12, v14  }
0x2bc: {  	v13 =	vperm.xlane v9, v4;
	v14 =	vperm.xlane v12, v4;
	_ =	sdelay $0x1  }
0x2bd: {  	vm4 =	veq.f32 v9, v13;
	vm5 =	vlt.s32 v12, v14  }
0x2be: {  	vm9 =	vlt.f32 v9, v13;
	vm4 =	vmand vm4, vm5  }
0x2bf: {  	vm4 =	vmor vm9, vm4  }
0x2c0: {  	vm4 =	vmxor vm4, vm1  }
0x2c1: {  	v9 =	vsel vm4, v9, v13;
	v12 =	vsel vm4, v12, v14  }
0x2c2: {  	v13 =	vperm.xlane v9, v5;
	v14 =	vperm.xlane v12, v5;
	_ =	sdelay $0x1  }
0x2c3: {  	vm4 =	veq.f32 v9, v13;
	vm5 =	vlt.s32 v12, v14  }
0x2c4: {  	vm10 =	vlt.f32 v9, v13;
	vm4 =	vmand vm4, vm5  }
0x2c5: {  	vm4 =	vmor vm10, vm4  }
0x2c6: {  	vm4 =	vmxor vm4, vm3  }
0x2c7: {  	v9 =	vsel vm4, v9, v13;
	v12 =	vsel vm4, v12, v14  }
0x2c8: {  	v9 =	vperm.xlane v9, v2;
	v12 =	vperm.xlane v12, v2;
	_ =	sdelay $0x1  }
0x2c9: {  	vm4 =	veq.f32 v11, v9;
	vm5 =	vlt.s32 v10, v12  }
0x2ca: {  	vm11 =	vlt.f32 v11, v9;
	vm4 =	vmand vm4, vm5  }
0x2cb: {  	vm4 =	vmor vm11, vm4  }
0x2cc: {  	v13 =	vsel vm4, v11, v9;
	v14 =	vsel vm4, v10, v12  }
0x2cd: {  	v15 =	vperm.xlane v13, v1;
	v63 =	vperm.xlane v14, v1  }
0x2ce: {  	v9 =	vsel vm4, v9, v11;
	v10 =	vsel vm4, v12, v10  }
0x2cf: {  	v11 =	vperm.xlane v9, v1;
	vm5 =	veq.f32 v13, v15;
	vm12 =	vlt.s32 v14, v63  }
0x2d0: {  	v12 =	vperm.xlane v10, v1;
	vm4 =	vlt.f32 v13, v15;
	vm5 =	vmand vm5, vm12  }
0x2d1: {  	vm4 =	vmor vm4, vm5  }
0x2d2: {  	vm13 =	vlt.s32 v10, v12;
	vm5 =	veq.f32 v9, v11;
	vm4 =	vmxor vm4, vm2  }
0x2d3: {  	vm7 =	vlt.f32 v9, v11;
	vm5 =	vmand vm5, vm13;
	v13 =	vsel vm4, v13, v15  }
0x2d4: {  	v14 =	vsel vm4, v14, v63;
	vm4 =	vmor vm7, vm5;
	v15 =	vperm.xlane v13, v3  }
0x2d5: {  	v16 =	vperm.xlane v14, v3;
	vm4 =	vmxor vm4, vm2  }
0x2d6: {  	v9 =	vsel vm4, v9, v11;
	v10 =	vsel vm4, v10, v12;
	vm5 =	veq.f32 v13, v15  }
0x2d7: {  	vm4 =	vlt.s32 v14, v16;
	v11 =	vperm.xlane v9, v3;
	v12 =	vperm.xlane v10, v3  }
0x2d8: {  	vm14 =	vlt.f32 v13, v15;
	vm4 =	vmand vm5, vm4  }
0x2d9: {  	vm4 =	vmor vm14, vm4;
	vm5 =	veq.f32 v9, v11;
	vm15 =	vlt.s32 v10, v12  }
0x2da: {  	vm9 =	vlt.f32 v9, v11;
	vm4 =	vmxor vm4, vm0;
	vm5 =	vmand vm5, vm15  }
0x2db: {  	v13 =	vsel vm4, v13, v15;
	vm5 =	vmor vm9, vm5  }
0x2dc: {  	v14 =	vsel vm4, v14, v16;
	v15 =	vperm.xlane v13, v4;
	vm4 =	vmxor vm5, vm0  }
0x2dd: {  	v16 =	vperm.xlane v14, v4;
	v9 =	vsel vm4, v9, v11;
	v10 =	vsel vm4, v10, v12  }
0x2de: {  	v11 =	vperm.xlane v9, v4;
	v12 =	vperm.xlane v10, v4  }
0x2df: {  	vm4 =	veq.f32 v13, v15;
	vm5 =	vlt.s32 v14, v16  }
0x2e0: {  	vm4 =	vmand vm4, vm5;
	vm5 =	veq.f32 v9, v11;
	vm10 =	vlt.s32 v10, v12  }
0x2e1: {  	vm11 =	vlt.f32 v13, v15;
	vm12 =	vlt.f32 v9, v11;
	vm5 =	vmand vm5, vm10  }
0x2e2: {  	vm4 =	vmor vm11, vm4;
	vm5 =	vmor vm12, vm5  }
0x2e3: {  	vm4 =	vmxor vm4, vm1;
	vm5 =	vmxor vm5, vm1  }
0x2e4: {  	v13 =	vsel vm4, v13, v15;
	v9 =	vsel vm5, v9, v11;
	v10 =	vsel vm5, v10, v12  }
0x2e5: {  	v11 =	vsel vm4, v14, v16;
	v12 =	vperm.xlane v9, v5;
	v14 =	vperm.xlane v10, v5  }
0x2e6: {  	v15 =	vperm.xlane v13, v5;
	v16 =	vperm.xlane v11, v5  }
0x2e7: {  	vm4 =	veq.f32 v9, v12;
	vm5 =	vlt.s32 v10, v14  }
.Ltmp13:
0x2e8: {  	vm13 =	vlt.s32 v11, v16;
	vm4 =	vmand vm4, vm5;
	vm5 =	veq.f32 v13, v15;
	(pc) =	sbr.rel .LBB2_12-.Ltmp13, $4  }
0x2e9: {  	vm15 =	vlt.f32 v13, v15;
	vm14 =	vlt.f32 v9, v12;
	vm5 =	vmand vm5, vm13  }
0x2ea: {  	vm4 =	vmor vm14, vm4;
	vm5 =	vmor vm15, vm5  }
0x2eb: {  	vm4 =	vmxor vm4, vm3;
	vm5 =	vmxor vm5, vm3  }
0x2ec: {  	v12 =	vsel vm4, v10, v14;
	v10 =	vsel vm5, v11, v16  }
.LBB2_16:
.Ltmp14:
0x2ed: {  	(pc) =	sbr.rel .LBB2_19-.Ltmp14, $2  }
0x2ee: {  	_ =	sdelay $0x2  }
0x2ef: {  	_ = 	snop  }
.LBB2_14:
0x2f0: {  	_ =	sfence.sel $0x180000  }
0x2f1: {  	[bflag:$0x0] =	sbarrier.arrive $0xFFFF  }
0x2f2: {  	_ =	strace $0x9000004A  }
0x2f3: {  	s0 =	stileid.u32;
	[bflag:$0x2] =	sbarrier.arrive $0xFFFF  }
0x2f4: {  	p0 =	sne.s32 s0, $0x0;
	s0 =	rddreg [dreg:$0x2]  }
0x2f5: {  	s0 =	sadd.s32 @!p0 $0x100000, s0  }
0x2f6: {  	[sflag:s0] =	ssyncadd.tile.s32 @!p0 $0x1;
	_ =	shalt  }
.Lfunc_end2:
_tile_overlayer_lowered:
.L_overlay_start_2:
0x2f7: {  	(tag) =	ssettag $0x2  }
0x2f8: {  	s0 =	rddreg [dreg:$0x0];
	s2 =	stileid.u32  }
0x2f9: {  	s1 =	rddreg [dreg:$0x1];
	p0 =	sne.s32 s2, $0x0  }
0x2fa: {  	s3 =	rddreg [dreg:$0x2];
	[bflag:$0x3] =	sbarrier.arrive $0xFFFF;
	s2 =	simm.s32 @!p0 $0x1C01  }
0x2fb: {  	[timem:s3], [sflag:s2] =	dma.local @!p0 [hbm:s0], s1  }
0x2fc: {  	s0 =	simm.s32 @!p0 $0x1  }
0x2fd: {  	_ =	swait.ge @!p0 [sflag:s0], s1  }
0x2fe: {  	s1 =	ssub.s32 @!p0 $0x0, s1;
	[sflag:s0] =	ssyncset.done @!p0 $0x0  }
0x2ff: {  	[sflag:s0] =	ssyncadd.s32 @!p0 s1  }
0x300: {  	[bflag:$0x3] =	sbarrier.arrive $0xFFFF  }
0x301: {  	_ =	shalt  }

</sc_bundles>
